<compile_context>
chip_gen: v7x
topology: tpu7x:2x2x1
jax: 0.10.2.dev20260603
libtpu: 0.0.44.dev20260713+nightly
codegen_flags: <defaults>
</compile_context>

<pallas_src>
import functools

import jax
import jax.numpy as jnp
from jax import lax
from jax.experimental import pallas as pl
from jax.experimental.pallas import tpu as pltpu
from jax.experimental.pallas import tpu_sc as plsc

_N = 10000
_E = 320000
_D = 128
_G = 64
_BN_EPS = 1e-5

_NC = 2
_NS = 16
_NW = _NC * _NS
_CHUNK = 125
_EPW = _E // _NW
_NCHUNK = _EPW // _CHUNK
_NP = 10240
_RPS = _NP // _NS


@functools.lru_cache(maxsize=None)
def _make_seg_sum(F):
  mesh = plsc.VectorSubcoreMesh(core_axis_name="c", subcore_axis_name="s",
                                num_cores=_NC, num_subcores=_NS)

  @functools.partial(
      pl.kernel,
      out_type=jax.ShapeDtypeStruct((_NC, _NP, F), jnp.float32),
      mesh=mesh,
      compiler_params=pltpu.CompilerParams(use_tc_tiling_on_sc=False),
      scratch_types=[
          pltpu.VMEM((_NCHUNK, _CHUNK), jnp.int32),
          pltpu.VMEM((_NCHUNK, _CHUNK), jnp.int32),
          pltpu.VMEM((6, _CHUNK, F), jnp.float32),
          pltpu.VMEM_SHARED((_NP, F), jnp.float32),
          pltpu.SemaphoreType.DMA,
          pltpu.SemaphoreType.DMA,
          pltpu.SemaphoreType.DMA,
          pltpu.SemaphoreType.DMA,
          pltpu.SemaphoreType.DMA,
          pltpu.SemaphoreType.DMA,
          pltpu.SemaphoreType.DMA,
          pltpu.SemaphoreType.DMA,
          pltpu.SemaphoreType.DMA,
          pltpu.SemaphoreType.DMA,
          pltpu.SemaphoreType.DMA,
          pltpu.SemaphoreType.DMA,
      ],
  )
  def seg_sum(feat, src2d, dst2d, zeros, out, src_v, dst_v, rows_v, acc,
              gs0, gs1, gs2, gs3, gs4, gs5, ss0, ss1, ss2, ss3, ss4, ss5):
    cid = lax.axis_index("c")
    sid = lax.axis_index("s")
    wid = sid * _NC + cid
    pltpu.sync_copy(zeros.at[pl.ds(sid * _RPS, _RPS)],
                    acc.at[pl.ds(sid * _RPS, _RPS)])
    pltpu.sync_copy(src2d.at[pl.ds(wid * _NCHUNK, _NCHUNK)], src_v)
    pltpu.sync_copy(dst2d.at[pl.ds(wid * _NCHUNK, _NCHUNK)], dst_v)
    plsc.subcore_barrier()

    nb = 6
    gsems = (gs0, gs1, gs2, gs3, gs4, gs5)
    ssems = (ss0, ss1, ss2, ss3, ss4, ss5)
    for b in range(nb - 1):
      pltpu.async_copy(feat.at[src_v.at[b]], rows_v.at[b], gsems[b])

    def body(j, carry):
      for b in range(nb):

        @pl.when(lax.rem(j, nb) == b)
        def _():
          pltpu.make_async_copy(feat.at[src_v.at[j]], rows_v.at[b],
                                gsems[b]).wait()
          pltpu.async_copy(rows_v.at[b], acc.at[dst_v.at[j]], ssems[b],
                           add=True)
          bn = (b + nb - 1) % nb
          jn = j + nb - 1

          @pl.when(jn < _NCHUNK)
          def _():

            @pl.when(j >= 1)
            def _():
              pltpu.make_async_copy(rows_v.at[bn], acc.at[dst_v.at[0]],
                                    ssems[bn]).wait()

            pltpu.async_copy(feat.at[src_v.at[jn]], rows_v.at[bn], gsems[bn])

      return carry

    lax.fori_loop(0, _NCHUNK, body, 0)
    for b in range(nb):
      pltpu.make_async_copy(rows_v.at[b], acc.at[dst_v.at[0]],
                            ssems[b]).wait()
    plsc.subcore_barrier()
    pltpu.sync_copy(acc.at[pl.ds(sid * _RPS, _RPS)],
                    out.at[cid, pl.ds(sid * _RPS, _RPS)])

  return seg_sum


def _proj_body(x_ref, w_ref, o_ref):
  o_ref[...] = jnp.dot(x_ref[...], w_ref[...],
                       preferred_element_type=jnp.float32, precision=jax.lax.Precision.HIGHEST)


def _proj(x, W1):
  return pl.pallas_call(
      _proj_body,
      grid=(10,),
      in_specs=[
          pl.BlockSpec((_N // 10, _D), lambda i: (i, 0)),
          pl.BlockSpec((_D, 32), lambda i: (0, 0)),
      ],
      out_specs=pl.BlockSpec((_N // 10, 32), lambda i: (i, 0)),
      out_shape=jax.ShapeDtypeStruct((_N, 32), jnp.float32),
  )(x, W1)


def _mlp1_body(xp_ref, parts_ref, b1_ref, w2_ref, b2_ref, g1_ref, be1_ref,
               rm1_ref, rv1_ref, o_ref):
  t = xp_ref[...] + parts_ref[0] + parts_ref[1] + b1_ref[...]
  t = jnp.maximum(t, 0.0)
  t = jnp.dot(t, w2_ref[...], preferred_element_type=jnp.float32, precision=jax.lax.Precision.HIGHEST) + b2_ref[...]
  t = jnp.maximum(t, 0.0)
  scale = g1_ref[...] * lax.rsqrt(rv1_ref[...] + _BN_EPS)
  t = (t - rm1_ref[...]) * scale + be1_ref[...]
  o_ref[...] = jnp.maximum(t, 0.0)


def _mlp1(xp, parts, b1, W2, b2, g1, be1, rm1, rv1):
  blk = _N // 10
  return pl.pallas_call(
      _mlp1_body,
      grid=(10,),
      in_specs=[
          pl.BlockSpec((blk, 32), lambda i: (i, 0)),
          pl.BlockSpec((_NC, blk, 32), lambda i: (0, i, 0)),
          pl.BlockSpec((1, 32), lambda i: (0, 0)),
          pl.BlockSpec((32, 16), lambda i: (0, 0)),
          pl.BlockSpec((1, 16), lambda i: (0, 0)),
          pl.BlockSpec((1, 16), lambda i: (0, 0)),
          pl.BlockSpec((1, 16), lambda i: (0, 0)),
          pl.BlockSpec((1, 16), lambda i: (0, 0)),
          pl.BlockSpec((1, 16), lambda i: (0, 0)),
      ],
      out_specs=pl.BlockSpec((blk, 16), lambda i: (i, 0)),
      out_shape=jax.ShapeDtypeStruct((_N, 16), jnp.float32),
  )(xp, parts, b1, W2, b2, g1, be1, rm1, rv1)


def _mlp2_body(h_ref, parts_ref, w3_ref, b3_ref, w4_ref, b4_ref, g2_ref,
               be2_ref, rm2_ref, rv2_ref, o_ref):
  t = h_ref[...] + parts_ref[0] + parts_ref[1]
  t = jnp.dot(t, w3_ref[...], preferred_element_type=jnp.float32, precision=jax.lax.Precision.HIGHEST) + b3_ref[...]
  t = jnp.maximum(t, 0.0)
  t = jnp.dot(t, w4_ref[...], preferred_element_type=jnp.float32, precision=jax.lax.Precision.HIGHEST) + b4_ref[...]
  t = jnp.maximum(t, 0.0)
  scale = g2_ref[...] * lax.rsqrt(rv2_ref[...] + _BN_EPS)
  t = (t - rm2_ref[...]) * scale + be2_ref[...]
  o_ref[...] = jnp.maximum(t, 0.0)


def _mlp2(h, parts, W3, b3, W4, b4, g2, be2, rm2, rv2):
  blk = _N // 10
  return pl.pallas_call(
      _mlp2_body,
      grid=(10,),
      in_specs=[
          pl.BlockSpec((blk, 16), lambda i: (i, 0)),
          pl.BlockSpec((_NC, blk, 16), lambda i: (0, i, 0)),
          pl.BlockSpec((16, 16), lambda i: (0, 0)),
          pl.BlockSpec((1, 16), lambda i: (0, 0)),
          pl.BlockSpec((16, 16), lambda i: (0, 0)),
          pl.BlockSpec((1, 16), lambda i: (0, 0)),
          pl.BlockSpec((1, 16), lambda i: (0, 0)),
          pl.BlockSpec((1, 16), lambda i: (0, 0)),
          pl.BlockSpec((1, 16), lambda i: (0, 0)),
          pl.BlockSpec((1, 16), lambda i: (0, 0)),
      ],
      out_specs=pl.BlockSpec((blk, 16), lambda i: (i, 0)),
      out_shape=jax.ShapeDtypeStruct((_N, 16), jnp.float32),
  )(h, parts, W3, b3, W4, b4, g2, be2, rm2, rv2)


def _pool_body(h2_ref, h2p_ref, bt_ref, bp_ref, wfa_ref, wfb_ref, bf_ref,
               o_ref):
  hp = jax.lax.Precision.HIGHEST
  h2 = h2_ref[...]
  h2p = h2p_ref[...]
  bt = bt_ref[...]
  bp = bp_ref[...]
  rows = lax.broadcasted_iota(jnp.int32, (_G, 1), 0)

  oht = (lax.broadcasted_iota(jnp.int32, (_G, _N), 0).astype(jnp.float32)
         == bt).astype(jnp.float32)
  xsum = jnp.dot(oht, h2, preferred_element_type=jnp.float32, precision=hp)
  cnt = jnp.dot(oht, jnp.ones((_N, 1), jnp.float32),
                preferred_element_type=jnp.float32, precision=hp)
  xmean = xsum / jnp.maximum(cnt, 1.0)

  def body(g, xmax):
    t = jnp.where(bp == g.astype(jnp.float32), h2p, -jnp.inf)
    r = jnp.max(t, axis=0, keepdims=True)
    r = jnp.maximum(r[:, :64], r[:, 64:])
    r = jnp.maximum(r[:, :32], r[:, 32:])
    r = jnp.maximum(r[:, :16], r[:, 16:])
    return jnp.where(rows == g, r, xmax)

  xmax = lax.fori_loop(0, _G, body,
                       jnp.full((_G, 16), -jnp.inf, jnp.float32))
  o_ref[...] = (jnp.dot(xmax, wfa_ref[...],
                        preferred_element_type=jnp.float32, precision=hp)
                + jnp.dot(xmean, wfb_ref[...],
                          preferred_element_type=jnp.float32, precision=hp)
                + bf_ref[...])


def _pool(h2, h2p, batcht, batchp, Wfa, Wfb, bf):
  return pl.pallas_call(
      _pool_body,
      out_shape=jax.ShapeDtypeStruct((_G, 2), jnp.float32),
  )(h2, h2p, batcht, batchp, Wfa, Wfb, bf)


def kernel(x, edge_index, batch, W1, b1, W2, b2, g1, be1, rm1, rv1,
           W3, b3, W4, b4, g2, be2, rm2, rv2, Wf, bf):
  src2d = edge_index[0].reshape(_NW * _NCHUNK, _CHUNK)
  dst2d = edge_index[1].reshape(_NW * _NCHUNK, _CHUNK)
  zeros32 = jnp.zeros((_NP, 32), jnp.float32)
  zeros16 = jnp.zeros((_NP, 16), jnp.float32)

  xp = _proj(x, W1)
  parts1 = _make_seg_sum(32)(xp, src2d, dst2d, zeros32)
  h = _mlp1(xp, parts1, b1.reshape(1, 32), W2, b2.reshape(1, 16),
            g1.reshape(1, 16), be1.reshape(1, 16), rm1.reshape(1, 16),
            rv1.reshape(1, 16))
  parts2 = _make_seg_sum(16)(h, src2d, dst2d, zeros16)
  h2 = _mlp2(h, parts2, W3, b3.reshape(1, 16), W4, b4.reshape(1, 16),
             g2.reshape(1, 16), be2.reshape(1, 16), rm2.reshape(1, 16),
             rv2.reshape(1, 16))
  bf32 = batch.astype(jnp.float32)
  bpacked = jnp.broadcast_to(bf32[:, None], (_N, 16)).reshape(_N // 8, 128)
  out = _pool(h2, h2.reshape(_N // 8, 128), bf32.reshape(1, _N), bpacked,
              Wf[:16], Wf[16:], bf.reshape(1, 2))
  return out

# --- scband reference (transcript-rebuilt; emitter-appended) ---
"""Pipeline reference for scband-gin-25331717112176 (READ-ONLY COPY).

The authoritative reference and input builder live on the scoring server;
editing this copy changes nothing except your own understanding.
"""

import jax, jax.numpy as jnp
import numpy as np

N = 10000
E = 320000
D = 128
G = 64
BN_EPS = 1e-5


def setup_inputs(seed: int = 0) -> dict:
    key = jax.random.key(seed)
    ks = jax.random.split(key, 24)
    x = jax.random.normal(ks[0], (N, D), dtype=jnp.float32)
    edge_index = jax.random.randint(ks[1], (2, E), 0, N, dtype=jnp.int32)
    batch = jnp.sort(jax.random.randint(ks[2], (N,), 0, G, dtype=jnp.int32))
    s = 0.05
    # nn1: Linear(D,32) -> ReLU -> Dropout -> Linear(32,16) -> ReLU
    W1 = jax.random.normal(ks[3], (D, 32), dtype=jnp.float32) * s
    b1 = jnp.zeros((32,), dtype=jnp.float32)
    W2 = jax.random.normal(ks[4], (32, 16), dtype=jnp.float32) * s
    b2 = jnp.zeros((16,), dtype=jnp.float32)
    # bn1 (eval mode: running stats)
    g1 = jnp.ones((16,), dtype=jnp.float32)
    be1 = jnp.zeros((16,), dtype=jnp.float32)
    rm1 = jnp.zeros((16,), dtype=jnp.float32)
    rv1 = jnp.ones((16,), dtype=jnp.float32)
    # nn2: Linear(16,16) -> ReLU -> Dropout -> Linear(16,16) -> ReLU
    W3 = jax.random.normal(ks[5], (16, 16), dtype=jnp.float32) * s
    b3 = jnp.zeros((16,), dtype=jnp.float32)
    W4 = jax.random.normal(ks[6], (16, 16), dtype=jnp.float32) * s
    b4 = jnp.zeros((16,), dtype=jnp.float32)
    # bn2
    g2 = jnp.ones((16,), dtype=jnp.float32)
    be2 = jnp.zeros((16,), dtype=jnp.float32)
    rm2 = jnp.zeros((16,), dtype=jnp.float32)
    rv2 = jnp.ones((16,), dtype=jnp.float32)
    # fc1: Linear(32, 2)
    Wf = jax.random.normal(ks[7], (32, 2), dtype=jnp.float32) * s
    bf = jnp.zeros((2,), dtype=jnp.float32)
    return {"x": x, "edge_index": edge_index, "batch": batch,
            "W1": W1, "b1": b1, "W2": W2, "b2": b2,
            "g1": g1, "be1": be1, "rm1": rm1, "rv1": rv1,
            "W3": W3, "b3": b3, "W4": W4, "b4": b4,
            "g2": g2, "be2": be2, "rm2": rm2, "rv2": rv2,
            "Wf": Wf, "bf": bf}


def _bn(h, g, be, rm, rv):
    return (h - rm) / jnp.sqrt(rv + BN_EPS) * g + be


def reference(x, edge_index, batch, W1, b1, W2, b2, g1, be1, rm1, rv1,
              W3, b3, W4, b4, g2, be2, rm2, rv2, Wf, bf):
    src = edge_index[0]
    dst = edge_index[1]

    # GINConv #1: out = nn1((1 + eps) * x + sum_{j in N(i)} x_j), eps = 0
    agg1 = jax.ops.segment_sum(jnp.take(x, src, axis=0), dst, num_segments=N)
    h = x + agg1
    h = jax.nn.relu(h @ W1 + b1)
    # dropout: identity in eval mode
    h = jax.nn.relu(h @ W2 + b2)
    h = jax.nn.relu(_bn(h, g1, be1, rm1, rv1))

    # GINConv #2
    agg2 = jax.ops.segment_sum(jnp.take(h, src, axis=0), dst, num_segments=N)
    h2 = h + agg2
    h2 = jax.nn.relu(h2 @ W3 + b3)
    h2 = jax.nn.relu(h2 @ W4 + b4)
    h2 = jax.nn.relu(_bn(h2, g2, be2, rm2, rv2))

    # global max / mean pooling over batch segments
    x_max = jax.ops.segment_max(h2, batch, num_segments=G)
    sums = jax.ops.segment_sum(h2, batch, num_segments=G)
    counts = jax.ops.segment_sum(jnp.ones((N, 1), dtype=h2.dtype), batch, num_segments=G)
    x_mean = sums / jnp.maximum(counts, 1.0)

    pooled = jnp.concatenate([x_max, x_mean], axis=1)
    return pooled @ Wf + bf

if __name__ == "__main__":
    import jax
    _d = setup_inputs()
    print(jax.jit(kernel)(*tuple(_d.values())))

</pallas_src>

<mosaic_0001>
#map = affine_map<(d0, d1) -> (0, 0)>
#map1 = affine_map<(d0, d1) -> (0, 0, 0)>
module attributes {stable_mosaic.version = 14 : i64} {
  func.func @seg_sum(%arg0: i32, %arg1: i32, %arg2: memref<10000x32xf32, #tpu.memory_space<hbm>>, %arg3: memref<2560x125xi32, #tpu.memory_space<hbm>>, %arg4: memref<2560x125xi32, #tpu.memory_space<hbm>>, %arg5: memref<10240x32xf32, #tpu.memory_space<hbm>>, %arg6: memref<2x10240x32xf32, #tpu.memory_space<hbm>>, %arg7: memref<80x125xi32, #tpu.memory_space<vmem>>, %arg8: memref<80x125xi32, #tpu.memory_space<vmem>>, %arg9: memref<6x125x32xf32, #tpu.memory_space<vmem>>, %arg10: memref<10240x32xf32, #tpu.memory_space<vmem_shared>>, %arg11: memref<!tpu.dma_semaphore, #tpu.memory_space<semaphore_mem>>, %arg12: memref<!tpu.dma_semaphore, #tpu.memory_space<semaphore_mem>>, %arg13: memref<!tpu.dma_semaphore, #tpu.memory_space<semaphore_mem>>, %arg14: memref<!tpu.dma_semaphore, #tpu.memory_space<semaphore_mem>>, %arg15: memref<!tpu.dma_semaphore, #tpu.memory_space<semaphore_mem>>, %arg16: memref<!tpu.dma_semaphore, #tpu.memory_space<semaphore_mem>>, %arg17: memref<!tpu.dma_semaphore, #tpu.memory_space<semaphore_mem>>, %arg18: memref<!tpu.dma_semaphore, #tpu.memory_space<semaphore_mem>>, %arg19: memref<!tpu.dma_semaphore, #tpu.memory_space<semaphore_mem>>, %arg20: memref<!tpu.dma_semaphore, #tpu.memory_space<semaphore_mem>>, %arg21: memref<!tpu.dma_semaphore, #tpu.memory_space<semaphore_mem>>, %arg22: memref<!tpu.dma_semaphore, #tpu.memory_space<semaphore_mem>>) attributes {dimension_semantics = [#tpu.dimension_semantics<core_parallel>, #tpu.dimension_semantics<subcore_parallel>], iteration_bounds = array<i64: 2, 16>, scalar_prefetch = 0 : i64, scratch_operands = 16 : i64, tpu.core_type = #tpu.core_type<sc_vector_subcore>, window_params = [{transform_indices = #map}, {transform_indices = #map}, {transform_indices = #map}, {transform_indices = #map}, {transform_indices = #map1}]} {
    %mul3A = arith.constant 2 : i32
    %mul3A_0 = arith.muli %arg1, %mul3A : i32
    %add3A = arith.addi %mul3A_0, %arg0 : i32
    %mul3A_1 = arith.constant 640 : i32
    %mul3A_2 = arith.muli %arg1, %mul3A_1 : i32
    %mul3A_3 = arith.constant 640 : i32
    %mul3A_4 = arith.muli %arg1, %mul3A_3 : i32
    "tpu.region"() ({
      %run_scoped3A = tpu.sem_alloc : memref<!tpu.dma_semaphore, #tpu.memory_space<semaphore_mem>>
      %dma_start3A_149 = arith.constant 0 : i32
      %dma_start3A_150 = tpu.memref_slice %arg10[%mul3A_4, %dma_start3A_149] : memref<10240x32xf32, #tpu.memory_space<vmem_shared>> -> memref<640x32xf32, #tpu.memory_space<vmem_shared>>
      %dma_start3A_151 = arith.constant 0 : i32
      %dma_start3A_152 = tpu.memref_slice %arg5[%mul3A_2, %dma_start3A_151] : memref<10240x32xf32, #tpu.memory_space<hbm>> -> memref<640x32xf32, #tpu.memory_space<hbm>>
      tpu.enqueue_dma source(%dma_start3A_152 : memref<640x32xf32, #tpu.memory_space<hbm>>) target(%dma_start3A_150 : memref<640x32xf32, #tpu.memory_space<vmem_shared>>) target_semaphore(%run_scoped3A : memref<!tpu.dma_semaphore, #tpu.memory_space<semaphore_mem>>)
      %dma_wait3A_153 = arith.constant 0 : i32
      %dma_wait3A_154 = tpu.memref_slice %arg10[%mul3A_4, %dma_wait3A_153] : memref<10240x32xf32, #tpu.memory_space<vmem_shared>> -> memref<640x32xf32, #tpu.memory_space<vmem_shared>>
      %dma_wait3A_155 = arith.constant 0 : i32
      %dma_wait3A_156 = tpu.memref_slice %arg5[%mul3A_2, %dma_wait3A_155] : memref<10240x32xf32, #tpu.memory_space<hbm>> -> memref<640x32xf32, #tpu.memory_space<hbm>>
      tpu.wait_dma2 semaphore(%run_scoped3A : memref<!tpu.dma_semaphore, #tpu.memory_space<semaphore_mem>>) src(%dma_wait3A_156 : memref<640x32xf32, #tpu.memory_space<hbm>>) dst(%dma_wait3A_154 : memref<640x32xf32, #tpu.memory_space<vmem_shared>>)
      tpu.yield
    }) : () -> ()
    %mul3A_5 = arith.constant 80 : i32
    %mul3A_6 = arith.muli %add3A, %mul3A_5 : i32
    "tpu.region"() ({
      %run_scoped3A = tpu.sem_alloc : memref<!tpu.dma_semaphore, #tpu.memory_space<semaphore_mem>>
      %dma_start3A_149 = arith.constant 0 : i32
      %dma_start3A_150 = tpu.memref_slice %arg3[%mul3A_6, %dma_start3A_149] : memref<2560x125xi32, #tpu.memory_space<hbm>> -> memref<80x125xi32, #tpu.memory_space<hbm>>
      %dma_start3A_151 = arith.constant 0 : i32
      %dma_start3A_152 = tpu.memref_slice %arg3[%mul3A_6, %dma_start3A_151] : memref<2560x125xi32, #tpu.memory_space<hbm>> -> memref<80x125xi32, #tpu.memory_space<hbm>>
      tpu.enqueue_dma source(%dma_start3A_152 : memref<80x125xi32, #tpu.memory_space<hbm>>) target(%arg7 : memref<80x125xi32, #tpu.memory_space<vmem>>) target_semaphore(%run_scoped3A : memref<!tpu.dma_semaphore, #tpu.memory_space<semaphore_mem>>)
      %dma_wait3A_153 = arith.constant 0 : i32
      %dma_wait3A_154 = tpu.memref_slice %arg3[%mul3A_6, %dma_wait3A_153] : memref<2560x125xi32, #tpu.memory_space<hbm>> -> memref<80x125xi32, #tpu.memory_space<hbm>>
      %dma_wait3A_155 = arith.constant 0 : i32
      %dma_wait3A_156 = tpu.memref_slice %arg3[%mul3A_6, %dma_wait3A_155] : memref<2560x125xi32, #tpu.memory_space<hbm>> -> memref<80x125xi32, #tpu.memory_space<hbm>>
      tpu.wait_dma2 semaphore(%run_scoped3A : memref<!tpu.dma_semaphore, #tpu.memory_space<semaphore_mem>>) src(%dma_wait3A_156 : memref<80x125xi32, #tpu.memory_space<hbm>>) dst(%arg7 : memref<80x125xi32, #tpu.memory_space<vmem>>)
      tpu.yield
    }) : () -> ()
    %mul3A_7 = arith.constant 80 : i32
    %mul3A_8 = arith.muli %add3A, %mul3A_7 : i32
    "tpu.region"() ({
      %run_scoped3A = tpu.sem_alloc : memref<!tpu.dma_semaphore, #tpu.memory_space<semaphore_mem>>
      %dma_start3A_149 = arith.constant 0 : i32
      %dma_start3A_150 = tpu.memref_slice %arg4[%mul3A_8, %dma_start3A_149] : memref<2560x125xi32, #tpu.memory_space<hbm>> -> memref<80x125xi32, #tpu.memory_space<hbm>>
      %dma_start3A_151 = arith.constant 0 : i32
      %dma_start3A_152 = tpu.memref_slice %arg4[%mul3A_8, %dma_start3A_151] : memref<2560x125xi32, #tpu.memory_space<hbm>> -> memref<80x125xi32, #tpu.memory_space<hbm>>
      tpu.enqueue_dma source(%dma_start3A_152 : memref<80x125xi32, #tpu.memory_space<hbm>>) target(%arg8 : memref<80x125xi32, #tpu.memory_space<vmem>>) target_semaphore(%run_scoped3A : memref<!tpu.dma_semaphore, #tpu.memory_space<semaphore_mem>>)
      %dma_wait3A_153 = arith.constant 0 : i32
      %dma_wait3A_154 = tpu.memref_slice %arg4[%mul3A_8, %dma_wait3A_153] : memref<2560x125xi32, #tpu.memory_space<hbm>> -> memref<80x125xi32, #tpu.memory_space<hbm>>
      %dma_wait3A_155 = arith.constant 0 : i32
      %dma_wait3A_156 = tpu.memref_slice %arg4[%mul3A_8, %dma_wait3A_155] : memref<2560x125xi32, #tpu.memory_space<hbm>> -> memref<80x125xi32, #tpu.memory_space<hbm>>
      tpu.wait_dma2 semaphore(%run_scoped3A : memref<!tpu.dma_semaphore, #tpu.memory_space<semaphore_mem>>) src(%dma_wait3A_156 : memref<80x125xi32, #tpu.memory_space<hbm>>) dst(%arg8 : memref<80x125xi32, #tpu.memory_space<vmem>>)
      tpu.yield
    }) : () -> ()
    %barrier3A = arith.constant 0 : index
    tpu.barrier barrier_id(%barrier3A)
    %dma_start3A = arith.constant 0 : i32
    %dma_start3A_9 = arith.constant 0 : i32
    %dma_start3A_10 = arith.constant 0 : i32
    %dma_start3A_11 = arith.constant 0 : i32
    %dma_start3A_12 = tpu.memref_slice %arg9[%dma_start3A_9, %dma_start3A_10, %dma_start3A_11] : memref<6x125x32xf32, #tpu.memory_space<vmem>> -> memref<1x125x32xf32, #tpu.memory_space<vmem>>
    %dma_start3A_13 = tpu.memref_squeeze %dma_start3A_12 : memref<1x125x32xf32, #tpu.memory_space<vmem>> -> memref<125x32xf32, #tpu.memory_space<vmem>>
    %dma_start3A_14 = arith.constant 0 : i32
    %dma_start3A_15 = tpu.memref_slice %arg7[%dma_start3A, %dma_start3A_14] : memref<80x125xi32, #tpu.memory_space<vmem>> -> memref<1x125xi32, #tpu.memory_space<vmem>>
    %dma_start3A_16 = tpu.memref_squeeze %dma_start3A_15 : memref<1x125xi32, #tpu.memory_space<vmem>> -> memref<125xi32, #tpu.memory_space<vmem>>
    %dma_start3A_17 = arith.constant 0 : i32
    %dma_start3A_18 = arith.constant 0 : i32
    %dma_start3A_19 = tpu.memref_slice %arg2[%dma_start3A_17, %dma_start3A_18] : memref<10000x32xf32, #tpu.memory_space<hbm>> -> memref<10000x32xf32, #tpu.memory_space<hbm>>
    tpu.enqueue_indirect_dma source(%dma_start3A_19 : memref<10000x32xf32, #tpu.memory_space<hbm>>) target(%dma_start3A_13 : memref<125x32xf32, #tpu.memory_space<vmem>>) offsets(%dma_start3A_16 : memref<125xi32, #tpu.memory_space<vmem>>) semaphore(%arg11 : memref<!tpu.dma_semaphore, #tpu.memory_space<semaphore_mem>>)
    %dma_start3A_20 = arith.constant 1 : i32
    %dma_start3A_21 = arith.constant 1 : i32
    %dma_start3A_22 = arith.constant 0 : i32
    %dma_start3A_23 = arith.constant 0 : i32
    %dma_start3A_24 = tpu.memref_slice %arg9[%dma_start3A_21, %dma_start3A_22, %dma_start3A_23] : memref<6x125x32xf32, #tpu.memory_space<vmem>> -> memref<1x125x32xf32, #tpu.memory_space<vmem>>
    %dma_start3A_25 = tpu.memref_squeeze %dma_start3A_24 : memref<1x125x32xf32, #tpu.memory_space<vmem>> -> memref<125x32xf32, #tpu.memory_space<vmem>>
    %dma_start3A_26 = arith.constant 0 : i32
    %dma_start3A_27 = tpu.memref_slice %arg7[%dma_start3A_20, %dma_start3A_26] : memref<80x125xi32, #tpu.memory_space<vmem>> -> memref<1x125xi32, #tpu.memory_space<vmem>>
    %dma_start3A_28 = tpu.memref_squeeze %dma_start3A_27 : memref<1x125xi32, #tpu.memory_space<vmem>> -> memref<125xi32, #tpu.memory_space<vmem>>
    %dma_start3A_29 = arith.constant 0 : i32
    %dma_start3A_30 = arith.constant 0 : i32
    %dma_start3A_31 = tpu.memref_slice %arg2[%dma_start3A_29, %dma_start3A_30] : memref<10000x32xf32, #tpu.memory_space<hbm>> -> memref<10000x32xf32, #tpu.memory_space<hbm>>
    tpu.enqueue_indirect_dma source(%dma_start3A_31 : memref<10000x32xf32, #tpu.memory_space<hbm>>) target(%dma_start3A_25 : memref<125x32xf32, #tpu.memory_space<vmem>>) offsets(%dma_start3A_28 : memref<125xi32, #tpu.memory_space<vmem>>) semaphore(%arg12 : memref<!tpu.dma_semaphore, #tpu.memory_space<semaphore_mem>>)
    %dma_start3A_32 = arith.constant 2 : i32
    %dma_start3A_33 = arith.constant 2 : i32
    %dma_start3A_34 = arith.constant 0 : i32
    %dma_start3A_35 = arith.constant 0 : i32
    %dma_start3A_36 = tpu.memref_slice %arg9[%dma_start3A_33, %dma_start3A_34, %dma_start3A_35] : memref<6x125x32xf32, #tpu.memory_space<vmem>> -> memref<1x125x32xf32, #tpu.memory_space<vmem>>
    %dma_start3A_37 = tpu.memref_squeeze %dma_start3A_36 : memref<1x125x32xf32, #tpu.memory_space<vmem>> -> memref<125x32xf32, #tpu.memory_space<vmem>>
    %dma_start3A_38 = arith.constant 0 : i32
    %dma_start3A_39 = tpu.memref_slice %arg7[%dma_start3A_32, %dma_start3A_38] : memref<80x125xi32, #tpu.memory_space<vmem>> -> memref<1x125xi32, #tpu.memory_space<vmem>>
    %dma_start3A_40 = tpu.memref_squeeze %dma_start3A_39 : memref<1x125xi32, #tpu.memory_space<vmem>> -> memref<125xi32, #tpu.memory_space<vmem>>
    %dma_start3A_41 = arith.constant 0 : i32
    %dma_start3A_42 = arith.constant 0 : i32
    %dma_start3A_43 = tpu.memref_slice %arg2[%dma_start3A_41, %dma_start3A_42] : memref<10000x32xf32, #tpu.memory_space<hbm>> -> memref<10000x32xf32, #tpu.memory_space<hbm>>
    tpu.enqueue_indirect_dma source(%dma_start3A_43 : memref<10000x32xf32, #tpu.memory_space<hbm>>) target(%dma_start3A_37 : memref<125x32xf32, #tpu.memory_space<vmem>>) offsets(%dma_start3A_40 : memref<125xi32, #tpu.memory_space<vmem>>) semaphore(%arg13 : memref<!tpu.dma_semaphore, #tpu.memory_space<semaphore_mem>>)
    %dma_start3A_44 = arith.constant 3 : i32
    %dma_start3A_45 = arith.constant 3 : i32
    %dma_start3A_46 = arith.constant 0 : i32
    %dma_start3A_47 = arith.constant 0 : i32
    %dma_start3A_48 = tpu.memref_slice %arg9[%dma_start3A_45, %dma_start3A_46, %dma_start3A_47] : memref<6x125x32xf32, #tpu.memory_space<vmem>> -> memref<1x125x32xf32, #tpu.memory_space<vmem>>
    %dma_start3A_49 = tpu.memref_squeeze %dma_start3A_48 : memref<1x125x32xf32, #tpu.memory_space<vmem>> -> memref<125x32xf32, #tpu.memory_space<vmem>>
    %dma_start3A_50 = arith.constant 0 : i32
    %dma_start3A_51 = tpu.memref_slice %arg7[%dma_start3A_44, %dma_start3A_50] : memref<80x125xi32, #tpu.memory_space<vmem>> -> memref<1x125xi32, #tpu.memory_space<vmem>>
    %dma_start3A_52 = tpu.memref_squeeze %dma_start3A_51 : memref<1x125xi32, #tpu.memory_space<vmem>> -> memref<125xi32, #tpu.memory_space<vmem>>
    %dma_start3A_53 = arith.constant 0 : i32
    %dma_start3A_54 = arith.constant 0 : i32
    %dma_start3A_55 = tpu.memref_slice %arg2[%dma_start3A_53, %dma_start3A_54] : memref<10000x32xf32, #tpu.memory_space<hbm>> -> memref<10000x32xf32, #tpu.memory_space<hbm>>
    tpu.enqueue_indirect_dma source(%dma_start3A_55 : memref<10000x32xf32, #tpu.memory_space<hbm>>) target(%dma_start3A_49 : memref<125x32xf32, #tpu.memory_space<vmem>>) offsets(%dma_start3A_52 : memref<125xi32, #tpu.memory_space<vmem>>) semaphore(%arg14 : memref<!tpu.dma_semaphore, #tpu.memory_space<semaphore_mem>>)
    %dma_start3A_56 = arith.constant 4 : i32
    %dma_start3A_57 = arith.constant 4 : i32
    %dma_start3A_58 = arith.constant 0 : i32
    %dma_start3A_59 = arith.constant 0 : i32
    %dma_start3A_60 = tpu.memref_slice %arg9[%dma_start3A_57, %dma_start3A_58, %dma_start3A_59] : memref<6x125x32xf32, #tpu.memory_space<vmem>> -> memref<1x125x32xf32, #tpu.memory_space<vmem>>
    %dma_start3A_61 = tpu.memref_squeeze %dma_start3A_60 : memref<1x125x32xf32, #tpu.memory_space<vmem>> -> memref<125x32xf32, #tpu.memory_space<vmem>>
    %dma_start3A_62 = arith.constant 0 : i32
    %dma_start3A_63 = tpu.memref_slice %arg7[%dma_start3A_56, %dma_start3A_62] : memref<80x125xi32, #tpu.memory_space<vmem>> -> memref<1x125xi32, #tpu.memory_space<vmem>>
    %dma_start3A_64 = tpu.memref_squeeze %dma_start3A_63 : memref<1x125xi32, #tpu.memory_space<vmem>> -> memref<125xi32, #tpu.memory_space<vmem>>
    %dma_start3A_65 = arith.constant 0 : i32
    %dma_start3A_66 = arith.constant 0 : i32
    %dma_start3A_67 = tpu.memref_slice %arg2[%dma_start3A_65, %dma_start3A_66] : memref<10000x32xf32, #tpu.memory_space<hbm>> -> memref<10000x32xf32, #tpu.memory_space<hbm>>
    tpu.enqueue_indirect_dma source(%dma_start3A_67 : memref<10000x32xf32, #tpu.memory_space<hbm>>) target(%dma_start3A_61 : memref<125x32xf32, #tpu.memory_space<vmem>>) offsets(%dma_start3A_64 : memref<125xi32, #tpu.memory_space<vmem>>) semaphore(%arg15 : memref<!tpu.dma_semaphore, #tpu.memory_space<semaphore_mem>>)
    %scan3A = arith.constant 0 : i32
    %scan3A_68 = arith.constant 0 : i32
    %scan3A_69 = arith.constant 80 : i32
    %scan3A_70 = arith.addi %scan3A_68, %scan3A_69 : i32
    %scan3A_71 = arith.constant 1 : i32
    scf.for %scan3A_149 = %scan3A_68 to %scan3A_70 step %scan3A_71  : i32 {
      %rem3A = arith.constant 6 : i32
      %rem3A_150 = arith.remsi %scan3A_149, %rem3A : i32
      %eq3A = arith.constant 0 : i32
      %eq3A_151 = arith.cmpi eq, %rem3A_150, %eq3A : i32
      %convert_element_type3A = arith.extui %eq3A_151 : i1 to i32
      %cond3A = arith.constant 0 : i32
      %cond3A_152 = arith.cmpi ne, %convert_element_type3A, %cond3A : i32
      scf.if %cond3A_152 {
        %dma_wait3A_188 = arith.constant 0 : i32
        %dma_wait3A_189 = arith.constant 0 : i32
        %dma_wait3A_190 = arith.constant 0 : i32
        %dma_wait3A_191 = tpu.memref_slice %arg9[%dma_wait3A_188, %dma_wait3A_189, %dma_wait3A_190] : memref<6x125x32xf32, #tpu.memory_space<vmem>> -> memref<1x125x32xf32, #tpu.memory_space<vmem>>
        %dma_wait3A_192 = tpu.memref_squeeze %dma_wait3A_191 : memref<1x125x32xf32, #tpu.memory_space<vmem>> -> memref<125x32xf32, #tpu.memory_space<vmem>>
        %dma_wait3A_193 = arith.constant 0 : i32
        %dma_wait3A_194 = tpu.memref_slice %arg7[%scan3A_149, %dma_wait3A_193] : memref<80x125xi32, #tpu.memory_space<vmem>> -> memref<1x125xi32, #tpu.memory_space<vmem>>
        %dma_wait3A_195 = tpu.memref_squeeze %dma_wait3A_194 : memref<1x125xi32, #tpu.memory_space<vmem>> -> memref<125xi32, #tpu.memory_space<vmem>>
        %dma_wait3A_196 = arith.constant 0 : i32
        %dma_wait3A_197 = arith.constant 0 : i32
        %dma_wait3A_198 = tpu.memref_slice %arg2[%dma_wait3A_196, %dma_wait3A_197] : memref<10000x32xf32, #tpu.memory_space<hbm>> -> memref<10000x32xf32, #tpu.memory_space<hbm>>
        tpu.wait_indirect_dma semaphore(%arg11 : memref<!tpu.dma_semaphore, #tpu.memory_space<semaphore_mem>>) src(%dma_wait3A_198 : memref<10000x32xf32, #tpu.memory_space<hbm>>) dst(%dma_wait3A_192 : memref<125x32xf32, #tpu.memory_space<vmem>>)
        %dma_start3A_199 = arith.constant 0 : i32
        %dma_start3A_200 = arith.constant 0 : i32
        %dma_start3A_201 = arith.constant 0 : i32
        %dma_start3A_202 = tpu.memref_slice %arg9[%dma_start3A_199, %dma_start3A_200, %dma_start3A_201] : memref<6x125x32xf32, #tpu.memory_space<vmem>> -> memref<1x125x32xf32, #tpu.memory_space<vmem>>
        %dma_start3A_203 = tpu.memref_squeeze %dma_start3A_202 : memref<1x125x32xf32, #tpu.memory_space<vmem>> -> memref<125x32xf32, #tpu.memory_space<vmem>>
        %dma_start3A_204 = arith.constant 0 : i32
        %dma_start3A_205 = tpu.memref_slice %arg8[%scan3A_149, %dma_start3A_204] : memref<80x125xi32, #tpu.memory_space<vmem>> -> memref<1x125xi32, #tpu.memory_space<vmem>>
        %dma_start3A_206 = tpu.memref_squeeze %dma_start3A_205 : memref<1x125xi32, #tpu.memory_space<vmem>> -> memref<125xi32, #tpu.memory_space<vmem>>
        %dma_start3A_207 = arith.constant 0 : i32
        %dma_start3A_208 = arith.constant 0 : i32
        %dma_start3A_209 = tpu.memref_slice %arg10[%dma_start3A_207, %dma_start3A_208] : memref<10240x32xf32, #tpu.memory_space<vmem_shared>> -> memref<10240x32xf32, #tpu.memory_space<vmem_shared>>
        tpu.enqueue_indirect_dma source(%dma_start3A_203 : memref<125x32xf32, #tpu.memory_space<vmem>>) target(%dma_start3A_209 : memref<10240x32xf32, #tpu.memory_space<vmem_shared>>) offsets(%dma_start3A_206 : memref<125xi32, #tpu.memory_space<vmem>>) semaphore(%arg17 : memref<!tpu.dma_semaphore, #tpu.memory_space<semaphore_mem>>) {add = true}
        %add3A_210 = arith.constant 6 : i32
        %add3A_211 = arith.addi %scan3A_149, %add3A_210 : i32
        %sub3A = arith.constant 1 : i32
        %sub3A_212 = arith.subi %add3A_211, %sub3A : i32
        %lt3A = arith.constant 80 : i32
        %lt3A_213 = arith.cmpi slt, %sub3A_212, %lt3A : i32
        %convert_element_type3A_214 = arith.extui %lt3A_213 : i1 to i32
        %cond3A_215 = arith.constant 0 : i32
        %cond3A_216 = arith.cmpi ne, %convert_element_type3A_214, %cond3A_215 : i32
        scf.if %cond3A_216 {
          %ge3A = arith.constant 1 : i32
          %ge3A_217 = arith.cmpi sge, %scan3A_149, %ge3A : i32
          %convert_element_type3A_218 = arith.extui %ge3A_217 : i1 to i32
          %cond3A_219 = arith.constant 0 : i32
          %cond3A_220 = arith.cmpi ne, %convert_element_type3A_218, %cond3A_219 : i32
          scf.if %cond3A_220 {
            %dma_wait3A_232 = arith.constant 5 : i32
            %dma_wait3A_233 = arith.constant 0 : i32
            %dma_wait3A_234 = arith.constant 0 : i32
            %dma_wait3A_235 = arith.constant 0 : i32
            %dma_wait3A_236 = tpu.memref_slice %arg9[%dma_wait3A_232, %dma_wait3A_234, %dma_wait3A_235] : memref<6x125x32xf32, #tpu.memory_space<vmem>> -> memref<1x125x32xf32, #tpu.memory_space<vmem>>
            %dma_wait3A_237 = tpu.memref_squeeze %dma_wait3A_236 : memref<1x125x32xf32, #tpu.memory_space<vmem>> -> memref<125x32xf32, #tpu.memory_space<vmem>>
            %dma_wait3A_238 = arith.constant 0 : i32
            %dma_wait3A_239 = tpu.memref_slice %arg8[%dma_wait3A_233, %dma_wait3A_238] : memref<80x125xi32, #tpu.memory_space<vmem>> -> memref<1x125xi32, #tpu.memory_space<vmem>>
            %dma_wait3A_240 = tpu.memref_squeeze %dma_wait3A_239 : memref<1x125xi32, #tpu.memory_space<vmem>> -> memref<125xi32, #tpu.memory_space<vmem>>
            %dma_wait3A_241 = arith.constant 0 : i32
            %dma_wait3A_242 = arith.constant 0 : i32
            %dma_wait3A_243 = tpu.memref_slice %arg10[%dma_wait3A_241, %dma_wait3A_242] : memref<10240x32xf32, #tpu.memory_space<vmem_shared>> -> memref<10240x32xf32, #tpu.memory_space<vmem_shared>>
            tpu.wait_indirect_dma semaphore(%arg22 : memref<!tpu.dma_semaphore, #tpu.memory_space<semaphore_mem>>) src(%dma_wait3A_237 : memref<125x32xf32, #tpu.memory_space<vmem>>) dst(%dma_wait3A_243 : memref<10240x32xf32, #tpu.memory_space<vmem_shared>>)
          } else {
          }
          %dma_start3A_221 = arith.constant 5 : i32
          %dma_start3A_222 = arith.constant 0 : i32
          %dma_start3A_223 = arith.constant 0 : i32
          %dma_start3A_224 = tpu.memref_slice %arg9[%dma_start3A_221, %dma_start3A_222, %dma_start3A_223] : memref<6x125x32xf32, #tpu.memory_space<vmem>> -> memref<1x125x32xf32, #tpu.memory_space<vmem>>
          %dma_start3A_225 = tpu.memref_squeeze %dma_start3A_224 : memref<1x125x32xf32, #tpu.memory_space<vmem>> -> memref<125x32xf32, #tpu.memory_space<vmem>>
          %dma_start3A_226 = arith.constant 0 : i32
          %dma_start3A_227 = tpu.memref_slice %arg7[%sub3A_212, %dma_start3A_226] : memref<80x125xi32, #tpu.memory_space<vmem>> -> memref<1x125xi32, #tpu.memory_space<vmem>>
          %dma_start3A_228 = tpu.memref_squeeze %dma_start3A_227 : memref<1x125xi32, #tpu.memory_space<vmem>> -> memref<125xi32, #tpu.memory_space<vmem>>
          %dma_start3A_229 = arith.constant 0 : i32
          %dma_start3A_230 = arith.constant 0 : i32
          %dma_start3A_231 = tpu.memref_slice %arg2[%dma_start3A_229, %dma_start3A_230] : memref<10000x32xf32, #tpu.memory_space<hbm>> -> memref<10000x32xf32, #tpu.memory_space<hbm>>
          tpu.enqueue_indirect_dma source(%dma_start3A_231 : memref<10000x32xf32, #tpu.memory_space<hbm>>) target(%dma_start3A_225 : memref<125x32xf32, #tpu.memory_space<vmem>>) offsets(%dma_start3A_228 : memref<125xi32, #tpu.memory_space<vmem>>) semaphore(%arg16 : memref<!tpu.dma_semaphore, #tpu.memory_space<semaphore_mem>>)
        } else {
        }
      } else {
      }
      %rem3A_153 = arith.constant 6 : i32
      %rem3A_154 = arith.remsi %scan3A_149, %rem3A_153 : i32
      %eq3A_155 = arith.constant 1 : i32
      %eq3A_156 = arith.cmpi eq, %rem3A_154, %eq3A_155 : i32
      %convert_element_type3A_157 = arith.extui %eq3A_156 : i1 to i32
      %cond3A_158 = arith.constant 0 : i32
      %cond3A_159 = arith.cmpi ne, %convert_element_type3A_157, %cond3A_158 : i32
      scf.if %cond3A_159 {
        %dma_wait3A_188 = arith.constant 1 : i32
        %dma_wait3A_189 = arith.constant 0 : i32
        %dma_wait3A_190 = arith.constant 0 : i32
        %dma_wait3A_191 = tpu.memref_slice %arg9[%dma_wait3A_188, %dma_wait3A_189, %dma_wait3A_190] : memref<6x125x32xf32, #tpu.memory_space<vmem>> -> memref<1x125x32xf32, #tpu.memory_space<vmem>>
        %dma_wait3A_192 = tpu.memref_squeeze %dma_wait3A_191 : memref<1x125x32xf32, #tpu.memory_space<vmem>> -> memref<125x32xf32, #tpu.memory_space<vmem>>
        %dma_wait3A_193 = arith.constant 0 : i32
        %dma_wait3A_194 = tpu.memref_slice %arg7[%scan3A_149, %dma_wait3A_193] : memref<80x125xi32, #tpu.memory_space<vmem>> -> memref<1x125xi32, #tpu.memory_space<vmem>>
        %dma_wait3A_195 = tpu.memref_squeeze %dma_wait3A_194 : memref<1x125xi32, #tpu.memory_space<vmem>> -> memref<125xi32, #tpu.memory_space<vmem>>
        %dma_wait3A_196 = arith.constant 0 : i32
        %dma_wait3A_197 = arith.constant 0 : i32
        %dma_wait3A_198 = tpu.memref_slice %arg2[%dma_wait3A_196, %dma_wait3A_197] : memref<10000x32xf32, #tpu.memory_space<hbm>> -> memref<10000x32xf32, #tpu.memory_space<hbm>>
        tpu.wait_indirect_dma semaphore(%arg12 : memref<!tpu.dma_semaphore, #tpu.memory_space<semaphore_mem>>) src(%dma_wait3A_198 : memref<10000x32xf32, #tpu.memory_space<hbm>>) dst(%dma_wait3A_192 : memref<125x32xf32, #tpu.memory_space<vmem>>)
        %dma_start3A_199 = arith.constant 1 : i32
        %dma_start3A_200 = arith.constant 0 : i32
        %dma_start3A_201 = arith.constant 0 : i32
        %dma_start3A_202 = tpu.memref_slice %arg9[%dma_start3A_199, %dma_start3A_200, %dma_start3A_201] : memref<6x125x32xf32, #tpu.memory_space<vmem>> -> memref<1x125x32xf32, #tpu.memory_space<vmem>>
        %dma_start3A_203 = tpu.memref_squeeze %dma_start3A_202 : memref<1x125x32xf32, #tpu.memory_space<vmem>> -> memref<125x32xf32, #tpu.memory_space<vmem>>
        %dma_start3A_204 = arith.constant 0 : i32
        %dma_start3A_205 = tpu.memref_slice %arg8[%scan3A_149, %dma_start3A_204] : memref<80x125xi32, #tpu.memory_space<vmem>> -> memref<1x125xi32, #tpu.memory_space<vmem>>
        %dma_start3A_206 = tpu.memref_squeeze %dma_start3A_205 : memref<1x125xi32, #tpu.memory_space<vmem>> -> memref<125xi32, #tpu.memory_space<vmem>>
        %dma_start3A_207 = arith.constant 0 : i32
        %dma_start3A_208 = arith.constant 0 : i32
        %dma_start3A_209 = tpu.memref_slice %arg10[%dma_start3A_207, %dma_start3A_208] : memref<10240x32xf32, #tpu.memory_space<vmem_shared>> -> memref<10240x32xf32, #tpu.memory_space<vmem_shared>>
        tpu.enqueue_indirect_dma source(%dma_start3A_203 : memref<125x32xf32, #tpu.memory_space<vmem>>) target(%dma_start3A_209 : memref<10240x32xf32, #tpu.memory_space<vmem_shared>>) offsets(%dma_start3A_206 : memref<125xi32, #tpu.memory_space<vmem>>) semaphore(%arg18 : memref<!tpu.dma_semaphore, #tpu.memory_space<semaphore_mem>>) {add = true}
        %add3A_210 = arith.constant 6 : i32
        %add3A_211 = arith.addi %scan3A_149, %add3A_210 : i32
        %sub3A = arith.constant 1 : i32
        %sub3A_212 = arith.subi %add3A_211, %sub3A : i32
        %lt3A = arith.constant 80 : i32
        %lt3A_213 = arith.cmpi slt, %sub3A_212, %lt3A : i32
        %convert_element_type3A_214 = arith.extui %lt3A_213 : i1 to i32
        %cond3A_215 = arith.constant 0 : i32
        %cond3A_216 = arith.cmpi ne, %convert_element_type3A_214, %cond3A_215 : i32
        scf.if %cond3A_216 {
          %ge3A = arith.constant 1 : i32
          %ge3A_217 = arith.cmpi sge, %scan3A_149, %ge3A : i32
          %convert_element_type3A_218 = arith.extui %ge3A_217 : i1 to i32
          %cond3A_219 = arith.constant 0 : i32
          %cond3A_220 = arith.cmpi ne, %convert_element_type3A_218, %cond3A_219 : i32
          scf.if %cond3A_220 {
            %dma_wait3A_232 = arith.constant 0 : i32
            %dma_wait3A_233 = arith.constant 0 : i32
            %dma_wait3A_234 = arith.constant 0 : i32
            %dma_wait3A_235 = arith.constant 0 : i32
            %dma_wait3A_236 = tpu.memref_slice %arg9[%dma_wait3A_232, %dma_wait3A_234, %dma_wait3A_235] : memref<6x125x32xf32, #tpu.memory_space<vmem>> -> memref<1x125x32xf32, #tpu.memory_space<vmem>>
            %dma_wait3A_237 = tpu.memref_squeeze %dma_wait3A_236 : memref<1x125x32xf32, #tpu.memory_space<vmem>> -> memref<125x32xf32, #tpu.memory_space<vmem>>
            %dma_wait3A_238 = arith.constant 0 : i32
            %dma_wait3A_239 = tpu.memref_slice %arg8[%dma_wait3A_233, %dma_wait3A_238] : memref<80x125xi32, #tpu.memory_space<vmem>> -> memref<1x125xi32, #tpu.memory_space<vmem>>
            %dma_wait3A_240 = tpu.memref_squeeze %dma_wait3A_239 : memref<1x125xi32, #tpu.memory_space<vmem>> -> memref<125xi32, #tpu.memory_space<vmem>>
            %dma_wait3A_241 = arith.constant 0 : i32
            %dma_wait3A_242 = arith.constant 0 : i32
            %dma_wait3A_243 = tpu.memref_slice %arg10[%dma_wait3A_241, %dma_wait3A_242] : memref<10240x32xf32, #tpu.memory_space<vmem_shared>> -> memref<10240x32xf32, #tpu.memory_space<vmem_shared>>
            tpu.wait_indirect_dma semaphore(%arg17 : memref<!tpu.dma_semaphore, #tpu.memory_space<semaphore_mem>>) src(%dma_wait3A_237 : memref<125x32xf32, #tpu.memory_space<vmem>>) dst(%dma_wait3A_243 : memref<10240x32xf32, #tpu.memory_space<vmem_shared>>)
          } else {
          }
          %dma_start3A_221 = arith.constant 0 : i32
          %dma_start3A_222 = arith.constant 0 : i32
          %dma_start3A_223 = arith.constant 0 : i32
          %dma_start3A_224 = tpu.memref_slice %arg9[%dma_start3A_221, %dma_start3A_222, %dma_start3A_223] : memref<6x125x32xf32, #tpu.memory_space<vmem>> -> memref<1x125x32xf32, #tpu.memory_space<vmem>>
          %dma_start3A_225 = tpu.memref_squeeze %dma_start3A_224 : memref<1x125x32xf32, #tpu.memory_space<vmem>> -> memref<125x32xf32, #tpu.memory_space<vmem>>
          %dma_start3A_226 = arith.constant 0 : i32
          %dma_start3A_227 = tpu.memref_slice %arg7[%sub3A_212, %dma_start3A_226] : memref<80x125xi32, #tpu.memory_space<vmem>> -> memref<1x125xi32, #tpu.memory_space<vmem>>
          %dma_start3A_228 = tpu.memref_squeeze %dma_start3A_227 : memref<1x125xi32, #tpu.memory_space<vmem>> -> memref<125xi32, #tpu.memory_space<vmem>>
          %dma_start3A_229 = arith.constant 0 : i32
          %dma_start3A_230 = arith.constant 0 : i32
          %dma_start3A_231 = tpu.memref_slice %arg2[%dma_start3A_229, %dma_start3A_230] : memref<10000x32xf32, #tpu.memory_space<hbm>> -> memref<10000x32xf32, #tpu.memory_space<hbm>>
          tpu.enqueue_indirect_dma source(%dma_start3A_231 : memref<10000x32xf32, #tpu.memory_space<hbm>>) target(%dma_start3A_225 : memref<125x32xf32, #tpu.memory_space<vmem>>) offsets(%dma_start3A_228 : memref<125xi32, #tpu.memory_space<vmem>>) semaphore(%arg11 : memref<!tpu.dma_semaphore, #tpu.memory_space<semaphore_mem>>)
        } else {
        }
      } else {
      }
      %rem3A_160 = arith.constant 6 : i32
      %rem3A_161 = arith.remsi %scan3A_149, %rem3A_160 : i32
      %eq3A_162 = arith.constant 2 : i32
      %eq3A_163 = arith.cmpi eq, %rem3A_161, %eq3A_162 : i32
      %convert_element_type3A_164 = arith.extui %eq3A_163 : i1 to i32
      %cond3A_165 = arith.constant 0 : i32
      %cond3A_166 = arith.cmpi ne, %convert_element_type3A_164, %cond3A_165 : i32
      scf.if %cond3A_166 {
        %dma_wait3A_188 = arith.constant 2 : i32
        %dma_wait3A_189 = arith.constant 0 : i32
        %dma_wait3A_190 = arith.constant 0 : i32
        %dma_wait3A_191 = tpu.memref_slice %arg9[%dma_wait3A_188, %dma_wait3A_189, %dma_wait3A_190] : memref<6x125x32xf32, #tpu.memory_space<vmem>> -> memref<1x125x32xf32, #tpu.memory_space<vmem>>
        %dma_wait3A_192 = tpu.memref_squeeze %dma_wait3A_191 : memref<1x125x32xf32, #tpu.memory_space<vmem>> -> memref<125x32xf32, #tpu.memory_space<vmem>>
        %dma_wait3A_193 = arith.constant 0 : i32
        %dma_wait3A_194 = tpu.memref_slice %arg7[%scan3A_149, %dma_wait3A_193] : memref<80x125xi32, #tpu.memory_space<vmem>> -> memref<1x125xi32, #tpu.memory_space<vmem>>
        %dma_wait3A_195 = tpu.memref_squeeze %dma_wait3A_194 : memref<1x125xi32, #tpu.memory_space<vmem>> -> memref<125xi32, #tpu.memory_space<vmem>>
        %dma_wait3A_196 = arith.constant 0 : i32
        %dma_wait3A_197 = arith.constant 0 : i32
        %dma_wait3A_198 = tpu.memref_slice %arg2[%dma_wait3A_196, %dma_wait3A_197] : memref<10000x32xf32, #tpu.memory_space<hbm>> -> memref<10000x32xf32, #tpu.memory_space<hbm>>
        tpu.wait_indirect_dma semaphore(%arg13 : memref<!tpu.dma_semaphore, #tpu.memory_space<semaphore_mem>>) src(%dma_wait3A_198 : memref<10000x32xf32, #tpu.memory_space<hbm>>) dst(%dma_wait3A_192 : memref<125x32xf32, #tpu.memory_space<vmem>>)
        %dma_start3A_199 = arith.constant 2 : i32
        %dma_start3A_200 = arith.constant 0 : i32
        %dma_start3A_201 = arith.constant 0 : i32
        %dma_start3A_202 = tpu.memref_slice %arg9[%dma_start3A_199, %dma_start3A_200, %dma_start3A_201] : memref<6x125x32xf32, #tpu.memory_space<vmem>> -> memref<1x125x32xf32, #tpu.memory_space<vmem>>
        %dma_start3A_203 = tpu.memref_squeeze %dma_start3A_202 : memref<1x125x32xf32, #tpu.memory_space<vmem>> -> memref<125x32xf32, #tpu.memory_space<vmem>>
        %dma_start3A_204 = arith.constant 0 : i32
        %dma_start3A_205 = tpu.memref_slice %arg8[%scan3A_149, %dma_start3A_204] : memref<80x125xi32, #tpu.memory_space<vmem>> -> memref<1x125xi32, #tpu.memory_space<vmem>>
        %dma_start3A_206 = tpu.memref_squeeze %dma_start3A_205 : memref<1x125xi32, #tpu.memory_space<vmem>> -> memref<125xi32, #tpu.memory_space<vmem>>
        %dma_start3A_207 = arith.constant 0 : i32
        %dma_start3A_208 = arith.constant 0 : i32
        %dma_start3A_209 = tpu.memref_slice %arg10[%dma_start3A_207, %dma_start3A_208] : memref<10240x32xf32, #tpu.memory_space<vmem_shared>> -> memref<10240x32xf32, #tpu.memory_space<vmem_shared>>
        tpu.enqueue_indirect_dma source(%dma_start3A_203 : memref<125x32xf32, #tpu.memory_space<vmem>>) target(%dma_start3A_209 : memref<10240x32xf32, #tpu.memory_space<vmem_shared>>) offsets(%dma_start3A_206 : memref<125xi32, #tpu.memory_space<vmem>>) semaphore(%arg19 : memref<!tpu.dma_semaphore, #tpu.memory_space<semaphore_mem>>) {add = true}
        %add3A_210 = arith.constant 6 : i32
        %add3A_211 = arith.addi %scan3A_149, %add3A_210 : i32
        %sub3A = arith.constant 1 : i32
        %sub3A_212 = arith.subi %add3A_211, %sub3A : i32
        %lt3A = arith.constant 80 : i32
        %lt3A_213 = arith.cmpi slt, %sub3A_212, %lt3A : i32
        %convert_element_type3A_214 = arith.extui %lt3A_213 : i1 to i32
        %cond3A_215 = arith.constant 0 : i32
        %cond3A_216 = arith.cmpi ne, %convert_element_type3A_214, %cond3A_215 : i32
        scf.if %cond3A_216 {
          %ge3A = arith.constant 1 : i32
          %ge3A_217 = arith.cmpi sge, %scan3A_149, %ge3A : i32
          %convert_element_type3A_218 = arith.extui %ge3A_217 : i1 to i32
          %cond3A_219 = arith.constant 0 : i32
          %cond3A_220 = arith.cmpi ne, %convert_element_type3A_218, %cond3A_219 : i32
          scf.if %cond3A_220 {
            %dma_wait3A_232 = arith.constant 1 : i32
            %dma_wait3A_233 = arith.constant 0 : i32
            %dma_wait3A_234 = arith.constant 0 : i32
            %dma_wait3A_235 = arith.constant 0 : i32
            %dma_wait3A_236 = tpu.memref_slice %arg9[%dma_wait3A_232, %dma_wait3A_234, %dma_wait3A_235] : memref<6x125x32xf32, #tpu.memory_space<vmem>> -> memref<1x125x32xf32, #tpu.memory_space<vmem>>
            %dma_wait3A_237 = tpu.memref_squeeze %dma_wait3A_236 : memref<1x125x32xf32, #tpu.memory_space<vmem>> -> memref<125x32xf32, #tpu.memory_space<vmem>>
            %dma_wait3A_238 = arith.constant 0 : i32
            %dma_wait3A_239 = tpu.memref_slice %arg8[%dma_wait3A_233, %dma_wait3A_238] : memref<80x125xi32, #tpu.memory_space<vmem>> -> memref<1x125xi32, #tpu.memory_space<vmem>>
            %dma_wait3A_240 = tpu.memref_squeeze %dma_wait3A_239 : memref<1x125xi32, #tpu.memory_space<vmem>> -> memref<125xi32, #tpu.memory_space<vmem>>
            %dma_wait3A_241 = arith.constant 0 : i32
            %dma_wait3A_242 = arith.constant 0 : i32
            %dma_wait3A_243 = tpu.memref_slice %arg10[%dma_wait3A_241, %dma_wait3A_242] : memref<10240x32xf32, #tpu.memory_space<vmem_shared>> -> memref<10240x32xf32, #tpu.memory_space<vmem_shared>>
            tpu.wait_indirect_dma semaphore(%arg18 : memref<!tpu.dma_semaphore, #tpu.memory_space<semaphore_mem>>) src(%dma_wait3A_237 : memref<125x32xf32, #tpu.memory_space<vmem>>) dst(%dma_wait3A_243 : memref<10240x32xf32, #tpu.memory_space<vmem_shared>>)
          } else {
          }
          %dma_start3A_221 = arith.constant 1 : i32
          %dma_start3A_222 = arith.constant 0 : i32
          %dma_start3A_223 = arith.constant 0 : i32
          %dma_start3A_224 = tpu.memref_slice %arg9[%dma_start3A_221, %dma_start3A_222, %dma_start3A_223] : memref<6x125x32xf32, #tpu.memory_space<vmem>> -> memref<1x125x32xf32, #tpu.memory_space<vmem>>
          %dma_start3A_225 = tpu.memref_squeeze %dma_start3A_224 : memref<1x125x32xf32, #tpu.memory_space<vmem>> -> memref<125x32xf32, #tpu.memory_space<vmem>>
          %dma_start3A_226 = arith.constant 0 : i32
          %dma_start3A_227 = tpu.memref_slice %arg7[%sub3A_212, %dma_start3A_226] : memref<80x125xi32, #tpu.memory_space<vmem>> -> memref<1x125xi32, #tpu.memory_space<vmem>>
          %dma_start3A_228 = tpu.memref_squeeze %dma_start3A_227 : memref<1x125xi32, #tpu.memory_space<vmem>> -> memref<125xi32, #tpu.memory_space<vmem>>
          %dma_start3A_229 = arith.constant 0 : i32
          %dma_start3A_230 = arith.constant 0 : i32
          %dma_start3A_231 = tpu.memref_slice %arg2[%dma_start3A_229, %dma_start3A_230] : memref<10000x32xf32, #tpu.memory_space<hbm>> -> memref<10000x32xf32, #tpu.memory_space<hbm>>
          tpu.enqueue_indirect_dma source(%dma_start3A_231 : memref<10000x32xf32, #tpu.memory_space<hbm>>) target(%dma_start3A_225 : memref<125x32xf32, #tpu.memory_space<vmem>>) offsets(%dma_start3A_228 : memref<125xi32, #tpu.memory_space<vmem>>) semaphore(%arg12 : memref<!tpu.dma_semaphore, #tpu.memory_space<semaphore_mem>>)
        } else {
        }
      } else {
      }
      %rem3A_167 = arith.constant 6 : i32
      %rem3A_168 = arith.remsi %scan3A_149, %rem3A_167 : i32
      %eq3A_169 = arith.constant 3 : i32
      %eq3A_170 = arith.cmpi eq, %rem3A_168, %eq3A_169 : i32
      %convert_element_type3A_171 = arith.extui %eq3A_170 : i1 to i32
      %cond3A_172 = arith.constant 0 : i32
      %cond3A_173 = arith.cmpi ne, %convert_element_type3A_171, %cond3A_172 : i32
      scf.if %cond3A_173 {
        %dma_wait3A_188 = arith.constant 3 : i32
        %dma_wait3A_189 = arith.constant 0 : i32
        %dma_wait3A_190 = arith.constant 0 : i32
        %dma_wait3A_191 = tpu.memref_slice %arg9[%dma_wait3A_188, %dma_wait3A_189, %dma_wait3A_190] : memref<6x125x32xf32, #tpu.memory_space<vmem>> -> memref<1x125x32xf32, #tpu.memory_space<vmem>>
        %dma_wait3A_192 = tpu.memref_squeeze %dma_wait3A_191 : memref<1x125x32xf32, #tpu.memory_space<vmem>> -> memref<125x32xf32, #tpu.memory_space<vmem>>
        %dma_wait3A_193 = arith.constant 0 : i32
        %dma_wait3A_194 = tpu.memref_slice %arg7[%scan3A_149, %dma_wait3A_193] : memref<80x125xi32, #tpu.memory_space<vmem>> -> memref<1x125xi32, #tpu.memory_space<vmem>>
        %dma_wait3A_195 = tpu.memref_squeeze %dma_wait3A_194 : memref<1x125xi32, #tpu.memory_space<vmem>> -> memref<125xi32, #tpu.memory_space<vmem>>
        %dma_wait3A_196 = arith.constant 0 : i32
        %dma_wait3A_197 = arith.constant 0 : i32
        %dma_wait3A_198 = tpu.memref_slice %arg2[%dma_wait3A_196, %dma_wait3A_197] : memref<10000x32xf32, #tpu.memory_space<hbm>> -> memref<10000x32xf32, #tpu.memory_space<hbm>>
        tpu.wait_indirect_dma semaphore(%arg14 : memref<!tpu.dma_semaphore, #tpu.memory_space<semaphore_mem>>) src(%dma_wait3A_198 : memref<10000x32xf32, #tpu.memory_space<hbm>>) dst(%dma_wait3A_192 : memref<125x32xf32, #tpu.memory_space<vmem>>)
        %dma_start3A_199 = arith.constant 3 : i32
        %dma_start3A_200 = arith.constant 0 : i32
        %dma_start3A_201 = arith.constant 0 : i32
        %dma_start3A_202 = tpu.memref_slice %arg9[%dma_start3A_199, %dma_start3A_200, %dma_start3A_201] : memref<6x125x32xf32, #tpu.memory_space<vmem>> -> memref<1x125x32xf32, #tpu.memory_space<vmem>>
        %dma_start3A_203 = tpu.memref_squeeze %dma_start3A_202 : memref<1x125x32xf32, #tpu.memory_space<vmem>> -> memref<125x32xf32, #tpu.memory_space<vmem>>
        %dma_start3A_204 = arith.constant 0 : i32
        %dma_start3A_205 = tpu.memref_slice %arg8[%scan3A_149, %dma_start3A_204] : memref<80x125xi32, #tpu.memory_space<vmem>> -> memref<1x125xi32, #tpu.memory_space<vmem>>
        %dma_start3A_206 = tpu.memref_squeeze %dma_start3A_205 : memref<1x125xi32, #tpu.memory_space<vmem>> -> memref<125xi32, #tpu.memory_space<vmem>>
        %dma_start3A_207 = arith.constant 0 : i32
        %dma_start3A_208 = arith.constant 0 : i32
        %dma_start3A_209 = tpu.memref_slice %arg10[%dma_start3A_207, %dma_start3A_208] : memref<10240x32xf32, #tpu.memory_space<vmem_shared>> -> memref<10240x32xf32, #tpu.memory_space<vmem_shared>>
        tpu.enqueue_indirect_dma source(%dma_start3A_203 : memref<125x32xf32, #tpu.memory_space<vmem>>) target(%dma_start3A_209 : memref<10240x32xf32, #tpu.memory_space<vmem_shared>>) offsets(%dma_start3A_206 : memref<125xi32, #tpu.memory_space<vmem>>) semaphore(%arg20 : memref<!tpu.dma_semaphore, #tpu.memory_space<semaphore_mem>>) {add = true}
        %add3A_210 = arith.constant 6 : i32
        %add3A_211 = arith.addi %scan3A_149, %add3A_210 : i32
        %sub3A = arith.constant 1 : i32
        %sub3A_212 = arith.subi %add3A_211, %sub3A : i32
        %lt3A = arith.constant 80 : i32
        %lt3A_213 = arith.cmpi slt, %sub3A_212, %lt3A : i32
        %convert_element_type3A_214 = arith.extui %lt3A_213 : i1 to i32
        %cond3A_215 = arith.constant 0 : i32
        %cond3A_216 = arith.cmpi ne, %convert_element_type3A_214, %cond3A_215 : i32
        scf.if %cond3A_216 {
          %ge3A = arith.constant 1 : i32
          %ge3A_217 = arith.cmpi sge, %scan3A_149, %ge3A : i32
          %convert_element_type3A_218 = arith.extui %ge3A_217 : i1 to i32
          %cond3A_219 = arith.constant 0 : i32
          %cond3A_220 = arith.cmpi ne, %convert_element_type3A_218, %cond3A_219 : i32
          scf.if %cond3A_220 {
            %dma_wait3A_232 = arith.constant 2 : i32
            %dma_wait3A_233 = arith.constant 0 : i32
            %dma_wait3A_234 = arith.constant 0 : i32
            %dma_wait3A_235 = arith.constant 0 : i32
            %dma_wait3A_236 = tpu.memref_slice %arg9[%dma_wait3A_232, %dma_wait3A_234, %dma_wait3A_235] : memref<6x125x32xf32, #tpu.memory_space<vmem>> -> memref<1x125x32xf32, #tpu.memory_space<vmem>>
            %dma_wait3A_237 = tpu.memref_squeeze %dma_wait3A_236 : memref<1x125x32xf32, #tpu.memory_space<vmem>> -> memref<125x32xf32, #tpu.memory_space<vmem>>
            %dma_wait3A_238 = arith.constant 0 : i32
            %dma_wait3A_239 = tpu.memref_slice %arg8[%dma_wait3A_233, %dma_wait3A_238] : memref<80x125xi32, #tpu.memory_space<vmem>> -> memref<1x125xi32, #tpu.memory_space<vmem>>
            %dma_wait3A_240 = tpu.memref_squeeze %dma_wait3A_239 : memref<1x125xi32, #tpu.memory_space<vmem>> -> memref<125xi32, #tpu.memory_space<vmem>>
            %dma_wait3A_241 = arith.constant 0 : i32
            %dma_wait3A_242 = arith.constant 0 : i32
            %dma_wait3A_243 = tpu.memref_slice %arg10[%dma_wait3A_241, %dma_wait3A_242] : memref<10240x32xf32, #tpu.memory_space<vmem_shared>> -> memref<10240x32xf32, #tpu.memory_space<vmem_shared>>
            tpu.wait_indirect_dma semaphore(%arg19 : memref<!tpu.dma_semaphore, #tpu.memory_space<semaphore_mem>>) src(%dma_wait3A_237 : memref<125x32xf32, #tpu.memory_space<vmem>>) dst(%dma_wait3A_243 : memref<10240x32xf32, #tpu.memory_space<vmem_shared>>)
          } else {
          }
          %dma_start3A_221 = arith.constant 2 : i32
          %dma_start3A_222 = arith.constant 0 : i32
          %dma_start3A_223 = arith.constant 0 : i32
          %dma_start3A_224 = tpu.memref_slice %arg9[%dma_start3A_221, %dma_start3A_222, %dma_start3A_223] : memref<6x125x32xf32, #tpu.memory_space<vmem>> -> memref<1x125x32xf32, #tpu.memory_space<vmem>>
          %dma_start3A_225 = tpu.memref_squeeze %dma_start3A_224 : memref<1x125x32xf32, #tpu.memory_space<vmem>> -> memref<125x32xf32, #tpu.memory_space<vmem>>
          %dma_start3A_226 = arith.constant 0 : i32
          %dma_start3A_227 = tpu.memref_slice %arg7[%sub3A_212, %dma_start3A_226] : memref<80x125xi32, #tpu.memory_space<vmem>> -> memref<1x125xi32, #tpu.memory_space<vmem>>
          %dma_start3A_228 = tpu.memref_squeeze %dma_start3A_227 : memref<1x125xi32, #tpu.memory_space<vmem>> -> memref<125xi32, #tpu.memory_space<vmem>>
          %dma_start3A_229 = arith.constant 0 : i32
          %dma_start3A_230 = arith.constant 0 : i32
          %dma_start3A_231 = tpu.memref_slice %arg2[%dma_start3A_229, %dma_start3A_230] : memref<10000x32xf32, #tpu.memory_space<hbm>> -> memref<10000x32xf32, #tpu.memory_space<hbm>>
          tpu.enqueue_indirect_dma source(%dma_start3A_231 : memref<10000x32xf32, #tpu.memory_space<hbm>>) target(%dma_start3A_225 : memref<125x32xf32, #tpu.memory_space<vmem>>) offsets(%dma_start3A_228 : memref<125xi32, #tpu.memory_space<vmem>>) semaphore(%arg13 : memref<!tpu.dma_semaphore, #tpu.memory_space<semaphore_mem>>)
        } else {
        }
      } else {
      }
      %rem3A_174 = arith.constant 6 : i32
      %rem3A_175 = arith.remsi %scan3A_149, %rem3A_174 : i32
      %eq3A_176 = arith.constant 4 : i32
      %eq3A_177 = arith.cmpi eq, %rem3A_175, %eq3A_176 : i32
      %convert_element_type3A_178 = arith.extui %eq3A_177 : i1 to i32
      %cond3A_179 = arith.constant 0 : i32
      %cond3A_180 = arith.cmpi ne, %convert_element_type3A_178, %cond3A_179 : i32
      scf.if %cond3A_180 {
        %dma_wait3A_188 = arith.constant 4 : i32
        %dma_wait3A_189 = arith.constant 0 : i32
        %dma_wait3A_190 = arith.constant 0 : i32
        %dma_wait3A_191 = tpu.memref_slice %arg9[%dma_wait3A_188, %dma_wait3A_189, %dma_wait3A_190] : memref<6x125x32xf32, #tpu.memory_space<vmem>> -> memref<1x125x32xf32, #tpu.memory_space<vmem>>
        %dma_wait3A_192 = tpu.memref_squeeze %dma_wait3A_191 : memref<1x125x32xf32, #tpu.memory_space<vmem>> -> memref<125x32xf32, #tpu.memory_space<vmem>>
        %dma_wait3A_193 = arith.constant 0 : i32
        %dma_wait3A_194 = tpu.memref_slice %arg7[%scan3A_149, %dma_wait3A_193] : memref<80x125xi32, #tpu.memory_space<vmem>> -> memref<1x125xi32, #tpu.memory_space<vmem>>
        %dma_wait3A_195 = tpu.memref_squeeze %dma_wait3A_194 : memref<1x125xi32, #tpu.memory_space<vmem>> -> memref<125xi32, #tpu.memory_space<vmem>>
        %dma_wait3A_196 = arith.constant 0 : i32
        %dma_wait3A_197 = arith.constant 0 : i32
        %dma_wait3A_198 = tpu.memref_slice %arg2[%dma_wait3A_196, %dma_wait3A_197] : memref<10000x32xf32, #tpu.memory_space<hbm>> -> memref<10000x32xf32, #tpu.memory_space<hbm>>
        tpu.wait_indirect_dma semaphore(%arg15 : memref<!tpu.dma_semaphore, #tpu.memory_space<semaphore_mem>>) src(%dma_wait3A_198 : memref<10000x32xf32, #tpu.memory_space<hbm>>) dst(%dma_wait3A_192 : memref<125x32xf32, #tpu.memory_space<vmem>>)
        %dma_start3A_199 = arith.constant 4 : i32
        %dma_start3A_200 = arith.constant 0 : i32
        %dma_start3A_201 = arith.constant 0 : i32
        %dma_start3A_202 = tpu.memref_slice %arg9[%dma_start3A_199, %dma_start3A_200, %dma_start3A_201] : memref<6x125x32xf32, #tpu.memory_space<vmem>> -> memref<1x125x32xf32, #tpu.memory_space<vmem>>
        %dma_start3A_203 = tpu.memref_squeeze %dma_start3A_202 : memref<1x125x32xf32, #tpu.memory_space<vmem>> -> memref<125x32xf32, #tpu.memory_space<vmem>>
        %dma_start3A_204 = arith.constant 0 : i32
        %dma_start3A_205 = tpu.memref_slice %arg8[%scan3A_149, %dma_start3A_204] : memref<80x125xi32, #tpu.memory_space<vmem>> -> memref<1x125xi32, #tpu.memory_space<vmem>>
        %dma_start3A_206 = tpu.memref_squeeze %dma_start3A_205 : memref<1x125xi32, #tpu.memory_space<vmem>> -> memref<125xi32, #tpu.memory_space<vmem>>
        %dma_start3A_207 = arith.constant 0 : i32
        %dma_start3A_208 = arith.constant 0 : i32
        %dma_start3A_209 = tpu.memref_slice %arg10[%dma_start3A_207, %dma_start3A_208] : memref<10240x32xf32, #tpu.memory_space<vmem_shared>> -> memref<10240x32xf32, #tpu.memory_space<vmem_shared>>
        tpu.enqueue_indirect_dma source(%dma_start3A_203 : memref<125x32xf32, #tpu.memory_space<vmem>>) target(%dma_start3A_209 : memref<10240x32xf32, #tpu.memory_space<vmem_shared>>) offsets(%dma_start3A_206 : memref<125xi32, #tpu.memory_space<vmem>>) semaphore(%arg21 : memref<!tpu.dma_semaphore, #tpu.memory_space<semaphore_mem>>) {add = true}
        %add3A_210 = arith.constant 6 : i32
        %add3A_211 = arith.addi %scan3A_149, %add3A_210 : i32
        %sub3A = arith.constant 1 : i32
        %sub3A_212 = arith.subi %add3A_211, %sub3A : i32
        %lt3A = arith.constant 80 : i32
        %lt3A_213 = arith.cmpi slt, %sub3A_212, %lt3A : i32
        %convert_element_type3A_214 = arith.extui %lt3A_213 : i1 to i32
        %cond3A_215 = arith.constant 0 : i32
        %cond3A_216 = arith.cmpi ne, %convert_element_type3A_214, %cond3A_215 : i32
        scf.if %cond3A_216 {
          %ge3A = arith.constant 1 : i32
          %ge3A_217 = arith.cmpi sge, %scan3A_149, %ge3A : i32
          %convert_element_type3A_218 = arith.extui %ge3A_217 : i1 to i32
          %cond3A_219 = arith.constant 0 : i32
          %cond3A_220 = arith.cmpi ne, %convert_element_type3A_218, %cond3A_219 : i32
          scf.if %cond3A_220 {
            %dma_wait3A_232 = arith.constant 3 : i32
            %dma_wait3A_233 = arith.constant 0 : i32
            %dma_wait3A_234 = arith.constant 0 : i32
            %dma_wait3A_235 = arith.constant 0 : i32
            %dma_wait3A_236 = tpu.memref_slice %arg9[%dma_wait3A_232, %dma_wait3A_234, %dma_wait3A_235] : memref<6x125x32xf32, #tpu.memory_space<vmem>> -> memref<1x125x32xf32, #tpu.memory_space<vmem>>
            %dma_wait3A_237 = tpu.memref_squeeze %dma_wait3A_236 : memref<1x125x32xf32, #tpu.memory_space<vmem>> -> memref<125x32xf32, #tpu.memory_space<vmem>>
            %dma_wait3A_238 = arith.constant 0 : i32
            %dma_wait3A_239 = tpu.memref_slice %arg8[%dma_wait3A_233, %dma_wait3A_238] : memref<80x125xi32, #tpu.memory_space<vmem>> -> memref<1x125xi32, #tpu.memory_space<vmem>>
            %dma_wait3A_240 = tpu.memref_squeeze %dma_wait3A_239 : memref<1x125xi32, #tpu.memory_space<vmem>> -> memref<125xi32, #tpu.memory_space<vmem>>
            %dma_wait3A_241 = arith.constant 0 : i32
            %dma_wait3A_242 = arith.constant 0 : i32
            %dma_wait3A_243 = tpu.memref_slice %arg10[%dma_wait3A_241, %dma_wait3A_242] : memref<10240x32xf32, #tpu.memory_space<vmem_shared>> -> memref<10240x32xf32, #tpu.memory_space<vmem_shared>>
            tpu.wait_indirect_dma semaphore(%arg20 : memref<!tpu.dma_semaphore, #tpu.memory_space<semaphore_mem>>) src(%dma_wait3A_237 : memref<125x32xf32, #tpu.memory_space<vmem>>) dst(%dma_wait3A_243 : memref<10240x32xf32, #tpu.memory_space<vmem_shared>>)
          } else {
          }
          %dma_start3A_221 = arith.constant 3 : i32
          %dma_start3A_222 = arith.constant 0 : i32
          %dma_start3A_223 = arith.constant 0 : i32
          %dma_start3A_224 = tpu.memref_slice %arg9[%dma_start3A_221, %dma_start3A_222, %dma_start3A_223] : memref<6x125x32xf32, #tpu.memory_space<vmem>> -> memref<1x125x32xf32, #tpu.memory_space<vmem>>
          %dma_start3A_225 = tpu.memref_squeeze %dma_start3A_224 : memref<1x125x32xf32, #tpu.memory_space<vmem>> -> memref<125x32xf32, #tpu.memory_space<vmem>>
          %dma_start3A_226 = arith.constant 0 : i32
          %dma_start3A_227 = tpu.memref_slice %arg7[%sub3A_212, %dma_start3A_226] : memref<80x125xi32, #tpu.memory_space<vmem>> -> memref<1x125xi32, #tpu.memory_space<vmem>>
          %dma_start3A_228 = tpu.memref_squeeze %dma_start3A_227 : memref<1x125xi32, #tpu.memory_space<vmem>> -> memref<125xi32, #tpu.memory_space<vmem>>
          %dma_start3A_229 = arith.constant 0 : i32
          %dma_start3A_230 = arith.constant 0 : i32
          %dma_start3A_231 = tpu.memref_slice %arg2[%dma_start3A_229, %dma_start3A_230] : memref<10000x32xf32, #tpu.memory_space<hbm>> -> memref<10000x32xf32, #tpu.memory_space<hbm>>
          tpu.enqueue_indirect_dma source(%dma_start3A_231 : memref<10000x32xf32, #tpu.memory_space<hbm>>) target(%dma_start3A_225 : memref<125x32xf32, #tpu.memory_space<vmem>>) offsets(%dma_start3A_228 : memref<125xi32, #tpu.memory_space<vmem>>) semaphore(%arg14 : memref<!tpu.dma_semaphore, #tpu.memory_space<semaphore_mem>>)
        } else {
        }
      } else {
      }
      %rem3A_181 = arith.constant 6 : i32
      %rem3A_182 = arith.remsi %scan3A_149, %rem3A_181 : i32
      %eq3A_183 = arith.constant 5 : i32
      %eq3A_184 = arith.cmpi eq, %rem3A_182, %eq3A_183 : i32
      %convert_element_type3A_185 = arith.extui %eq3A_184 : i1 to i32
      %cond3A_186 = arith.constant 0 : i32
      %cond3A_187 = arith.cmpi ne, %convert_element_type3A_185, %cond3A_186 : i32
      scf.if %cond3A_187 {
        %dma_wait3A_188 = arith.constant 5 : i32
        %dma_wait3A_189 = arith.constant 0 : i32
        %dma_wait3A_190 = arith.constant 0 : i32
        %dma_wait3A_191 = tpu.memref_slice %arg9[%dma_wait3A_188, %dma_wait3A_189, %dma_wait3A_190] : memref<6x125x32xf32, #tpu.memory_space<vmem>> -> memref<1x125x32xf32, #tpu.memory_space<vmem>>
        %dma_wait3A_192 = tpu.memref_squeeze %dma_wait3A_191 : memref<1x125x32xf32, #tpu.memory_space<vmem>> -> memref<125x32xf32, #tpu.memory_space<vmem>>
        %dma_wait3A_193 = arith.constant 0 : i32
        %dma_wait3A_194 = tpu.memref_slice %arg7[%scan3A_149, %dma_wait3A_193] : memref<80x125xi32, #tpu.memory_space<vmem>> -> memref<1x125xi32, #tpu.memory_space<vmem>>
        %dma_wait3A_195 = tpu.memref_squeeze %dma_wait3A_194 : memref<1x125xi32, #tpu.memory_space<vmem>> -> memref<125xi32, #tpu.memory_space<vmem>>
        %dma_wait3A_196 = arith.constant 0 : i32
        %dma_wait3A_197 = arith.constant 0 : i32
        %dma_wait3A_198 = tpu.memref_slice %arg2[%dma_wait3A_196, %dma_wait3A_197] : memref<10000x32xf32, #tpu.memory_space<hbm>> -> memref<10000x32xf32, #tpu.memory_space<hbm>>
        tpu.wait_indirect_dma semaphore(%arg16 : memref<!tpu.dma_semaphore, #tpu.memory_space<semaphore_mem>>) src(%dma_wait3A_198 : memref<10000x32xf32, #tpu.memory_space<hbm>>) dst(%dma_wait3A_192 : memref<125x32xf32, #tpu.memory_space<vmem>>)
        %dma_start3A_199 = arith.constant 5 : i32
        %dma_start3A_200 = arith.constant 0 : i32
        %dma_start3A_201 = arith.constant 0 : i32
        %dma_start3A_202 = tpu.memref_slice %arg9[%dma_start3A_199, %dma_start3A_200, %dma_start3A_201] : memref<6x125x32xf32, #tpu.memory_space<vmem>> -> memref<1x125x32xf32, #tpu.memory_space<vmem>>
        %dma_start3A_203 = tpu.memref_squeeze %dma_start3A_202 : memref<1x125x32xf32, #tpu.memory_space<vmem>> -> memref<125x32xf32, #tpu.memory_space<vmem>>
        %dma_start3A_204 = arith.constant 0 : i32
        %dma_start3A_205 = tpu.memref_slice %arg8[%scan3A_149, %dma_start3A_204] : memref<80x125xi32, #tpu.memory_space<vmem>> -> memref<1x125xi32, #tpu.memory_space<vmem>>
        %dma_start3A_206 = tpu.memref_squeeze %dma_start3A_205 : memref<1x125xi32, #tpu.memory_space<vmem>> -> memref<125xi32, #tpu.memory_space<vmem>>
        %dma_start3A_207 = arith.constant 0 : i32
        %dma_start3A_208 = arith.constant 0 : i32
        %dma_start3A_209 = tpu.memref_slice %arg10[%dma_start3A_207, %dma_start3A_208] : memref<10240x32xf32, #tpu.memory_space<vmem_shared>> -> memref<10240x32xf32, #tpu.memory_space<vmem_shared>>
        tpu.enqueue_indirect_dma source(%dma_start3A_203 : memref<125x32xf32, #tpu.memory_space<vmem>>) target(%dma_start3A_209 : memref<10240x32xf32, #tpu.memory_space<vmem_shared>>) offsets(%dma_start3A_206 : memref<125xi32, #tpu.memory_space<vmem>>) semaphore(%arg22 : memref<!tpu.dma_semaphore, #tpu.memory_space<semaphore_mem>>) {add = true}
        %add3A_210 = arith.constant 6 : i32
        %add3A_211 = arith.addi %scan3A_149, %add3A_210 : i32
        %sub3A = arith.constant 1 : i32
        %sub3A_212 = arith.subi %add3A_211, %sub3A : i32
        %lt3A = arith.constant 80 : i32
        %lt3A_213 = arith.cmpi slt, %sub3A_212, %lt3A : i32
        %convert_element_type3A_214 = arith.extui %lt3A_213 : i1 to i32
        %cond3A_215 = arith.constant 0 : i32
        %cond3A_216 = arith.cmpi ne, %convert_element_type3A_214, %cond3A_215 : i32
        scf.if %cond3A_216 {
          %ge3A = arith.constant 1 : i32
          %ge3A_217 = arith.cmpi sge, %scan3A_149, %ge3A : i32
          %convert_element_type3A_218 = arith.extui %ge3A_217 : i1 to i32
          %cond3A_219 = arith.constant 0 : i32
          %cond3A_220 = arith.cmpi ne, %convert_element_type3A_218, %cond3A_219 : i32
          scf.if %cond3A_220 {
            %dma_wait3A_232 = arith.constant 4 : i32
            %dma_wait3A_233 = arith.constant 0 : i32
            %dma_wait3A_234 = arith.constant 0 : i32
            %dma_wait3A_235 = arith.constant 0 : i32
            %dma_wait3A_236 = tpu.memref_slice %arg9[%dma_wait3A_232, %dma_wait3A_234, %dma_wait3A_235] : memref<6x125x32xf32, #tpu.memory_space<vmem>> -> memref<1x125x32xf32, #tpu.memory_space<vmem>>
            %dma_wait3A_237 = tpu.memref_squeeze %dma_wait3A_236 : memref<1x125x32xf32, #tpu.memory_space<vmem>> -> memref<125x32xf32, #tpu.memory_space<vmem>>
            %dma_wait3A_238 = arith.constant 0 : i32
            %dma_wait3A_239 = tpu.memref_slice %arg8[%dma_wait3A_233, %dma_wait3A_238] : memref<80x125xi32, #tpu.memory_space<vmem>> -> memref<1x125xi32, #tpu.memory_space<vmem>>
            %dma_wait3A_240 = tpu.memref_squeeze %dma_wait3A_239 : memref<1x125xi32, #tpu.memory_space<vmem>> -> memref<125xi32, #tpu.memory_space<vmem>>
            %dma_wait3A_241 = arith.constant 0 : i32
            %dma_wait3A_242 = arith.constant 0 : i32
            %dma_wait3A_243 = tpu.memref_slice %arg10[%dma_wait3A_241, %dma_wait3A_242] : memref<10240x32xf32, #tpu.memory_space<vmem_shared>> -> memref<10240x32xf32, #tpu.memory_space<vmem_shared>>
            tpu.wait_indirect_dma semaphore(%arg21 : memref<!tpu.dma_semaphore, #tpu.memory_space<semaphore_mem>>) src(%dma_wait3A_237 : memref<125x32xf32, #tpu.memory_space<vmem>>) dst(%dma_wait3A_243 : memref<10240x32xf32, #tpu.memory_space<vmem_shared>>)
          } else {
          }
          %dma_start3A_221 = arith.constant 4 : i32
          %dma_start3A_222 = arith.constant 0 : i32
          %dma_start3A_223 = arith.constant 0 : i32
          %dma_start3A_224 = tpu.memref_slice %arg9[%dma_start3A_221, %dma_start3A_222, %dma_start3A_223] : memref<6x125x32xf32, #tpu.memory_space<vmem>> -> memref<1x125x32xf32, #tpu.memory_space<vmem>>
          %dma_start3A_225 = tpu.memref_squeeze %dma_start3A_224 : memref<1x125x32xf32, #tpu.memory_space<vmem>> -> memref<125x32xf32, #tpu.memory_space<vmem>>
          %dma_start3A_226 = arith.constant 0 : i32
          %dma_start3A_227 = tpu.memref_slice %arg7[%sub3A_212, %dma_start3A_226] : memref<80x125xi32, #tpu.memory_space<vmem>> -> memref<1x125xi32, #tpu.memory_space<vmem>>
          %dma_start3A_228 = tpu.memref_squeeze %dma_start3A_227 : memref<1x125xi32, #tpu.memory_space<vmem>> -> memref<125xi32, #tpu.memory_space<vmem>>
          %dma_start3A_229 = arith.constant 0 : i32
          %dma_start3A_230 = arith.constant 0 : i32
          %dma_start3A_231 = tpu.memref_slice %arg2[%dma_start3A_229, %dma_start3A_230] : memref<10000x32xf32, #tpu.memory_space<hbm>> -> memref<10000x32xf32, #tpu.memory_space<hbm>>
          tpu.enqueue_indirect_dma source(%dma_start3A_231 : memref<10000x32xf32, #tpu.memory_space<hbm>>) target(%dma_start3A_225 : memref<125x32xf32, #tpu.memory_space<vmem>>) offsets(%dma_start3A_228 : memref<125xi32, #tpu.memory_space<vmem>>) semaphore(%arg15 : memref<!tpu.dma_semaphore, #tpu.memory_space<semaphore_mem>>)
        } else {
        }
      } else {
      }
    }
    %scan3A_72 = arith.constant 80 : i32
    %dma_wait3A = arith.constant 0 : i32
    %dma_wait3A_73 = arith.constant 0 : i32
    %dma_wait3A_74 = arith.constant 0 : i32
    %dma_wait3A_75 = arith.constant 0 : i32
    %dma_wait3A_76 = tpu.memref_slice %arg9[%dma_wait3A, %dma_wait3A_74, %dma_wait3A_75] : memref<6x125x32xf32, #tpu.memory_space<vmem>> -> memref<1x125x32xf32, #tpu.memory_space<vmem>>
    %dma_wait3A_77 = tpu.memref_squeeze %dma_wait3A_76 : memref<1x125x32xf32, #tpu.memory_space<vmem>> -> memref<125x32xf32, #tpu.memory_space<vmem>>
    %dma_wait3A_78 = arith.constant 0 : i32
    %dma_wait3A_79 = tpu.memref_slice %arg8[%dma_wait3A_73, %dma_wait3A_78] : memref<80x125xi32, #tpu.memory_space<vmem>> -> memref<1x125xi32, #tpu.memory_space<vmem>>
    %dma_wait3A_80 = tpu.memref_squeeze %dma_wait3A_79 : memref<1x125xi32, #tpu.memory_space<vmem>> -> memref<125xi32, #tpu.memory_space<vmem>>
    %dma_wait3A_81 = arith.constant 0 : i32
    %dma_wait3A_82 = arith.constant 0 : i32
    %dma_wait3A_83 = tpu.memref_slice %arg10[%dma_wait3A_81, %dma_wait3A_82] : memref<10240x32xf32, #tpu.memory_space<vmem_shared>> -> memref<10240x32xf32, #tpu.memory_space<vmem_shared>>
    tpu.wait_indirect_dma semaphore(%arg17 : memref<!tpu.dma_semaphore, #tpu.memory_space<semaphore_mem>>) src(%dma_wait3A_77 : memref<125x32xf32, #tpu.memory_space<vmem>>) dst(%dma_wait3A_83 : memref<10240x32xf32, #tpu.memory_space<vmem_shared>>)
    %dma_wait3A_84 = arith.constant 1 : i32
    %dma_wait3A_85 = arith.constant 0 : i32
    %dma_wait3A_86 = arith.constant 0 : i32
    %dma_wait3A_87 = arith.constant 0 : i32
    %dma_wait3A_88 = tpu.memref_slice %arg9[%dma_wait3A_84, %dma_wait3A_86, %dma_wait3A_87] : memref<6x125x32xf32, #tpu.memory_space<vmem>> -> memref<1x125x32xf32, #tpu.memory_space<vmem>>
    %dma_wait3A_89 = tpu.memref_squeeze %dma_wait3A_88 : memref<1x125x32xf32, #tpu.memory_space<vmem>> -> memref<125x32xf32, #tpu.memory_space<vmem>>
    %dma_wait3A_90 = arith.constant 0 : i32
    %dma_wait3A_91 = tpu.memref_slice %arg8[%dma_wait3A_85, %dma_wait3A_90] : memref<80x125xi32, #tpu.memory_space<vmem>> -> memref<1x125xi32, #tpu.memory_space<vmem>>
    %dma_wait3A_92 = tpu.memref_squeeze %dma_wait3A_91 : memref<1x125xi32, #tpu.memory_space<vmem>> -> memref<125xi32, #tpu.memory_space<vmem>>
    %dma_wait3A_93 = arith.constant 0 : i32
    %dma_wait3A_94 = arith.constant 0 : i32
    %dma_wait3A_95 = tpu.memref_slice %arg10[%dma_wait3A_93, %dma_wait3A_94] : memref<10240x32xf32, #tpu.memory_space<vmem_shared>> -> memref<10240x32xf32, #tpu.memory_space<vmem_shared>>
    tpu.wait_indirect_dma semaphore(%arg18 : memref<!tpu.dma_semaphore, #tpu.memory_space<semaphore_mem>>) src(%dma_wait3A_89 : memref<125x32xf32, #tpu.memory_space<vmem>>) dst(%dma_wait3A_95 : memref<10240x32xf32, #tpu.memory_space<vmem_shared>>)
    %dma_wait3A_96 = arith.constant 2 : i32
    %dma_wait3A_97 = arith.constant 0 : i32
    %dma_wait3A_98 = arith.constant 0 : i32
    %dma_wait3A_99 = arith.constant 0 : i32
    %dma_wait3A_100 = tpu.memref_slice %arg9[%dma_wait3A_96, %dma_wait3A_98, %dma_wait3A_99] : memref<6x125x32xf32, #tpu.memory_space<vmem>> -> memref<1x125x32xf32, #tpu.memory_space<vmem>>
    %dma_wait3A_101 = tpu.memref_squeeze %dma_wait3A_100 : memref<1x125x32xf32, #tpu.memory_space<vmem>> -> memref<125x32xf32, #tpu.memory_space<vmem>>
    %dma_wait3A_102 = arith.constant 0 : i32
    %dma_wait3A_103 = tpu.memref_slice %arg8[%dma_wait3A_97, %dma_wait3A_102] : memref<80x125xi32, #tpu.memory_space<vmem>> -> memref<1x125xi32, #tpu.memory_space<vmem>>
    %dma_wait3A_104 = tpu.memref_squeeze %dma_wait3A_103 : memref<1x125xi32, #tpu.memory_space<vmem>> -> memref<125xi32, #tpu.memory_space<vmem>>
    %dma_wait3A_105 = arith.constant 0 : i32
    %dma_wait3A_106 = arith.constant 0 : i32
    %dma_wait3A_107 = tpu.memref_slice %arg10[%dma_wait3A_105, %dma_wait3A_106] : memref<10240x32xf32, #tpu.memory_space<vmem_shared>> -> memref<10240x32xf32, #tpu.memory_space<vmem_shared>>
    tpu.wait_indirect_dma semaphore(%arg19 : memref<!tpu.dma_semaphore, #tpu.memory_space<semaphore_mem>>) src(%dma_wait3A_101 : memref<125x32xf32, #tpu.memory_space<vmem>>) dst(%dma_wait3A_107 : memref<10240x32xf32, #tpu.memory_space<vmem_shared>>)
    %dma_wait3A_108 = arith.constant 3 : i32
    %dma_wait3A_109 = arith.constant 0 : i32
    %dma_wait3A_110 = arith.constant 0 : i32
    %dma_wait3A_111 = arith.constant 0 : i32
    %dma_wait3A_112 = tpu.memref_slice %arg9[%dma_wait3A_108, %dma_wait3A_110, %dma_wait3A_111] : memref<6x125x32xf32, #tpu.memory_space<vmem>> -> memref<1x125x32xf32, #tpu.memory_space<vmem>>
    %dma_wait3A_113 = tpu.memref_squeeze %dma_wait3A_112 : memref<1x125x32xf32, #tpu.memory_space<vmem>> -> memref<125x32xf32, #tpu.memory_space<vmem>>
    %dma_wait3A_114 = arith.constant 0 : i32
    %dma_wait3A_115 = tpu.memref_slice %arg8[%dma_wait3A_109, %dma_wait3A_114] : memref<80x125xi32, #tpu.memory_space<vmem>> -> memref<1x125xi32, #tpu.memory_space<vmem>>
    %dma_wait3A_116 = tpu.memref_squeeze %dma_wait3A_115 : memref<1x125xi32, #tpu.memory_space<vmem>> -> memref<125xi32, #tpu.memory_space<vmem>>
    %dma_wait3A_117 = arith.constant 0 : i32
    %dma_wait3A_118 = arith.constant 0 : i32
    %dma_wait3A_119 = tpu.memref_slice %arg10[%dma_wait3A_117, %dma_wait3A_118] : memref<10240x32xf32, #tpu.memory_space<vmem_shared>> -> memref<10240x32xf32, #tpu.memory_space<vmem_shared>>
    tpu.wait_indirect_dma semaphore(%arg20 : memref<!tpu.dma_semaphore, #tpu.memory_space<semaphore_mem>>) src(%dma_wait3A_113 : memref<125x32xf32, #tpu.memory_space<vmem>>) dst(%dma_wait3A_119 : memref<10240x32xf32, #tpu.memory_space<vmem_shared>>)
    %dma_wait3A_120 = arith.constant 4 : i32
    %dma_wait3A_121 = arith.constant 0 : i32
    %dma_wait3A_122 = arith.constant 0 : i32
    %dma_wait3A_123 = arith.constant 0 : i32
    %dma_wait3A_124 = tpu.memref_slice %arg9[%dma_wait3A_120, %dma_wait3A_122, %dma_wait3A_123] : memref<6x125x32xf32, #tpu.memory_space<vmem>> -> memref<1x125x32xf32, #tpu.memory_space<vmem>>
    %dma_wait3A_125 = tpu.memref_squeeze %dma_wait3A_124 : memref<1x125x32xf32, #tpu.memory_space<vmem>> -> memref<125x32xf32, #tpu.memory_space<vmem>>
    %dma_wait3A_126 = arith.constant 0 : i32
    %dma_wait3A_127 = tpu.memref_slice %arg8[%dma_wait3A_121, %dma_wait3A_126] : memref<80x125xi32, #tpu.memory_space<vmem>> -> memref<1x125xi32, #tpu.memory_space<vmem>>
    %dma_wait3A_128 = tpu.memref_squeeze %dma_wait3A_127 : memref<1x125xi32, #tpu.memory_space<vmem>> -> memref<125xi32, #tpu.memory_space<vmem>>
    %dma_wait3A_129 = arith.constant 0 : i32
    %dma_wait3A_130 = arith.constant 0 : i32
    %dma_wait3A_131 = tpu.memref_slice %arg10[%dma_wait3A_129, %dma_wait3A_130] : memref<10240x32xf32, #tpu.memory_space<vmem_shared>> -> memref<10240x32xf32, #tpu.memory_space<vmem_shared>>
    tpu.wait_indirect_dma semaphore(%arg21 : memref<!tpu.dma_semaphore, #tpu.memory_space<semaphore_mem>>) src(%dma_wait3A_125 : memref<125x32xf32, #tpu.memory_space<vmem>>) dst(%dma_wait3A_131 : memref<10240x32xf32, #tpu.memory_space<vmem_shared>>)
    %dma_wait3A_132 = arith.constant 5 : i32
    %dma_wait3A_133 = arith.constant 0 : i32
    %dma_wait3A_134 = arith.constant 0 : i32
    %dma_wait3A_135 = arith.constant 0 : i32
    %dma_wait3A_136 = tpu.memref_slice %arg9[%dma_wait3A_132, %dma_wait3A_134, %dma_wait3A_135] : memref<6x125x32xf32, #tpu.memory_space<vmem>> -> memref<1x125x32xf32, #tpu.memory_space<vmem>>
    %dma_wait3A_137 = tpu.memref_squeeze %dma_wait3A_136 : memref<1x125x32xf32, #tpu.memory_space<vmem>> -> memref<125x32xf32, #tpu.memory_space<vmem>>
    %dma_wait3A_138 = arith.constant 0 : i32
    %dma_wait3A_139 = tpu.memref_slice %arg8[%dma_wait3A_133, %dma_wait3A_138] : memref<80x125xi32, #tpu.memory_space<vmem>> -> memref<1x125xi32, #tpu.memory_space<vmem>>
    %dma_wait3A_140 = tpu.memref_squeeze %dma_wait3A_139 : memref<1x125xi32, #tpu.memory_space<vmem>> -> memref<125xi32, #tpu.memory_space<vmem>>
    %dma_wait3A_141 = arith.constant 0 : i32
    %dma_wait3A_142 = arith.constant 0 : i32
    %dma_wait3A_143 = tpu.memref_slice %arg10[%dma_wait3A_141, %dma_wait3A_142] : memref<10240x32xf32, #tpu.memory_space<vmem_shared>> -> memref<10240x32xf32, #tpu.memory_space<vmem_shared>>
    tpu.wait_indirect_dma semaphore(%arg22 : memref<!tpu.dma_semaphore, #tpu.memory_space<semaphore_mem>>) src(%dma_wait3A_137 : memref<125x32xf32, #tpu.memory_space<vmem>>) dst(%dma_wait3A_143 : memref<10240x32xf32, #tpu.memory_space<vmem_shared>>)
    %barrier3A_144 = arith.constant 0 : index
    tpu.barrier barrier_id(%barrier3A_144)
    %mul3A_145 = arith.constant 640 : i32
    %mul3A_146 = arith.muli %arg1, %mul3A_145 : i32
    %mul3A_147 = arith.constant 640 : i32
    %mul3A_148 = arith.muli %arg1, %mul3A_147 : i32
    "tpu.region"() ({
      %run_scoped3A = tpu.sem_alloc : memref<!tpu.dma_semaphore, #tpu.memory_space<semaphore_mem>>
      %dma_start3A_149 = arith.constant 0 : i32
      %dma_start3A_150 = tpu.memref_slice %arg6[%arg0, %mul3A_148, %dma_start3A_149] : memref<2x10240x32xf32, #tpu.memory_space<hbm>> -> memref<1x640x32xf32, #tpu.memory_space<hbm>>
      %dma_start3A_151 = tpu.memref_squeeze %dma_start3A_150 : memref<1x640x32xf32, #tpu.memory_space<hbm>> -> memref<640x32xf32, #tpu.memory_space<hbm>>
      %dma_start3A_152 = arith.constant 0 : i32
      %dma_start3A_153 = tpu.memref_slice %arg10[%mul3A_146, %dma_start3A_152] : memref<10240x32xf32, #tpu.memory_space<vmem_shared>> -> memref<640x32xf32, #tpu.memory_space<vmem_shared>>
      tpu.enqueue_dma source(%dma_start3A_153 : memref<640x32xf32, #tpu.memory_space<vmem_shared>>) target(%dma_start3A_151 : memref<640x32xf32, #tpu.memory_space<hbm>>) target_semaphore(%run_scoped3A : memref<!tpu.dma_semaphore, #tpu.memory_space<semaphore_mem>>)
      %dma_wait3A_154 = arith.constant 0 : i32
      %dma_wait3A_155 = tpu.memref_slice %arg6[%arg0, %mul3A_148, %dma_wait3A_154] : memref<2x10240x32xf32, #tpu.memory_space<hbm>> -> memref<1x640x32xf32, #tpu.memory_space<hbm>>
      %dma_wait3A_156 = tpu.memref_squeeze %dma_wait3A_155 : memref<1x640x32xf32, #tpu.memory_space<hbm>> -> memref<640x32xf32, #tpu.memory_space<hbm>>
      %dma_wait3A_157 = arith.constant 0 : i32
      %dma_wait3A_158 = tpu.memref_slice %arg10[%mul3A_146, %dma_wait3A_157] : memref<10240x32xf32, #tpu.memory_space<vmem_shared>> -> memref<640x32xf32, #tpu.memory_space<vmem_shared>>
      tpu.wait_dma2 semaphore(%run_scoped3A : memref<!tpu.dma_semaphore, #tpu.memory_space<semaphore_mem>>) src(%dma_wait3A_158 : memref<640x32xf32, #tpu.memory_space<vmem_shared>>) dst(%dma_wait3A_156 : memref<640x32xf32, #tpu.memory_space<hbm>>)
      tpu.yield
    }) : () -> ()
    return
  }
}

#map = affine_map<(d0, d1) -> (0, 0)>
#map1 = affine_map<(d0, d1) -> (0, 0, 0)>
module attributes {stable_mosaic.version = 14 : i64} {
  func.func @seg_sum(%arg0: i32, %arg1: i32, %arg2: memref<10000x16xf32, #tpu.memory_space<hbm>>, %arg3: memref<2560x125xi32, #tpu.memory_space<hbm>>, %arg4: memref<2560x125xi32, #tpu.memory_space<hbm>>, %arg5: memref<10240x16xf32, #tpu.memory_space<hbm>>, %arg6: memref<2x10240x16xf32, #tpu.memory_space<hbm>>, %arg7: memref<80x125xi32, #tpu.memory_space<vmem>>, %arg8: memref<80x125xi32, #tpu.memory_space<vmem>>, %arg9: memref<6x125x16xf32, #tpu.memory_space<vmem>>, %arg10: memref<10240x16xf32, #tpu.memory_space<vmem_shared>>, %arg11: memref<!tpu.dma_semaphore, #tpu.memory_space<semaphore_mem>>, %arg12: memref<!tpu.dma_semaphore, #tpu.memory_space<semaphore_mem>>, %arg13: memref<!tpu.dma_semaphore, #tpu.memory_space<semaphore_mem>>, %arg14: memref<!tpu.dma_semaphore, #tpu.memory_space<semaphore_mem>>, %arg15: memref<!tpu.dma_semaphore, #tpu.memory_space<semaphore_mem>>, %arg16: memref<!tpu.dma_semaphore, #tpu.memory_space<semaphore_mem>>, %arg17: memref<!tpu.dma_semaphore, #tpu.memory_space<semaphore_mem>>, %arg18: memref<!tpu.dma_semaphore, #tpu.memory_space<semaphore_mem>>, %arg19: memref<!tpu.dma_semaphore, #tpu.memory_space<semaphore_mem>>, %arg20: memref<!tpu.dma_semaphore, #tpu.memory_space<semaphore_mem>>, %arg21: memref<!tpu.dma_semaphore, #tpu.memory_space<semaphore_mem>>, %arg22: memref<!tpu.dma_semaphore, #tpu.memory_space<semaphore_mem>>) attributes {dimension_semantics = [#tpu.dimension_semantics<core_parallel>, #tpu.dimension_semantics<subcore_parallel>], iteration_bounds = array<i64: 2, 16>, scalar_prefetch = 0 : i64, scratch_operands = 16 : i64, tpu.core_type = #tpu.core_type<sc_vector_subcore>, window_params = [{transform_indices = #map}, {transform_indices = #map}, {transform_indices = #map}, {transform_indices = #map}, {transform_indices = #map1}]} {
    %mul3A = arith.constant 2 : i32
    %mul3A_0 = arith.muli %arg1, %mul3A : i32
    %add3A = arith.addi %mul3A_0, %arg0 : i32
    %mul3A_1 = arith.constant 640 : i32
    %mul3A_2 = arith.muli %arg1, %mul3A_1 : i32
    %mul3A_3 = arith.constant 640 : i32
    %mul3A_4 = arith.muli %arg1, %mul3A_3 : i32
    "tpu.region"() ({
      %run_scoped3A = tpu.sem_alloc : memref<!tpu.dma_semaphore, #tpu.memory_space<semaphore_mem>>
      %dma_start3A_149 = arith.constant 0 : i32
      %dma_start3A_150 = tpu.memref_slice %arg10[%mul3A_4, %dma_start3A_149] : memref<10240x16xf32, #tpu.memory_space<vmem_shared>> -> memref<640x16xf32, #tpu.memory_space<vmem_shared>>
      %dma_start3A_151 = arith.constant 0 : i32
      %dma_start3A_152 = tpu.memref_slice %arg5[%mul3A_2, %dma_start3A_151] : memref<10240x16xf32, #tpu.memory_space<hbm>> -> memref<640x16xf32, #tpu.memory_space<hbm>>
      tpu.enqueue_dma source(%dma_start3A_152 : memref<640x16xf32, #tpu.memory_space<hbm>>) target(%dma_start3A_150 : memref<640x16xf32, #tpu.memory_space<vmem_shared>>) target_semaphore(%run_scoped3A : memref<!tpu.dma_semaphore, #tpu.memory_space<semaphore_mem>>)
      %dma_wait3A_153 = arith.constant 0 : i32
      %dma_wait3A_154 = tpu.memref_slice %arg10[%mul3A_4, %dma_wait3A_153] : memref<10240x16xf32, #tpu.memory_space<vmem_shared>> -> memref<640x16xf32, #tpu.memory_space<vmem_shared>>
      %dma_wait3A_155 = arith.constant 0 : i32
      %dma_wait3A_156 = tpu.memref_slice %arg5[%mul3A_2, %dma_wait3A_155] : memref<10240x16xf32, #tpu.memory_space<hbm>> -> memref<640x16xf32, #tpu.memory_space<hbm>>
      tpu.wait_dma2 semaphore(%run_scoped3A : memref<!tpu.dma_semaphore, #tpu.memory_space<semaphore_mem>>) src(%dma_wait3A_156 : memref<640x16xf32, #tpu.memory_space<hbm>>) dst(%dma_wait3A_154 : memref<640x16xf32, #tpu.memory_space<vmem_shared>>)
      tpu.yield
    }) : () -> ()
    %mul3A_5 = arith.constant 80 : i32
    %mul3A_6 = arith.muli %add3A, %mul3A_5 : i32
    "tpu.region"() ({
      %run_scoped3A = tpu.sem_alloc : memref<!tpu.dma_semaphore, #tpu.memory_space<semaphore_mem>>
      %dma_start3A_149 = arith.constant 0 : i32
      %dma_start3A_150 = tpu.memref_slice %arg3[%mul3A_6, %dma_start3A_149] : memref<2560x125xi32, #tpu.memory_space<hbm>> -> memref<80x125xi32, #tpu.memory_space<hbm>>
      %dma_start3A_151 = arith.constant 0 : i32
      %dma_start3A_152 = tpu.memref_slice %arg3[%mul3A_6, %dma_start3A_151] : memref<2560x125xi32, #tpu.memory_space<hbm>> -> memref<80x125xi32, #tpu.memory_space<hbm>>
      tpu.enqueue_dma source(%dma_start3A_152 : memref<80x125xi32, #tpu.memory_space<hbm>>) target(%arg7 : memref<80x125xi32, #tpu.memory_space<vmem>>) target_semaphore(%run_scoped3A : memref<!tpu.dma_semaphore, #tpu.memory_space<semaphore_mem>>)
      %dma_wait3A_153 = arith.constant 0 : i32
      %dma_wait3A_154 = tpu.memref_slice %arg3[%mul3A_6, %dma_wait3A_153] : memref<2560x125xi32, #tpu.memory_space<hbm>> -> memref<80x125xi32, #tpu.memory_space<hbm>>
      %dma_wait3A_155 = arith.constant 0 : i32
      %dma_wait3A_156 = tpu.memref_slice %arg3[%mul3A_6, %dma_wait3A_155] : memref<2560x125xi32, #tpu.memory_space<hbm>> -> memref<80x125xi32, #tpu.memory_space<hbm>>
      tpu.wait_dma2 semaphore(%run_scoped3A : memref<!tpu.dma_semaphore, #tpu.memory_space<semaphore_mem>>) src(%dma_wait3A_156 : memref<80x125xi32, #tpu.memory_space<hbm>>) dst(%arg7 : memref<80x125xi32, #tpu.memory_space<vmem>>)
      tpu.yield
    }) : () -> ()
    %mul3A_7 = arith.constant 80 : i32
    %mul3A_8 = arith.muli %add3A, %mul3A_7 : i32
    "tpu.region"() ({
      %run_scoped3A = tpu.sem_alloc : memref<!tpu.dma_semaphore, #tpu.memory_space<semaphore_mem>>
      %dma_start3A_149 = arith.constant 0 : i32
      %dma_start3A_150 = tpu.memref_slice %arg4[%mul3A_8, %dma_start3A_149] : memref<2560x125xi32, #tpu.memory_space<hbm>> -> memref<80x125xi32, #tpu.memory_space<hbm>>
      %dma_start3A_151 = arith.constant 0 : i32
      %dma_start3A_152 = tpu.memref_slice %arg4[%mul3A_8, %dma_start3A_151] : memref<2560x125xi32, #tpu.memory_space<hbm>> -> memref<80x125xi32, #tpu.memory_space<hbm>>
      tpu.enqueue_dma source(%dma_start3A_152 : memref<80x125xi32, #tpu.memory_space<hbm>>) target(%arg8 : memref<80x125xi32, #tpu.memory_space<vmem>>) target_semaphore(%run_scoped3A : memref<!tpu.dma_semaphore, #tpu.memory_space<semaphore_mem>>)
      %dma_wait3A_153 = arith.constant 0 : i32
      %dma_wait3A_154 = tpu.memref_slice %arg4[%mul3A_8, %dma_wait3A_153] : memref<2560x125xi32, #tpu.memory_space<hbm>> -> memref<80x125xi32, #tpu.memory_space<hbm>>
      %dma_wait3A_155 = arith.constant 0 : i32
      %dma_wait3A_156 = tpu.memref_slice %arg4[%mul3A_8, %dma_wait3A_155] : memref<2560x125xi32, #tpu.memory_space<hbm>> -> memref<80x125xi32, #tpu.memory_space<hbm>>
      tpu.wait_dma2 semaphore(%run_scoped3A : memref<!tpu.dma_semaphore, #tpu.memory_space<semaphore_mem>>) src(%dma_wait3A_156 : memref<80x125xi32, #tpu.memory_space<hbm>>) dst(%arg8 : memref<80x125xi32, #tpu.memory_space<vmem>>)
      tpu.yield
    }) : () -> ()
    %barrier3A = arith.constant 0 : index
    tpu.barrier barrier_id(%barrier3A)
    %dma_start3A = arith.constant 0 : i32
    %dma_start3A_9 = arith.constant 0 : i32
    %dma_start3A_10 = arith.constant 0 : i32
    %dma_start3A_11 = arith.constant 0 : i32
    %dma_start3A_12 = tpu.memref_slice %arg9[%dma_start3A_9, %dma_start3A_10, %dma_start3A_11] : memref<6x125x16xf32, #tpu.memory_space<vmem>> -> memref<1x125x16xf32, #tpu.memory_space<vmem>>
    %dma_start3A_13 = tpu.memref_squeeze %dma_start3A_12 : memref<1x125x16xf32, #tpu.memory_space<vmem>> -> memref<125x16xf32, #tpu.memory_space<vmem>>
    %dma_start3A_14 = arith.constant 0 : i32
    %dma_start3A_15 = tpu.memref_slice %arg7[%dma_start3A, %dma_start3A_14] : memref<80x125xi32, #tpu.memory_space<vmem>> -> memref<1x125xi32, #tpu.memory_space<vmem>>
    %dma_start3A_16 = tpu.memref_squeeze %dma_start3A_15 : memref<1x125xi32, #tpu.memory_space<vmem>> -> memref<125xi32, #tpu.memory_space<vmem>>
    %dma_start3A_17 = arith.constant 0 : i32
    %dma_start3A_18 = arith.constant 0 : i32
    %dma_start3A_19 = tpu.memref_slice %arg2[%dma_start3A_17, %dma_start3A_18] : memref<10000x16xf32, #tpu.memory_space<hbm>> -> memref<10000x16xf32, #tpu.memory_space<hbm>>
    tpu.enqueue_indirect_dma source(%dma_start3A_19 : memref<10000x16xf32, #tpu.memory_space<hbm>>) target(%dma_start3A_13 : memref<125x16xf32, #tpu.memory_space<vmem>>) offsets(%dma_start3A_16 : memref<125xi32, #tpu.memory_space<vmem>>) semaphore(%arg11 : memref<!tpu.dma_semaphore, #tpu.memory_space<semaphore_mem>>)
    %dma_start3A_20 = arith.constant 1 : i32
    %dma_start3A_21 = arith.constant 1 : i32
    %dma_start3A_22 = arith.constant 0 : i32
    %dma_start3A_23 = arith.constant 0 : i32
    %dma_start3A_24 = tpu.memref_slice %arg9[%dma_start3A_21, %dma_start3A_22, %dma_start3A_23] : memref<6x125x16xf32, #tpu.memory_space<vmem>> -> memref<1x125x16xf32, #tpu.memory_space<vmem>>
    %dma_start3A_25 = tpu.memref_squeeze %dma_start3A_24 : memref<1x125x16xf32, #tpu.memory_space<vmem>> -> memref<125x16xf32, #tpu.memory_space<vmem>>
    %dma_start3A_26 = arith.constant 0 : i32
    %dma_start3A_27 = tpu.memref_slice %arg7[%dma_start3A_20, %dma_start3A_26] : memref<80x125xi32, #tpu.memory_space<vmem>> -> memref<1x125xi32, #tpu.memory_space<vmem>>
    %dma_start3A_28 = tpu.memref_squeeze %dma_start3A_27 : memref<1x125xi32, #tpu.memory_space<vmem>> -> memref<125xi32, #tpu.memory_space<vmem>>
    %dma_start3A_29 = arith.constant 0 : i32
    %dma_start3A_30 = arith.constant 0 : i32
    %dma_start3A_31 = tpu.memref_slice %arg2[%dma_start3A_29, %dma_start3A_30] : memref<10000x16xf32, #tpu.memory_space<hbm>> -> memref<10000x16xf32, #tpu.memory_space<hbm>>
    tpu.enqueue_indirect_dma source(%dma_start3A_31 : memref<10000x16xf32, #tpu.memory_space<hbm>>) target(%dma_start3A_25 : memref<125x16xf32, #tpu.memory_space<vmem>>) offsets(%dma_start3A_28 : memref<125xi32, #tpu.memory_space<vmem>>) semaphore(%arg12 : memref<!tpu.dma_semaphore, #tpu.memory_space<semaphore_mem>>)
    %dma_start3A_32 = arith.constant 2 : i32
    %dma_start3A_33 = arith.constant 2 : i32
    %dma_start3A_34 = arith.constant 0 : i32
    %dma_start3A_35 = arith.constant 0 : i32
    %dma_start3A_36 = tpu.memref_slice %arg9[%dma_start3A_33, %dma_start3A_34, %dma_start3A_35] : memref<6x125x16xf32, #tpu.memory_space<vmem>> -> memref<1x125x16xf32, #tpu.memory_space<vmem>>
    %dma_start3A_37 = tpu.memref_squeeze %dma_start3A_36 : memref<1x125x16xf32, #tpu.memory_space<vmem>> -> memref<125x16xf32, #tpu.memory_space<vmem>>
    %dma_start3A_38 = arith.constant 0 : i32
    %dma_start3A_39 = tpu.memref_slice %arg7[%dma_start3A_32, %dma_start3A_38] : memref<80x125xi32, #tpu.memory_space<vmem>> -> memref<1x125xi32, #tpu.memory_space<vmem>>
    %dma_start3A_40 = tpu.memref_squeeze %dma_start3A_39 : memref<1x125xi32, #tpu.memory_space<vmem>> -> memref<125xi32, #tpu.memory_space<vmem>>
    %dma_start3A_41 = arith.constant 0 : i32
    %dma_start3A_42 = arith.constant 0 : i32
    %dma_start3A_43 = tpu.memref_slice %arg2[%dma_start3A_41, %dma_start3A_42] : memref<10000x16xf32, #tpu.memory_space<hbm>> -> memref<10000x16xf32, #tpu.memory_space<hbm>>
    tpu.enqueue_indirect_dma source(%dma_start3A_43 : memref<10000x16xf32, #tpu.memory_space<hbm>>) target(%dma_start3A_37 : memref<125x16xf32, #tpu.memory_space<vmem>>) offsets(%dma_start3A_40 : memref<125xi32, #tpu.memory_space<vmem>>) semaphore(%arg13 : memref<!tpu.dma_semaphore, #tpu.memory_space<semaphore_mem>>)
    %dma_start3A_44 = arith.constant 3 : i32
    %dma_start3A_45 = arith.constant 3 : i32
    %dma_start3A_46 = arith.constant 0 : i32
    %dma_start3A_47 = arith.constant 0 : i32
    %dma_start3A_48 = tpu.memref_slice %arg9[%dma_start3A_45, %dma_start3A_46, %dma_start3A_47] : memref<6x125x16xf32, #tpu.memory_space<vmem>> -> memref<1x125x16xf32, #tpu.memory_space<vmem>>
    %dma_start3A_49 = tpu.memref_squeeze %dma_start3A_48 : memref<1x125x16xf32, #tpu.memory_space<vmem>> -> memref<125x16xf32, #tpu.memory_space<vmem>>
    %dma_start3A_50 = arith.constant 0 : i32
    %dma_start3A_51 = tpu.memref_slice %arg7[%dma_start3A_44, %dma_start3A_50] : memref<80x125xi32, #tpu.memory_space<vmem>> -> memref<1x125xi32, #tpu.memory_space<vmem>>
    %dma_start3A_52 = tpu.memref_squeeze %dma_start3A_51 : memref<1x125xi32, #tpu.memory_space<vmem>> -> memref<125xi32, #tpu.memory_space<vmem>>
    %dma_start3A_53 = arith.constant 0 : i32
    %dma_start3A_54 = arith.constant 0 : i32
    %dma_start3A_55 = tpu.memref_slice %arg2[%dma_start3A_53, %dma_start3A_54] : memref<10000x16xf32, #tpu.memory_space<hbm>> -> memref<10000x16xf32, #tpu.memory_space<hbm>>
    tpu.enqueue_indirect_dma source(%dma_start3A_55 : memref<10000x16xf32, #tpu.memory_space<hbm>>) target(%dma_start3A_49 : memref<125x16xf32, #tpu.memory_space<vmem>>) offsets(%dma_start3A_52 : memref<125xi32, #tpu.memory_space<vmem>>) semaphore(%arg14 : memref<!tpu.dma_semaphore, #tpu.memory_space<semaphore_mem>>)
    %dma_start3A_56 = arith.constant 4 : i32
    %dma_start3A_57 = arith.constant 4 : i32
    %dma_start3A_58 = arith.constant 0 : i32
    %dma_start3A_59 = arith.constant 0 : i32
    %dma_start3A_60 = tpu.memref_slice %arg9[%dma_start3A_57, %dma_start3A_58, %dma_start3A_59] : memref<6x125x16xf32, #tpu.memory_space<vmem>> -> memref<1x125x16xf32, #tpu.memory_space<vmem>>
    %dma_start3A_61 = tpu.memref_squeeze %dma_start3A_60 : memref<1x125x16xf32, #tpu.memory_space<vmem>> -> memref<125x16xf32, #tpu.memory_space<vmem>>
    %dma_start3A_62 = arith.constant 0 : i32
    %dma_start3A_63 = tpu.memref_slice %arg7[%dma_start3A_56, %dma_start3A_62] : memref<80x125xi32, #tpu.memory_space<vmem>> -> memref<1x125xi32, #tpu.memory_space<vmem>>
    %dma_start3A_64 = tpu.memref_squeeze %dma_start3A_63 : memref<1x125xi32, #tpu.memory_space<vmem>> -> memref<125xi32, #tpu.memory_space<vmem>>
    %dma_start3A_65 = arith.constant 0 : i32
    %dma_start3A_66 = arith.constant 0 : i32
    %dma_start3A_67 = tpu.memref_slice %arg2[%dma_start3A_65, %dma_start3A_66] : memref<10000x16xf32, #tpu.memory_space<hbm>> -> memref<10000x16xf32, #tpu.memory_space<hbm>>
    tpu.enqueue_indirect_dma source(%dma_start3A_67 : memref<10000x16xf32, #tpu.memory_space<hbm>>) target(%dma_start3A_61 : memref<125x16xf32, #tpu.memory_space<vmem>>) offsets(%dma_start3A_64 : memref<125xi32, #tpu.memory_space<vmem>>) semaphore(%arg15 : memref<!tpu.dma_semaphore, #tpu.memory_space<semaphore_mem>>)
    %scan3A = arith.constant 0 : i32
    %scan3A_68 = arith.constant 0 : i32
    %scan3A_69 = arith.constant 80 : i32
    %scan3A_70 = arith.addi %scan3A_68, %scan3A_69 : i32
    %scan3A_71 = arith.constant 1 : i32
    scf.for %scan3A_149 = %scan3A_68 to %scan3A_70 step %scan3A_71  : i32 {
      %rem3A = arith.constant 6 : i32
      %rem3A_150 = arith.remsi %scan3A_149, %rem3A : i32
      %eq3A = arith.constant 0 : i32
      %eq3A_151 = arith.cmpi eq, %rem3A_150, %eq3A : i32
      %convert_element_type3A = arith.extui %eq3A_151 : i1 to i32
      %cond3A = arith.constant 0 : i32
      %cond3A_152 = arith.cmpi ne, %convert_element_type3A, %cond3A : i32
      scf.if %cond3A_152 {
        %dma_wait3A_188 = arith.constant 0 : i32
        %dma_wait3A_189 = arith.constant 0 : i32
        %dma_wait3A_190 = arith.constant 0 : i32
        %dma_wait3A_191 = tpu.memref_slice %arg9[%dma_wait3A_188, %dma_wait3A_189, %dma_wait3A_190] : memref<6x125x16xf32, #tpu.memory_space<vmem>> -> memref<1x125x16xf32, #tpu.memory_space<vmem>>
        %dma_wait3A_192 = tpu.memref_squeeze %dma_wait3A_191 : memref<1x125x16xf32, #tpu.memory_space<vmem>> -> memref<125x16xf32, #tpu.memory_space<vmem>>
        %dma_wait3A_193 = arith.constant 0 : i32
        %dma_wait3A_194 = tpu.memref_slice %arg7[%scan3A_149, %dma_wait3A_193] : memref<80x125xi32, #tpu.memory_space<vmem>> -> memref<1x125xi32, #tpu.memory_space<vmem>>
        %dma_wait3A_195 = tpu.memref_squeeze %dma_wait3A_194 : memref<1x125xi32, #tpu.memory_space<vmem>> -> memref<125xi32, #tpu.memory_space<vmem>>
        %dma_wait3A_196 = arith.constant 0 : i32
        %dma_wait3A_197 = arith.constant 0 : i32
        %dma_wait3A_198 = tpu.memref_slice %arg2[%dma_wait3A_196, %dma_wait3A_197] : memref<10000x16xf32, #tpu.memory_space<hbm>> -> memref<10000x16xf32, #tpu.memory_space<hbm>>
        tpu.wait_indirect_dma semaphore(%arg11 : memref<!tpu.dma_semaphore, #tpu.memory_space<semaphore_mem>>) src(%dma_wait3A_198 : memref<10000x16xf32, #tpu.memory_space<hbm>>) dst(%dma_wait3A_192 : memref<125x16xf32, #tpu.memory_space<vmem>>)
        %dma_start3A_199 = arith.constant 0 : i32
        %dma_start3A_200 = arith.constant 0 : i32
        %dma_start3A_201 = arith.constant 0 : i32
        %dma_start3A_202 = tpu.memref_slice %arg9[%dma_start3A_199, %dma_start3A_200, %dma_start3A_201] : memref<6x125x16xf32, #tpu.memory_space<vmem>> -> memref<1x125x16xf32, #tpu.memory_space<vmem>>
        %dma_start3A_203 = tpu.memref_squeeze %dma_start3A_202 : memref<1x125x16xf32, #tpu.memory_space<vmem>> -> memref<125x16xf32, #tpu.memory_space<vmem>>
        %dma_start3A_204 = arith.constant 0 : i32
        %dma_start3A_205 = tpu.memref_slice %arg8[%scan3A_149, %dma_start3A_204] : memref<80x125xi32, #tpu.memory_space<vmem>> -> memref<1x125xi32, #tpu.memory_space<vmem>>
        %dma_start3A_206 = tpu.memref_squeeze %dma_start3A_205 : memref<1x125xi32, #tpu.memory_space<vmem>> -> memref<125xi32, #tpu.memory_space<vmem>>
        %dma_start3A_207 = arith.constant 0 : i32
        %dma_start3A_208 = arith.constant 0 : i32
        %dma_start3A_209 = tpu.memref_slice %arg10[%dma_start3A_207, %dma_start3A_208] : memref<10240x16xf32, #tpu.memory_space<vmem_shared>> -> memref<10240x16xf32, #tpu.memory_space<vmem_shared>>
        tpu.enqueue_indirect_dma source(%dma_start3A_203 : memref<125x16xf32, #tpu.memory_space<vmem>>) target(%dma_start3A_209 : memref<10240x16xf32, #tpu.memory_space<vmem_shared>>) offsets(%dma_start3A_206 : memref<125xi32, #tpu.memory_space<vmem>>) semaphore(%arg17 : memref<!tpu.dma_semaphore, #tpu.memory_space<semaphore_mem>>) {add = true}
        %add3A_210 = arith.constant 6 : i32
        %add3A_211 = arith.addi %scan3A_149, %add3A_210 : i32
        %sub3A = arith.constant 1 : i32
        %sub3A_212 = arith.subi %add3A_211, %sub3A : i32
        %lt3A = arith.constant 80 : i32
        %lt3A_213 = arith.cmpi slt, %sub3A_212, %lt3A : i32
        %convert_element_type3A_214 = arith.extui %lt3A_213 : i1 to i32
        %cond3A_215 = arith.constant 0 : i32
        %cond3A_216 = arith.cmpi ne, %convert_element_type3A_214, %cond3A_215 : i32
        scf.if %cond3A_216 {
          %ge3A = arith.constant 1 : i32
          %ge3A_217 = arith.cmpi sge, %scan3A_149, %ge3A : i32
          %convert_element_type3A_218 = arith.extui %ge3A_217 : i1 to i32
          %cond3A_219 = arith.constant 0 : i32
          %cond3A_220 = arith.cmpi ne, %convert_element_type3A_218, %cond3A_219 : i32
          scf.if %cond3A_220 {
            %dma_wait3A_232 = arith.constant 5 : i32
            %dma_wait3A_233 = arith.constant 0 : i32
            %dma_wait3A_234 = arith.constant 0 : i32
            %dma_wait3A_235 = arith.constant 0 : i32
            %dma_wait3A_236 = tpu.memref_slice %arg9[%dma_wait3A_232, %dma_wait3A_234, %dma_wait3A_235] : memref<6x125x16xf32, #tpu.memory_space<vmem>> -> memref<1x125x16xf32, #tpu.memory_space<vmem>>
            %dma_wait3A_237 = tpu.memref_squeeze %dma_wait3A_236 : memref<1x125x16xf32, #tpu.memory_space<vmem>> -> memref<125x16xf32, #tpu.memory_space<vmem>>
            %dma_wait3A_238 = arith.constant 0 : i32
            %dma_wait3A_239 = tpu.memref_slice %arg8[%dma_wait3A_233, %dma_wait3A_238] : memref<80x125xi32, #tpu.memory_space<vmem>> -> memref<1x125xi32, #tpu.memory_space<vmem>>
            %dma_wait3A_240 = tpu.memref_squeeze %dma_wait3A_239 : memref<1x125xi32, #tpu.memory_space<vmem>> -> memref<125xi32, #tpu.memory_space<vmem>>
            %dma_wait3A_241 = arith.constant 0 : i32
            %dma_wait3A_242 = arith.constant 0 : i32
            %dma_wait3A_243 = tpu.memref_slice %arg10[%dma_wait3A_241, %dma_wait3A_242] : memref<10240x16xf32, #tpu.memory_space<vmem_shared>> -> memref<10240x16xf32, #tpu.memory_space<vmem_shared>>
            tpu.wait_indirect_dma semaphore(%arg22 : memref<!tpu.dma_semaphore, #tpu.memory_space<semaphore_mem>>) src(%dma_wait3A_237 : memref<125x16xf32, #tpu.memory_space<vmem>>) dst(%dma_wait3A_243 : memref<10240x16xf32, #tpu.memory_space<vmem_shared>>)
          } else {
          }
          %dma_start3A_221 = arith.constant 5 : i32
          %dma_start3A_222 = arith.constant 0 : i32
          %dma_start3A_223 = arith.constant 0 : i32
          %dma_start3A_224 = tpu.memref_slice %arg9[%dma_start3A_221, %dma_start3A_222, %dma_start3A_223] : memref<6x125x16xf32, #tpu.memory_space<vmem>> -> memref<1x125x16xf32, #tpu.memory_space<vmem>>
          %dma_start3A_225 = tpu.memref_squeeze %dma_start3A_224 : memref<1x125x16xf32, #tpu.memory_space<vmem>> -> memref<125x16xf32, #tpu.memory_space<vmem>>
          %dma_start3A_226 = arith.constant 0 : i32
          %dma_start3A_227 = tpu.memref_slice %arg7[%sub3A_212, %dma_start3A_226] : memref<80x125xi32, #tpu.memory_space<vmem>> -> memref<1x125xi32, #tpu.memory_space<vmem>>
          %dma_start3A_228 = tpu.memref_squeeze %dma_start3A_227 : memref<1x125xi32, #tpu.memory_space<vmem>> -> memref<125xi32, #tpu.memory_space<vmem>>
          %dma_start3A_229 = arith.constant 0 : i32
          %dma_start3A_230 = arith.constant 0 : i32
          %dma_start3A_231 = tpu.memref_slice %arg2[%dma_start3A_229, %dma_start3A_230] : memref<10000x16xf32, #tpu.memory_space<hbm>> -> memref<10000x16xf32, #tpu.memory_space<hbm>>
          tpu.enqueue_indirect_dma source(%dma_start3A_231 : memref<10000x16xf32, #tpu.memory_space<hbm>>) target(%dma_start3A_225 : memref<125x16xf32, #tpu.memory_space<vmem>>) offsets(%dma_start3A_228 : memref<125xi32, #tpu.memory_space<vmem>>) semaphore(%arg16 : memref<!tpu.dma_semaphore, #tpu.memory_space<semaphore_mem>>)
        } else {
        }
      } else {
      }
      %rem3A_153 = arith.constant 6 : i32
      %rem3A_154 = arith.remsi %scan3A_149, %rem3A_153 : i32
      %eq3A_155 = arith.constant 1 : i32
      %eq3A_156 = arith.cmpi eq, %rem3A_154, %eq3A_155 : i32
      %convert_element_type3A_157 = arith.extui %eq3A_156 : i1 to i32
      %cond3A_158 = arith.constant 0 : i32
      %cond3A_159 = arith.cmpi ne, %convert_element_type3A_157, %cond3A_158 : i32
      scf.if %cond3A_159 {
        %dma_wait3A_188 = arith.constant 1 : i32
        %dma_wait3A_189 = arith.constant 0 : i32
        %dma_wait3A_190 = arith.constant 0 : i32
        %dma_wait3A_191 = tpu.memref_slice %arg9[%dma_wait3A_188, %dma_wait3A_189, %dma_wait3A_190] : memref<6x125x16xf32, #tpu.memory_space<vmem>> -> memref<1x125x16xf32, #tpu.memory_space<vmem>>
        %dma_wait3A_192 = tpu.memref_squeeze %dma_wait3A_191 : memref<1x125x16xf32, #tpu.memory_space<vmem>> -> memref<125x16xf32, #tpu.memory_space<vmem>>
        %dma_wait3A_193 = arith.constant 0 : i32
        %dma_wait3A_194 = tpu.memref_slice %arg7[%scan3A_149, %dma_wait3A_193] : memref<80x125xi32, #tpu.memory_space<vmem>> -> memref<1x125xi32, #tpu.memory_space<vmem>>
        %dma_wait3A_195 = tpu.memref_squeeze %dma_wait3A_194 : memref<1x125xi32, #tpu.memory_space<vmem>> -> memref<125xi32, #tpu.memory_space<vmem>>
        %dma_wait3A_196 = arith.constant 0 : i32
        %dma_wait3A_197 = arith.constant 0 : i32
        %dma_wait3A_198 = tpu.memref_slice %arg2[%dma_wait3A_196, %dma_wait3A_197] : memref<10000x16xf32, #tpu.memory_space<hbm>> -> memref<10000x16xf32, #tpu.memory_space<hbm>>
        tpu.wait_indirect_dma semaphore(%arg12 : memref<!tpu.dma_semaphore, #tpu.memory_space<semaphore_mem>>) src(%dma_wait3A_198 : memref<10000x16xf32, #tpu.memory_space<hbm>>) dst(%dma_wait3A_192 : memref<125x16xf32, #tpu.memory_space<vmem>>)
        %dma_start3A_199 = arith.constant 1 : i32
        %dma_start3A_200 = arith.constant 0 : i32
        %dma_start3A_201 = arith.constant 0 : i32
        %dma_start3A_202 = tpu.memref_slice %arg9[%dma_start3A_199, %dma_start3A_200, %dma_start3A_201] : memref<6x125x16xf32, #tpu.memory_space<vmem>> -> memref<1x125x16xf32, #tpu.memory_space<vmem>>
        %dma_start3A_203 = tpu.memref_squeeze %dma_start3A_202 : memref<1x125x16xf32, #tpu.memory_space<vmem>> -> memref<125x16xf32, #tpu.memory_space<vmem>>
        %dma_start3A_204 = arith.constant 0 : i32
        %dma_start3A_205 = tpu.memref_slice %arg8[%scan3A_149, %dma_start3A_204] : memref<80x125xi32, #tpu.memory_space<vmem>> -> memref<1x125xi32, #tpu.memory_space<vmem>>
        %dma_start3A_206 = tpu.memref_squeeze %dma_start3A_205 : memref<1x125xi32, #tpu.memory_space<vmem>> -> memref<125xi32, #tpu.memory_space<vmem>>
        %dma_start3A_207 = arith.constant 0 : i32
        %dma_start3A_208 = arith.constant 0 : i32
        %dma_start3A_209 = tpu.memref_slice %arg10[%dma_start3A_207, %dma_start3A_208] : memref<10240x16xf32, #tpu.memory_space<vmem_shared>> -> memref<10240x16xf32, #tpu.memory_space<vmem_shared>>
        tpu.enqueue_indirect_dma source(%dma_start3A_203 : memref<125x16xf32, #tpu.memory_space<vmem>>) target(%dma_start3A_209 : memref<10240x16xf32, #tpu.memory_space<vmem_shared>>) offsets(%dma_start3A_206 : memref<125xi32, #tpu.memory_space<vmem>>) semaphore(%arg18 : memref<!tpu.dma_semaphore, #tpu.memory_space<semaphore_mem>>) {add = true}
        %add3A_210 = arith.constant 6 : i32
        %add3A_211 = arith.addi %scan3A_149, %add3A_210 : i32
        %sub3A = arith.constant 1 : i32
        %sub3A_212 = arith.subi %add3A_211, %sub3A : i32
        %lt3A = arith.constant 80 : i32
        %lt3A_213 = arith.cmpi slt, %sub3A_212, %lt3A : i32
        %convert_element_type3A_214 = arith.extui %lt3A_213 : i1 to i32
        %cond3A_215 = arith.constant 0 : i32
        %cond3A_216 = arith.cmpi ne, %convert_element_type3A_214, %cond3A_215 : i32
        scf.if %cond3A_216 {
          %ge3A = arith.constant 1 : i32
          %ge3A_217 = arith.cmpi sge, %scan3A_149, %ge3A : i32
          %convert_element_type3A_218 = arith.extui %ge3A_217 : i1 to i32
          %cond3A_219 = arith.constant 0 : i32
          %cond3A_220 = arith.cmpi ne, %convert_element_type3A_218, %cond3A_219 : i32
          scf.if %cond3A_220 {
            %dma_wait3A_232 = arith.constant 0 : i32
            %dma_wait3A_233 = arith.constant 0 : i32
            %dma_wait3A_234 = arith.constant 0 : i32
            %dma_wait3A_235 = arith.constant 0 : i32
            %dma_wait3A_236 = tpu.memref_slice %arg9[%dma_wait3A_232, %dma_wait3A_234, %dma_wait3A_235] : memref<6x125x16xf32, #tpu.memory_space<vmem>> -> memref<1x125x16xf32, #tpu.memory_space<vmem>>
            %dma_wait3A_237 = tpu.memref_squeeze %dma_wait3A_236 : memref<1x125x16xf32, #tpu.memory_space<vmem>> -> memref<125x16xf32, #tpu.memory_space<vmem>>
            %dma_wait3A_238 = arith.constant 0 : i32
            %dma_wait3A_239 = tpu.memref_slice %arg8[%dma_wait3A_233, %dma_wait3A_238] : memref<80x125xi32, #tpu.memory_space<vmem>> -> memref<1x125xi32, #tpu.memory_space<vmem>>
            %dma_wait3A_240 = tpu.memref_squeeze %dma_wait3A_239 : memref<1x125xi32, #tpu.memory_space<vmem>> -> memref<125xi32, #tpu.memory_space<vmem>>
            %dma_wait3A_241 = arith.constant 0 : i32
            %dma_wait3A_242 = arith.constant 0 : i32
            %dma_wait3A_243 = tpu.memref_slice %arg10[%dma_wait3A_241, %dma_wait3A_242] : memref<10240x16xf32, #tpu.memory_space<vmem_shared>> -> memref<10240x16xf32, #tpu.memory_space<vmem_shared>>
            tpu.wait_indirect_dma semaphore(%arg17 : memref<!tpu.dma_semaphore, #tpu.memory_space<semaphore_mem>>) src(%dma_wait3A_237 : memref<125x16xf32, #tpu.memory_space<vmem>>) dst(%dma_wait3A_243 : memref<10240x16xf32, #tpu.memory_space<vmem_shared>>)
          } else {
          }
          %dma_start3A_221 = arith.constant 0 : i32
          %dma_start3A_222 = arith.constant 0 : i32
          %dma_start3A_223 = arith.constant 0 : i32
          %dma_start3A_224 = tpu.memref_slice %arg9[%dma_start3A_221, %dma_start3A_222, %dma_start3A_223] : memref<6x125x16xf32, #tpu.memory_space<vmem>> -> memref<1x125x16xf32, #tpu.memory_space<vmem>>
          %dma_start3A_225 = tpu.memref_squeeze %dma_start3A_224 : memref<1x125x16xf32, #tpu.memory_space<vmem>> -> memref<125x16xf32, #tpu.memory_space<vmem>>
          %dma_start3A_226 = arith.constant 0 : i32
          %dma_start3A_227 = tpu.memref_slice %arg7[%sub3A_212, %dma_start3A_226] : memref<80x125xi32, #tpu.memory_space<vmem>> -> memref<1x125xi32, #tpu.memory_space<vmem>>
          %dma_start3A_228 = tpu.memref_squeeze %dma_start3A_227 : memref<1x125xi32, #tpu.memory_space<vmem>> -> memref<125xi32, #tpu.memory_space<vmem>>
          %dma_start3A_229 = arith.constant 0 : i32
          %dma_start3A_230 = arith.constant 0 : i32
          %dma_start3A_231 = tpu.memref_slice %arg2[%dma_start3A_229, %dma_start3A_230] : memref<10000x16xf32, #tpu.memory_space<hbm>> -> memref<10000x16xf32, #tpu.memory_space<hbm>>
          tpu.enqueue_indirect_dma source(%dma_start3A_231 : memref<10000x16xf32, #tpu.memory_space<hbm>>) target(%dma_start3A_225 : memref<125x16xf32, #tpu.memory_space<vmem>>) offsets(%dma_start3A_228 : memref<125xi32, #tpu.memory_space<vmem>>) semaphore(%arg11 : memref<!tpu.dma_semaphore, #tpu.memory_space<semaphore_mem>>)
        } else {
        }
      } else {
      }
      %rem3A_160 = arith.constant 6 : i32
      %rem3A_161 = arith.remsi %scan3A_149, %rem3A_160 : i32
      %eq3A_162 = arith.constant 2 : i32
      %eq3A_163 = arith.cmpi eq, %rem3A_161, %eq3A_162 : i32
      %convert_element_type3A_164 = arith.extui %eq3A_163 : i1 to i32
      %cond3A_165 = arith.constant 0 : i32
      %cond3A_166 = arith.cmpi ne, %convert_element_type3A_164, %cond3A_165 : i32
      scf.if %cond3A_166 {
        %dma_wait3A_188 = arith.constant 2 : i32
        %dma_wait3A_189 = arith.constant 0 : i32
        %dma_wait3A_190 = arith.constant 0 : i32
        %dma_wait3A_191 = tpu.memref_slice %arg9[%dma_wait3A_188, %dma_wait3A_189, %dma_wait3A_190] : memref<6x125x16xf32, #tpu.memory_space<vmem>> -> memref<1x125x16xf32, #tpu.memory_space<vmem>>
        %dma_wait3A_192 = tpu.memref_squeeze %dma_wait3A_191 : memref<1x125x16xf32, #tpu.memory_space<vmem>> -> memref<125x16xf32, #tpu.memory_space<vmem>>
        %dma_wait3A_193 = arith.constant 0 : i32
        %dma_wait3A_194 = tpu.memref_slice %arg7[%scan3A_149, %dma_wait3A_193] : memref<80x125xi32, #tpu.memory_space<vmem>> -> memref<1x125xi32, #tpu.memory_space<vmem>>
        %dma_wait3A_195 = tpu.memref_squeeze %dma_wait3A_194 : memref<1x125xi32, #tpu.memory_space<vmem>> -> memref<125xi32, #tpu.memory_space<vmem>>
        %dma_wait3A_196 = arith.constant 0 : i32
        %dma_wait3A_197 = arith.constant 0 : i32
        %dma_wait3A_198 = tpu.memref_slice %arg2[%dma_wait3A_196, %dma_wait3A_197] : memref<10000x16xf32, #tpu.memory_space<hbm>> -> memref<10000x16xf32, #tpu.memory_space<hbm>>
        tpu.wait_indirect_dma semaphore(%arg13 : memref<!tpu.dma_semaphore, #tpu.memory_space<semaphore_mem>>) src(%dma_wait3A_198 : memref<10000x16xf32, #tpu.memory_space<hbm>>) dst(%dma_wait3A_192 : memref<125x16xf32, #tpu.memory_space<vmem>>)
        %dma_start3A_199 = arith.constant 2 : i32
        %dma_start3A_200 = arith.constant 0 : i32
        %dma_start3A_201 = arith.constant 0 : i32
        %dma_start3A_202 = tpu.memref_slice %arg9[%dma_start3A_199, %dma_start3A_200, %dma_start3A_201] : memref<6x125x16xf32, #tpu.memory_space<vmem>> -> memref<1x125x16xf32, #tpu.memory_space<vmem>>
        %dma_start3A_203 = tpu.memref_squeeze %dma_start3A_202 : memref<1x125x16xf32, #tpu.memory_space<vmem>> -> memref<125x16xf32, #tpu.memory_space<vmem>>
        %dma_start3A_204 = arith.constant 0 : i32
        %dma_start3A_205 = tpu.memref_slice %arg8[%scan3A_149, %dma_start3A_204] : memref<80x125xi32, #tpu.memory_space<vmem>> -> memref<1x125xi32, #tpu.memory_space<vmem>>
        %dma_start3A_206 = tpu.memref_squeeze %dma_start3A_205 : memref<1x125xi32, #tpu.memory_space<vmem>> -> memref<125xi32, #tpu.memory_space<vmem>>
        %dma_start3A_207 = arith.constant 0 : i32
        %dma_start3A_208 = arith.constant 0 : i32
        %dma_start3A_209 = tpu.memref_slice %arg10[%dma_start3A_207, %dma_start3A_208] : memref<10240x16xf32, #tpu.memory_space<vmem_shared>> -> memref<10240x16xf32, #tpu.memory_space<vmem_shared>>
        tpu.enqueue_indirect_dma source(%dma_start3A_203 : memref<125x16xf32, #tpu.memory_space<vmem>>) target(%dma_start3A_209 : memref<10240x16xf32, #tpu.memory_space<vmem_shared>>) offsets(%dma_start3A_206 : memref<125xi32, #tpu.memory_space<vmem>>) semaphore(%arg19 : memref<!tpu.dma_semaphore, #tpu.memory_space<semaphore_mem>>) {add = true}
        %add3A_210 = arith.constant 6 : i32
        %add3A_211 = arith.addi %scan3A_149, %add3A_210 : i32
        %sub3A = arith.constant 1 : i32
        %sub3A_212 = arith.subi %add3A_211, %sub3A : i32
        %lt3A = arith.constant 80 : i32
        %lt3A_213 = arith.cmpi slt, %sub3A_212, %lt3A : i32
        %convert_element_type3A_214 = arith.extui %lt3A_213 : i1 to i32
        %cond3A_215 = arith.constant 0 : i32
        %cond3A_216 = arith.cmpi ne, %convert_element_type3A_214, %cond3A_215 : i32
        scf.if %cond3A_216 {
          %ge3A = arith.constant 1 : i32
          %ge3A_217 = arith.cmpi sge, %scan3A_149, %ge3A : i32
          %convert_element_type3A_218 = arith.extui %ge3A_217 : i1 to i32
          %cond3A_219 = arith.constant 0 : i32
          %cond3A_220 = arith.cmpi ne, %convert_element_type3A_218, %cond3A_219 : i32
          scf.if %cond3A_220 {
            %dma_wait3A_232 = arith.constant 1 : i32
            %dma_wait3A_233 = arith.constant 0 : i32
            %dma_wait3A_234 = arith.constant 0 : i32
            %dma_wait3A_235 = arith.constant 0 : i32
            %dma_wait3A_236 = tpu.memref_slice %arg9[%dma_wait3A_232, %dma_wait3A_234, %dma_wait3A_235] : memref<6x125x16xf32, #tpu.memory_space<vmem>> -> memref<1x125x16xf32, #tpu.memory_space<vmem>>
            %dma_wait3A_237 = tpu.memref_squeeze %dma_wait3A_236 : memref<1x125x16xf32, #tpu.memory_space<vmem>> -> memref<125x16xf32, #tpu.memory_space<vmem>>
            %dma_wait3A_238 = arith.constant 0 : i32
            %dma_wait3A_239 = tpu.memref_slice %arg8[%dma_wait3A_233, %dma_wait3A_238] : memref<80x125xi32, #tpu.memory_space<vmem>> -> memref<1x125xi32, #tpu.memory_space<vmem>>
            %dma_wait3A_240 = tpu.memref_squeeze %dma_wait3A_239 : memref<1x125xi32, #tpu.memory_space<vmem>> -> memref<125xi32, #tpu.memory_space<vmem>>
            %dma_wait3A_241 = arith.constant 0 : i32
            %dma_wait3A_242 = arith.constant 0 : i32
            %dma_wait3A_243 = tpu.memref_slice %arg10[%dma_wait3A_241, %dma_wait3A_242] : memref<10240x16xf32, #tpu.memory_space<vmem_shared>> -> memref<10240x16xf32, #tpu.memory_space<vmem_shared>>
            tpu.wait_indirect_dma semaphore(%arg18 : memref<!tpu.dma_semaphore, #tpu.memory_space<semaphore_mem>>) src(%dma_wait3A_237 : memref<125x16xf32, #tpu.memory_space<vmem>>) dst(%dma_wait3A_243 : memref<10240x16xf32, #tpu.memory_space<vmem_shared>>)
          } else {
          }
          %dma_start3A_221 = arith.constant 1 : i32
          %dma_start3A_222 = arith.constant 0 : i32
          %dma_start3A_223 = arith.constant 0 : i32
          %dma_start3A_224 = tpu.memref_slice %arg9[%dma_start3A_221, %dma_start3A_222, %dma_start3A_223] : memref<6x125x16xf32, #tpu.memory_space<vmem>> -> memref<1x125x16xf32, #tpu.memory_space<vmem>>
          %dma_start3A_225 = tpu.memref_squeeze %dma_start3A_224 : memref<1x125x16xf32, #tpu.memory_space<vmem>> -> memref<125x16xf32, #tpu.memory_space<vmem>>
          %dma_start3A_226 = arith.constant 0 : i32
          %dma_start3A_227 = tpu.memref_slice %arg7[%sub3A_212, %dma_start3A_226] : memref<80x125xi32, #tpu.memory_space<vmem>> -> memref<1x125xi32, #tpu.memory_space<vmem>>
          %dma_start3A_228 = tpu.memref_squeeze %dma_start3A_227 : memref<1x125xi32, #tpu.memory_space<vmem>> -> memref<125xi32, #tpu.memory_space<vmem>>
          %dma_start3A_229 = arith.constant 0 : i32
          %dma_start3A_230 = arith.constant 0 : i32
          %dma_start3A_231 = tpu.memref_slice %arg2[%dma_start3A_229, %dma_start3A_230] : memref<10000x16xf32, #tpu.memory_space<hbm>> -> memref<10000x16xf32, #tpu.memory_space<hbm>>
          tpu.enqueue_indirect_dma source(%dma_start3A_231 : memref<10000x16xf32, #tpu.memory_space<hbm>>) target(%dma_start3A_225 : memref<125x16xf32, #tpu.memory_space<vmem>>) offsets(%dma_start3A_228 : memref<125xi32, #tpu.memory_space<vmem>>) semaphore(%arg12 : memref<!tpu.dma_semaphore, #tpu.memory_space<semaphore_mem>>)
        } else {
        }
      } else {
      }
      %rem3A_167 = arith.constant 6 : i32
      %rem3A_168 = arith.remsi %scan3A_149, %rem3A_167 : i32
      %eq3A_169 = arith.constant 3 : i32
      %eq3A_170 = arith.cmpi eq, %rem3A_168, %eq3A_169 : i32
      %convert_element_type3A_171 = arith.extui %eq3A_170 : i1 to i32
      %cond3A_172 = arith.constant 0 : i32
      %cond3A_173 = arith.cmpi ne, %convert_element_type3A_171, %cond3A_172 : i32
      scf.if %cond3A_173 {
        %dma_wait3A_188 = arith.constant 3 : i32
        %dma_wait3A_189 = arith.constant 0 : i32
        %dma_wait3A_190 = arith.constant 0 : i32
        %dma_wait3A_191 = tpu.memref_slice %arg9[%dma_wait3A_188, %dma_wait3A_189, %dma_wait3A_190] : memref<6x125x16xf32, #tpu.memory_space<vmem>> -> memref<1x125x16xf32, #tpu.memory_space<vmem>>
        %dma_wait3A_192 = tpu.memref_squeeze %dma_wait3A_191 : memref<1x125x16xf32, #tpu.memory_space<vmem>> -> memref<125x16xf32, #tpu.memory_space<vmem>>
        %dma_wait3A_193 = arith.constant 0 : i32
        %dma_wait3A_194 = tpu.memref_slice %arg7[%scan3A_149, %dma_wait3A_193] : memref<80x125xi32, #tpu.memory_space<vmem>> -> memref<1x125xi32, #tpu.memory_space<vmem>>
        %dma_wait3A_195 = tpu.memref_squeeze %dma_wait3A_194 : memref<1x125xi32, #tpu.memory_space<vmem>> -> memref<125xi32, #tpu.memory_space<vmem>>
        %dma_wait3A_196 = arith.constant 0 : i32
        %dma_wait3A_197 = arith.constant 0 : i32
        %dma_wait3A_198 = tpu.memref_slice %arg2[%dma_wait3A_196, %dma_wait3A_197] : memref<10000x16xf32, #tpu.memory_space<hbm>> -> memref<10000x16xf32, #tpu.memory_space<hbm>>
        tpu.wait_indirect_dma semaphore(%arg14 : memref<!tpu.dma_semaphore, #tpu.memory_space<semaphore_mem>>) src(%dma_wait3A_198 : memref<10000x16xf32, #tpu.memory_space<hbm>>) dst(%dma_wait3A_192 : memref<125x16xf32, #tpu.memory_space<vmem>>)
        %dma_start3A_199 = arith.constant 3 : i32
        %dma_start3A_200 = arith.constant 0 : i32
        %dma_start3A_201 = arith.constant 0 : i32
        %dma_start3A_202 = tpu.memref_slice %arg9[%dma_start3A_199, %dma_start3A_200, %dma_start3A_201] : memref<6x125x16xf32, #tpu.memory_space<vmem>> -> memref<1x125x16xf32, #tpu.memory_space<vmem>>
        %dma_start3A_203 = tpu.memref_squeeze %dma_start3A_202 : memref<1x125x16xf32, #tpu.memory_space<vmem>> -> memref<125x16xf32, #tpu.memory_space<vmem>>
        %dma_start3A_204 = arith.constant 0 : i32
        %dma_start3A_205 = tpu.memref_slice %arg8[%scan3A_149, %dma_start3A_204] : memref<80x125xi32, #tpu.memory_space<vmem>> -> memref<1x125xi32, #tpu.memory_space<vmem>>
        %dma_start3A_206 = tpu.memref_squeeze %dma_start3A_205 : memref<1x125xi32, #tpu.memory_space<vmem>> -> memref<125xi32, #tpu.memory_space<vmem>>
        %dma_start3A_207 = arith.constant 0 : i32
        %dma_start3A_208 = arith.constant 0 : i32
        %dma_start3A_209 = tpu.memref_slice %arg10[%dma_start3A_207, %dma_start3A_208] : memref<10240x16xf32, #tpu.memory_space<vmem_shared>> -> memref<10240x16xf32, #tpu.memory_space<vmem_shared>>
        tpu.enqueue_indirect_dma source(%dma_start3A_203 : memref<125x16xf32, #tpu.memory_space<vmem>>) target(%dma_start3A_209 : memref<10240x16xf32, #tpu.memory_space<vmem_shared>>) offsets(%dma_start3A_206 : memref<125xi32, #tpu.memory_space<vmem>>) semaphore(%arg20 : memref<!tpu.dma_semaphore, #tpu.memory_space<semaphore_mem>>) {add = true}
        %add3A_210 = arith.constant 6 : i32
        %add3A_211 = arith.addi %scan3A_149, %add3A_210 : i32
        %sub3A = arith.constant 1 : i32
        %sub3A_212 = arith.subi %add3A_211, %sub3A : i32
        %lt3A = arith.constant 80 : i32
        %lt3A_213 = arith.cmpi slt, %sub3A_212, %lt3A : i32
        %convert_element_type3A_214 = arith.extui %lt3A_213 : i1 to i32
        %cond3A_215 = arith.constant 0 : i32
        %cond3A_216 = arith.cmpi ne, %convert_element_type3A_214, %cond3A_215 : i32
        scf.if %cond3A_216 {
          %ge3A = arith.constant 1 : i32
          %ge3A_217 = arith.cmpi sge, %scan3A_149, %ge3A : i32
          %convert_element_type3A_218 = arith.extui %ge3A_217 : i1 to i32
          %cond3A_219 = arith.constant 0 : i32
          %cond3A_220 = arith.cmpi ne, %convert_element_type3A_218, %cond3A_219 : i32
          scf.if %cond3A_220 {
            %dma_wait3A_232 = arith.constant 2 : i32
            %dma_wait3A_233 = arith.constant 0 : i32
            %dma_wait3A_234 = arith.constant 0 : i32
            %dma_wait3A_235 = arith.constant 0 : i32
            %dma_wait3A_236 = tpu.memref_slice %arg9[%dma_wait3A_232, %dma_wait3A_234, %dma_wait3A_235] : memref<6x125x16xf32, #tpu.memory_space<vmem>> -> memref<1x125x16xf32, #tpu.memory_space<vmem>>
            %dma_wait3A_237 = tpu.memref_squeeze %dma_wait3A_236 : memref<1x125x16xf32, #tpu.memory_space<vmem>> -> memref<125x16xf32, #tpu.memory_space<vmem>>
            %dma_wait3A_238 = arith.constant 0 : i32
            %dma_wait3A_239 = tpu.memref_slice %arg8[%dma_wait3A_233, %dma_wait3A_238] : memref<80x125xi32, #tpu.memory_space<vmem>> -> memref<1x125xi32, #tpu.memory_space<vmem>>
            %dma_wait3A_240 = tpu.memref_squeeze %dma_wait3A_239 : memref<1x125xi32, #tpu.memory_space<vmem>> -> memref<125xi32, #tpu.memory_space<vmem>>
            %dma_wait3A_241 = arith.constant 0 : i32
            %dma_wait3A_242 = arith.constant 0 : i32
            %dma_wait3A_243 = tpu.memref_slice %arg10[%dma_wait3A_241, %dma_wait3A_242] : memref<10240x16xf32, #tpu.memory_space<vmem_shared>> -> memref<10240x16xf32, #tpu.memory_space<vmem_shared>>
            tpu.wait_indirect_dma semaphore(%arg19 : memref<!tpu.dma_semaphore, #tpu.memory_space<semaphore_mem>>) src(%dma_wait3A_237 : memref<125x16xf32, #tpu.memory_space<vmem>>) dst(%dma_wait3A_243 : memref<10240x16xf32, #tpu.memory_space<vmem_shared>>)
          } else {
          }
          %dma_start3A_221 = arith.constant 2 : i32
          %dma_start3A_222 = arith.constant 0 : i32
          %dma_start3A_223 = arith.constant 0 : i32
          %dma_start3A_224 = tpu.memref_slice %arg9[%dma_start3A_221, %dma_start3A_222, %dma_start3A_223] : memref<6x125x16xf32, #tpu.memory_space<vmem>> -> memref<1x125x16xf32, #tpu.memory_space<vmem>>
          %dma_start3A_225 = tpu.memref_squeeze %dma_start3A_224 : memref<1x125x16xf32, #tpu.memory_space<vmem>> -> memref<125x16xf32, #tpu.memory_space<vmem>>
          %dma_start3A_226 = arith.constant 0 : i32
          %dma_start3A_227 = tpu.memref_slice %arg7[%sub3A_212, %dma_start3A_226] : memref<80x125xi32, #tpu.memory_space<vmem>> -> memref<1x125xi32, #tpu.memory_space<vmem>>
          %dma_start3A_228 = tpu.memref_squeeze %dma_start3A_227 : memref<1x125xi32, #tpu.memory_space<vmem>> -> memref<125xi32, #tpu.memory_space<vmem>>
          %dma_start3A_229 = arith.constant 0 : i32
          %dma_start3A_230 = arith.constant 0 : i32
          %dma_start3A_231 = tpu.memref_slice %arg2[%dma_start3A_229, %dma_start3A_230] : memref<10000x16xf32, #tpu.memory_space<hbm>> -> memref<10000x16xf32, #tpu.memory_space<hbm>>
          tpu.enqueue_indirect_dma source(%dma_start3A_231 : memref<10000x16xf32, #tpu.memory_space<hbm>>) target(%dma_start3A_225 : memref<125x16xf32, #tpu.memory_space<vmem>>) offsets(%dma_start3A_228 : memref<125xi32, #tpu.memory_space<vmem>>) semaphore(%arg13 : memref<!tpu.dma_semaphore, #tpu.memory_space<semaphore_mem>>)
        } else {
        }
      } else {
      }
      %rem3A_174 = arith.constant 6 : i32
      %rem3A_175 = arith.remsi %scan3A_149, %rem3A_174 : i32
      %eq3A_176 = arith.constant 4 : i32
      %eq3A_177 = arith.cmpi eq, %rem3A_175, %eq3A_176 : i32
      %convert_element_type3A_178 = arith.extui %eq3A_177 : i1 to i32
      %cond3A_179 = arith.constant 0 : i32
      %cond3A_180 = arith.cmpi ne, %convert_element_type3A_178, %cond3A_179 : i32
      scf.if %cond3A_180 {
        %dma_wait3A_188 = arith.constant 4 : i32
        %dma_wait3A_189 = arith.constant 0 : i32
        %dma_wait3A_190 = arith.constant 0 : i32
        %dma_wait3A_191 = tpu.memref_slice %arg9[%dma_wait3A_188, %dma_wait3A_189, %dma_wait3A_190] : memref<6x125x16xf32, #tpu.memory_space<vmem>> -> memref<1x125x16xf32, #tpu.memory_space<vmem>>
        %dma_wait3A_192 = tpu.memref_squeeze %dma_wait3A_191 : memref<1x125x16xf32, #tpu.memory_space<vmem>> -> memref<125x16xf32, #tpu.memory_space<vmem>>
        %dma_wait3A_193 = arith.constant 0 : i32
        %dma_wait3A_194 = tpu.memref_slice %arg7[%scan3A_149, %dma_wait3A_193] : memref<80x125xi32, #tpu.memory_space<vmem>> -> memref<1x125xi32, #tpu.memory_space<vmem>>
        %dma_wait3A_195 = tpu.memref_squeeze %dma_wait3A_194 : memref<1x125xi32, #tpu.memory_space<vmem>> -> memref<125xi32, #tpu.memory_space<vmem>>
        %dma_wait3A_196 = arith.constant 0 : i32
        %dma_wait3A_197 = arith.constant 0 : i32
        %dma_wait3A_198 = tpu.memref_slice %arg2[%dma_wait3A_196, %dma_wait3A_197] : memref<10000x16xf32, #tpu.memory_space<hbm>> -> memref<10000x16xf32, #tpu.memory_space<hbm>>
        tpu.wait_indirect_dma semaphore(%arg15 : memref<!tpu.dma_semaphore, #tpu.memory_space<semaphore_mem>>) src(%dma_wait3A_198 : memref<10000x16xf32, #tpu.memory_space<hbm>>) dst(%dma_wait3A_192 : memref<125x16xf32, #tpu.memory_space<vmem>>)
        %dma_start3A_199 = arith.constant 4 : i32
        %dma_start3A_200 = arith.constant 0 : i32
        %dma_start3A_201 = arith.constant 0 : i32
        %dma_start3A_202 = tpu.memref_slice %arg9[%dma_start3A_199, %dma_start3A_200, %dma_start3A_201] : memref<6x125x16xf32, #tpu.memory_space<vmem>> -> memref<1x125x16xf32, #tpu.memory_space<vmem>>
        %dma_start3A_203 = tpu.memref_squeeze %dma_start3A_202 : memref<1x125x16xf32, #tpu.memory_space<vmem>> -> memref<125x16xf32, #tpu.memory_space<vmem>>
        %dma_start3A_204 = arith.constant 0 : i32
        %dma_start3A_205 = tpu.memref_slice %arg8[%scan3A_149, %dma_start3A_204] : memref<80x125xi32, #tpu.memory_space<vmem>> -> memref<1x125xi32, #tpu.memory_space<vmem>>
        %dma_start3A_206 = tpu.memref_squeeze %dma_start3A_205 : memref<1x125xi32, #tpu.memory_space<vmem>> -> memref<125xi32, #tpu.memory_space<vmem>>
        %dma_start3A_207 = arith.constant 0 : i32
        %dma_start3A_208 = arith.constant 0 : i32
        %dma_start3A_209 = tpu.memref_slice %arg10[%dma_start3A_207, %dma_start3A_208] : memref<10240x16xf32, #tpu.memory_space<vmem_shared>> -> memref<10240x16xf32, #tpu.memory_space<vmem_shared>>
        tpu.enqueue_indirect_dma source(%dma_start3A_203 : memref<125x16xf32, #tpu.memory_space<vmem>>) target(%dma_start3A_209 : memref<10240x16xf32, #tpu.memory_space<vmem_shared>>) offsets(%dma_start3A_206 : memref<125xi32, #tpu.memory_space<vmem>>) semaphore(%arg21 : memref<!tpu.dma_semaphore, #tpu.memory_space<semaphore_mem>>) {add = true}
        %add3A_210 = arith.constant 6 : i32
        %add3A_211 = arith.addi %scan3A_149, %add3A_210 : i32
        %sub3A = arith.constant 1 : i32
        %sub3A_212 = arith.subi %add3A_211, %sub3A : i32
        %lt3A = arith.constant 80 : i32
        %lt3A_213 = arith.cmpi slt, %sub3A_212, %lt3A : i32
        %convert_element_type3A_214 = arith.extui %lt3A_213 : i1 to i32
        %cond3A_215 = arith.constant 0 : i32
        %cond3A_216 = arith.cmpi ne, %convert_element_type3A_214, %cond3A_215 : i32
        scf.if %cond3A_216 {
          %ge3A = arith.constant 1 : i32
          %ge3A_217 = arith.cmpi sge, %scan3A_149, %ge3A : i32
          %convert_element_type3A_218 = arith.extui %ge3A_217 : i1 to i32
          %cond3A_219 = arith.constant 0 : i32
          %cond3A_220 = arith.cmpi ne, %convert_element_type3A_218, %cond3A_219 : i32
          scf.if %cond3A_220 {
            %dma_wait3A_232 = arith.constant 3 : i32
            %dma_wait3A_233 = arith.constant 0 : i32
            %dma_wait3A_234 = arith.constant 0 : i32
            %dma_wait3A_235 = arith.constant 0 : i32
            %dma_wait3A_236 = tpu.memref_slice %arg9[%dma_wait3A_232, %dma_wait3A_234, %dma_wait3A_235] : memref<6x125x16xf32, #tpu.memory_space<vmem>> -> memref<1x125x16xf32, #tpu.memory_space<vmem>>
            %dma_wait3A_237 = tpu.memref_squeeze %dma_wait3A_236 : memref<1x125x16xf32, #tpu.memory_space<vmem>> -> memref<125x16xf32, #tpu.memory_space<vmem>>
            %dma_wait3A_238 = arith.constant 0 : i32
            %dma_wait3A_239 = tpu.memref_slice %arg8[%dma_wait3A_233, %dma_wait3A_238] : memref<80x125xi32, #tpu.memory_space<vmem>> -> memref<1x125xi32, #tpu.memory_space<vmem>>
            %dma_wait3A_240 = tpu.memref_squeeze %dma_wait3A_239 : memref<1x125xi32, #tpu.memory_space<vmem>> -> memref<125xi32, #tpu.memory_space<vmem>>
            %dma_wait3A_241 = arith.constant 0 : i32
            %dma_wait3A_242 = arith.constant 0 : i32
            %dma_wait3A_243 = tpu.memref_slice %arg10[%dma_wait3A_241, %dma_wait3A_242] : memref<10240x16xf32, #tpu.memory_space<vmem_shared>> -> memref<10240x16xf32, #tpu.memory_space<vmem_shared>>
            tpu.wait_indirect_dma semaphore(%arg20 : memref<!tpu.dma_semaphore, #tpu.memory_space<semaphore_mem>>) src(%dma_wait3A_237 : memref<125x16xf32, #tpu.memory_space<vmem>>) dst(%dma_wait3A_243 : memref<10240x16xf32, #tpu.memory_space<vmem_shared>>)
          } else {
          }
          %dma_start3A_221 = arith.constant 3 : i32
          %dma_start3A_222 = arith.constant 0 : i32
          %dma_start3A_223 = arith.constant 0 : i32
          %dma_start3A_224 = tpu.memref_slice %arg9[%dma_start3A_221, %dma_start3A_222, %dma_start3A_223] : memref<6x125x16xf32, #tpu.memory_space<vmem>> -> memref<1x125x16xf32, #tpu.memory_space<vmem>>
          %dma_start3A_225 = tpu.memref_squeeze %dma_start3A_224 : memref<1x125x16xf32, #tpu.memory_space<vmem>> -> memref<125x16xf32, #tpu.memory_space<vmem>>
          %dma_start3A_226 = arith.constant 0 : i32
          %dma_start3A_227 = tpu.memref_slice %arg7[%sub3A_212, %dma_start3A_226] : memref<80x125xi32, #tpu.memory_space<vmem>> -> memref<1x125xi32, #tpu.memory_space<vmem>>
          %dma_start3A_228 = tpu.memref_squeeze %dma_start3A_227 : memref<1x125xi32, #tpu.memory_space<vmem>> -> memref<125xi32, #tpu.memory_space<vmem>>
          %dma_start3A_229 = arith.constant 0 : i32
          %dma_start3A_230 = arith.constant 0 : i32
          %dma_start3A_231 = tpu.memref_slice %arg2[%dma_start3A_229, %dma_start3A_230] : memref<10000x16xf32, #tpu.memory_space<hbm>> -> memref<10000x16xf32, #tpu.memory_space<hbm>>
          tpu.enqueue_indirect_dma source(%dma_start3A_231 : memref<10000x16xf32, #tpu.memory_space<hbm>>) target(%dma_start3A_225 : memref<125x16xf32, #tpu.memory_space<vmem>>) offsets(%dma_start3A_228 : memref<125xi32, #tpu.memory_space<vmem>>) semaphore(%arg14 : memref<!tpu.dma_semaphore, #tpu.memory_space<semaphore_mem>>)
        } else {
        }
      } else {
      }
      %rem3A_181 = arith.constant 6 : i32
      %rem3A_182 = arith.remsi %scan3A_149, %rem3A_181 : i32
      %eq3A_183 = arith.constant 5 : i32
      %eq3A_184 = arith.cmpi eq, %rem3A_182, %eq3A_183 : i32
      %convert_element_type3A_185 = arith.extui %eq3A_184 : i1 to i32
      %cond3A_186 = arith.constant 0 : i32
      %cond3A_187 = arith.cmpi ne, %convert_element_type3A_185, %cond3A_186 : i32
      scf.if %cond3A_187 {
        %dma_wait3A_188 = arith.constant 5 : i32
        %dma_wait3A_189 = arith.constant 0 : i32
        %dma_wait3A_190 = arith.constant 0 : i32
        %dma_wait3A_191 = tpu.memref_slice %arg9[%dma_wait3A_188, %dma_wait3A_189, %dma_wait3A_190] : memref<6x125x16xf32, #tpu.memory_space<vmem>> -> memref<1x125x16xf32, #tpu.memory_space<vmem>>
        %dma_wait3A_192 = tpu.memref_squeeze %dma_wait3A_191 : memref<1x125x16xf32, #tpu.memory_space<vmem>> -> memref<125x16xf32, #tpu.memory_space<vmem>>
        %dma_wait3A_193 = arith.constant 0 : i32
        %dma_wait3A_194 = tpu.memref_slice %arg7[%scan3A_149, %dma_wait3A_193] : memref<80x125xi32, #tpu.memory_space<vmem>> -> memref<1x125xi32, #tpu.memory_space<vmem>>
        %dma_wait3A_195 = tpu.memref_squeeze %dma_wait3A_194 : memref<1x125xi32, #tpu.memory_space<vmem>> -> memref<125xi32, #tpu.memory_space<vmem>>
        %dma_wait3A_196 = arith.constant 0 : i32
        %dma_wait3A_197 = arith.constant 0 : i32
        %dma_wait3A_198 = tpu.memref_slice %arg2[%dma_wait3A_196, %dma_wait3A_197] : memref<10000x16xf32, #tpu.memory_space<hbm>> -> memref<10000x16xf32, #tpu.memory_space<hbm>>
        tpu.wait_indirect_dma semaphore(%arg16 : memref<!tpu.dma_semaphore, #tpu.memory_space<semaphore_mem>>) src(%dma_wait3A_198 : memref<10000x16xf32, #tpu.memory_space<hbm>>) dst(%dma_wait3A_192 : memref<125x16xf32, #tpu.memory_space<vmem>>)
        %dma_start3A_199 = arith.constant 5 : i32
        %dma_start3A_200 = arith.constant 0 : i32
        %dma_start3A_201 = arith.constant 0 : i32
        %dma_start3A_202 = tpu.memref_slice %arg9[%dma_start3A_199, %dma_start3A_200, %dma_start3A_201] : memref<6x125x16xf32, #tpu.memory_space<vmem>> -> memref<1x125x16xf32, #tpu.memory_space<vmem>>
        %dma_start3A_203 = tpu.memref_squeeze %dma_start3A_202 : memref<1x125x16xf32, #tpu.memory_space<vmem>> -> memref<125x16xf32, #tpu.memory_space<vmem>>
        %dma_start3A_204 = arith.constant 0 : i32
        %dma_start3A_205 = tpu.memref_slice %arg8[%scan3A_149, %dma_start3A_204] : memref<80x125xi32, #tpu.memory_space<vmem>> -> memref<1x125xi32, #tpu.memory_space<vmem>>
        %dma_start3A_206 = tpu.memref_squeeze %dma_start3A_205 : memref<1x125xi32, #tpu.memory_space<vmem>> -> memref<125xi32, #tpu.memory_space<vmem>>
        %dma_start3A_207 = arith.constant 0 : i32
        %dma_start3A_208 = arith.constant 0 : i32
        %dma_start3A_209 = tpu.memref_slice %arg10[%dma_start3A_207, %dma_start3A_208] : memref<10240x16xf32, #tpu.memory_space<vmem_shared>> -> memref<10240x16xf32, #tpu.memory_space<vmem_shared>>
        tpu.enqueue_indirect_dma source(%dma_start3A_203 : memref<125x16xf32, #tpu.memory_space<vmem>>) target(%dma_start3A_209 : memref<10240x16xf32, #tpu.memory_space<vmem_shared>>) offsets(%dma_start3A_206 : memref<125xi32, #tpu.memory_space<vmem>>) semaphore(%arg22 : memref<!tpu.dma_semaphore, #tpu.memory_space<semaphore_mem>>) {add = true}
        %add3A_210 = arith.constant 6 : i32
        %add3A_211 = arith.addi %scan3A_149, %add3A_210 : i32
        %sub3A = arith.constant 1 : i32
        %sub3A_212 = arith.subi %add3A_211, %sub3A : i32
        %lt3A = arith.constant 80 : i32
        %lt3A_213 = arith.cmpi slt, %sub3A_212, %lt3A : i32
        %convert_element_type3A_214 = arith.extui %lt3A_213 : i1 to i32
        %cond3A_215 = arith.constant 0 : i32
        %cond3A_216 = arith.cmpi ne, %convert_element_type3A_214, %cond3A_215 : i32
        scf.if %cond3A_216 {
          %ge3A = arith.constant 1 : i32
          %ge3A_217 = arith.cmpi sge, %scan3A_149, %ge3A : i32
          %convert_element_type3A_218 = arith.extui %ge3A_217 : i1 to i32
          %cond3A_219 = arith.constant 0 : i32
          %cond3A_220 = arith.cmpi ne, %convert_element_type3A_218, %cond3A_219 : i32
          scf.if %cond3A_220 {
            %dma_wait3A_232 = arith.constant 4 : i32
            %dma_wait3A_233 = arith.constant 0 : i32
            %dma_wait3A_234 = arith.constant 0 : i32
            %dma_wait3A_235 = arith.constant 0 : i32
            %dma_wait3A_236 = tpu.memref_slice %arg9[%dma_wait3A_232, %dma_wait3A_234, %dma_wait3A_235] : memref<6x125x16xf32, #tpu.memory_space<vmem>> -> memref<1x125x16xf32, #tpu.memory_space<vmem>>
            %dma_wait3A_237 = tpu.memref_squeeze %dma_wait3A_236 : memref<1x125x16xf32, #tpu.memory_space<vmem>> -> memref<125x16xf32, #tpu.memory_space<vmem>>
            %dma_wait3A_238 = arith.constant 0 : i32
            %dma_wait3A_239 = tpu.memref_slice %arg8[%dma_wait3A_233, %dma_wait3A_238] : memref<80x125xi32, #tpu.memory_space<vmem>> -> memref<1x125xi32, #tpu.memory_space<vmem>>
            %dma_wait3A_240 = tpu.memref_squeeze %dma_wait3A_239 : memref<1x125xi32, #tpu.memory_space<vmem>> -> memref<125xi32, #tpu.memory_space<vmem>>
            %dma_wait3A_241 = arith.constant 0 : i32
            %dma_wait3A_242 = arith.constant 0 : i32
            %dma_wait3A_243 = tpu.memref_slice %arg10[%dma_wait3A_241, %dma_wait3A_242] : memref<10240x16xf32, #tpu.memory_space<vmem_shared>> -> memref<10240x16xf32, #tpu.memory_space<vmem_shared>>
            tpu.wait_indirect_dma semaphore(%arg21 : memref<!tpu.dma_semaphore, #tpu.memory_space<semaphore_mem>>) src(%dma_wait3A_237 : memref<125x16xf32, #tpu.memory_space<vmem>>) dst(%dma_wait3A_243 : memref<10240x16xf32, #tpu.memory_space<vmem_shared>>)
          } else {
          }
          %dma_start3A_221 = arith.constant 4 : i32
          %dma_start3A_222 = arith.constant 0 : i32
          %dma_start3A_223 = arith.constant 0 : i32
          %dma_start3A_224 = tpu.memref_slice %arg9[%dma_start3A_221, %dma_start3A_222, %dma_start3A_223] : memref<6x125x16xf32, #tpu.memory_space<vmem>> -> memref<1x125x16xf32, #tpu.memory_space<vmem>>
          %dma_start3A_225 = tpu.memref_squeeze %dma_start3A_224 : memref<1x125x16xf32, #tpu.memory_space<vmem>> -> memref<125x16xf32, #tpu.memory_space<vmem>>
          %dma_start3A_226 = arith.constant 0 : i32
          %dma_start3A_227 = tpu.memref_slice %arg7[%sub3A_212, %dma_start3A_226] : memref<80x125xi32, #tpu.memory_space<vmem>> -> memref<1x125xi32, #tpu.memory_space<vmem>>
          %dma_start3A_228 = tpu.memref_squeeze %dma_start3A_227 : memref<1x125xi32, #tpu.memory_space<vmem>> -> memref<125xi32, #tpu.memory_space<vmem>>
          %dma_start3A_229 = arith.constant 0 : i32
          %dma_start3A_230 = arith.constant 0 : i32
          %dma_start3A_231 = tpu.memref_slice %arg2[%dma_start3A_229, %dma_start3A_230] : memref<10000x16xf32, #tpu.memory_space<hbm>> -> memref<10000x16xf32, #tpu.memory_space<hbm>>
          tpu.enqueue_indirect_dma source(%dma_start3A_231 : memref<10000x16xf32, #tpu.memory_space<hbm>>) target(%dma_start3A_225 : memref<125x16xf32, #tpu.memory_space<vmem>>) offsets(%dma_start3A_228 : memref<125xi32, #tpu.memory_space<vmem>>) semaphore(%arg15 : memref<!tpu.dma_semaphore, #tpu.memory_space<semaphore_mem>>)
        } else {
        }
      } else {
      }
    }
    %scan3A_72 = arith.constant 80 : i32
    %dma_wait3A = arith.constant 0 : i32
    %dma_wait3A_73 = arith.constant 0 : i32
    %dma_wait3A_74 = arith.constant 0 : i32
    %dma_wait3A_75 = arith.constant 0 : i32
    %dma_wait3A_76 = tpu.memref_slice %arg9[%dma_wait3A, %dma_wait3A_74, %dma_wait3A_75] : memref<6x125x16xf32, #tpu.memory_space<vmem>> -> memref<1x125x16xf32, #tpu.memory_space<vmem>>
    %dma_wait3A_77 = tpu.memref_squeeze %dma_wait3A_76 : memref<1x125x16xf32, #tpu.memory_space<vmem>> -> memref<125x16xf32, #tpu.memory_space<vmem>>
    %dma_wait3A_78 = arith.constant 0 : i32
    %dma_wait3A_79 = tpu.memref_slice %arg8[%dma_wait3A_73, %dma_wait3A_78] : memref<80x125xi32, #tpu.memory_space<vmem>> -> memref<1x125xi32, #tpu.memory_space<vmem>>
    %dma_wait3A_80 = tpu.memref_squeeze %dma_wait3A_79 : memref<1x125xi32, #tpu.memory_space<vmem>> -> memref<125xi32, #tpu.memory_space<vmem>>
    %dma_wait3A_81 = arith.constant 0 : i32
    %dma_wait3A_82 = arith.constant 0 : i32
    %dma_wait3A_83 = tpu.memref_slice %arg10[%dma_wait3A_81, %dma_wait3A_82] : memref<10240x16xf32, #tpu.memory_space<vmem_shared>> -> memref<10240x16xf32, #tpu.memory_space<vmem_shared>>
    tpu.wait_indirect_dma semaphore(%arg17 : memref<!tpu.dma_semaphore, #tpu.memory_space<semaphore_mem>>) src(%dma_wait3A_77 : memref<125x16xf32, #tpu.memory_space<vmem>>) dst(%dma_wait3A_83 : memref<10240x16xf32, #tpu.memory_space<vmem_shared>>)
    %dma_wait3A_84 = arith.constant 1 : i32
    %dma_wait3A_85 = arith.constant 0 : i32
    %dma_wait3A_86 = arith.constant 0 : i32
    %dma_wait3A_87 = arith.constant 0 : i32
    %dma_wait3A_88 = tpu.memref_slice %arg9[%dma_wait3A_84, %dma_wait3A_86, %dma_wait3A_87] : memref<6x125x16xf32, #tpu.memory_space<vmem>> -> memref<1x125x16xf32, #tpu.memory_space<vmem>>
    %dma_wait3A_89 = tpu.memref_squeeze %dma_wait3A_88 : memref<1x125x16xf32, #tpu.memory_space<vmem>> -> memref<125x16xf32, #tpu.memory_space<vmem>>
    %dma_wait3A_90 = arith.constant 0 : i32
    %dma_wait3A_91 = tpu.memref_slice %arg8[%dma_wait3A_85, %dma_wait3A_90] : memref<80x125xi32, #tpu.memory_space<vmem>> -> memref<1x125xi32, #tpu.memory_space<vmem>>
    %dma_wait3A_92 = tpu.memref_squeeze %dma_wait3A_91 : memref<1x125xi32, #tpu.memory_space<vmem>> -> memref<125xi32, #tpu.memory_space<vmem>>
    %dma_wait3A_93 = arith.constant 0 : i32
    %dma_wait3A_94 = arith.constant 0 : i32
    %dma_wait3A_95 = tpu.memref_slice %arg10[%dma_wait3A_93, %dma_wait3A_94] : memref<10240x16xf32, #tpu.memory_space<vmem_shared>> -> memref<10240x16xf32, #tpu.memory_space<vmem_shared>>
    tpu.wait_indirect_dma semaphore(%arg18 : memref<!tpu.dma_semaphore, #tpu.memory_space<semaphore_mem>>) src(%dma_wait3A_89 : memref<125x16xf32, #tpu.memory_space<vmem>>) dst(%dma_wait3A_95 : memref<10240x16xf32, #tpu.memory_space<vmem_shared>>)
    %dma_wait3A_96 = arith.constant 2 : i32
    %dma_wait3A_97 = arith.constant 0 : i32
    %dma_wait3A_98 = arith.constant 0 : i32
    %dma_wait3A_99 = arith.constant 0 : i32
    %dma_wait3A_100 = tpu.memref_slice %arg9[%dma_wait3A_96, %dma_wait3A_98, %dma_wait3A_99] : memref<6x125x16xf32, #tpu.memory_space<vmem>> -> memref<1x125x16xf32, #tpu.memory_space<vmem>>
    %dma_wait3A_101 = tpu.memref_squeeze %dma_wait3A_100 : memref<1x125x16xf32, #tpu.memory_space<vmem>> -> memref<125x16xf32, #tpu.memory_space<vmem>>
    %dma_wait3A_102 = arith.constant 0 : i32
    %dma_wait3A_103 = tpu.memref_slice %arg8[%dma_wait3A_97, %dma_wait3A_102] : memref<80x125xi32, #tpu.memory_space<vmem>> -> memref<1x125xi32, #tpu.memory_space<vmem>>
    %dma_wait3A_104 = tpu.memref_squeeze %dma_wait3A_103 : memref<1x125xi32, #tpu.memory_space<vmem>> -> memref<125xi32, #tpu.memory_space<vmem>>
    %dma_wait3A_105 = arith.constant 0 : i32
    %dma_wait3A_106 = arith.constant 0 : i32
    %dma_wait3A_107 = tpu.memref_slice %arg10[%dma_wait3A_105, %dma_wait3A_106] : memref<10240x16xf32, #tpu.memory_space<vmem_shared>> -> memref<10240x16xf32, #tpu.memory_space<vmem_shared>>
    tpu.wait_indirect_dma semaphore(%arg19 : memref<!tpu.dma_semaphore, #tpu.memory_space<semaphore_mem>>) src(%dma_wait3A_101 : memref<125x16xf32, #tpu.memory_space<vmem>>) dst(%dma_wait3A_107 : memref<10240x16xf32, #tpu.memory_space<vmem_shared>>)
    %dma_wait3A_108 = arith.constant 3 : i32
    %dma_wait3A_109 = arith.constant 0 : i32
    %dma_wait3A_110 = arith.constant 0 : i32
    %dma_wait3A_111 = arith.constant 0 : i32
    %dma_wait3A_112 = tpu.memref_slice %arg9[%dma_wait3A_108, %dma_wait3A_110, %dma_wait3A_111] : memref<6x125x16xf32, #tpu.memory_space<vmem>> -> memref<1x125x16xf32, #tpu.memory_space<vmem>>
    %dma_wait3A_113 = tpu.memref_squeeze %dma_wait3A_112 : memref<1x125x16xf32, #tpu.memory_space<vmem>> -> memref<125x16xf32, #tpu.memory_space<vmem>>
    %dma_wait3A_114 = arith.constant 0 : i32
    %dma_wait3A_115 = tpu.memref_slice %arg8[%dma_wait3A_109, %dma_wait3A_114] : memref<80x125xi32, #tpu.memory_space<vmem>> -> memref<1x125xi32, #tpu.memory_space<vmem>>
    %dma_wait3A_116 = tpu.memref_squeeze %dma_wait3A_115 : memref<1x125xi32, #tpu.memory_space<vmem>> -> memref<125xi32, #tpu.memory_space<vmem>>
    %dma_wait3A_117 = arith.constant 0 : i32
    %dma_wait3A_118 = arith.constant 0 : i32
    %dma_wait3A_119 = tpu.memref_slice %arg10[%dma_wait3A_117, %dma_wait3A_118] : memref<10240x16xf32, #tpu.memory_space<vmem_shared>> -> memref<10240x16xf32, #tpu.memory_space<vmem_shared>>
    tpu.wait_indirect_dma semaphore(%arg20 : memref<!tpu.dma_semaphore, #tpu.memory_space<semaphore_mem>>) src(%dma_wait3A_113 : memref<125x16xf32, #tpu.memory_space<vmem>>) dst(%dma_wait3A_119 : memref<10240x16xf32, #tpu.memory_space<vmem_shared>>)
    %dma_wait3A_120 = arith.constant 4 : i32
    %dma_wait3A_121 = arith.constant 0 : i32
    %dma_wait3A_122 = arith.constant 0 : i32
    %dma_wait3A_123 = arith.constant 0 : i32
    %dma_wait3A_124 = tpu.memref_slice %arg9[%dma_wait3A_120, %dma_wait3A_122, %dma_wait3A_123] : memref<6x125x16xf32, #tpu.memory_space<vmem>> -> memref<1x125x16xf32, #tpu.memory_space<vmem>>
    %dma_wait3A_125 = tpu.memref_squeeze %dma_wait3A_124 : memref<1x125x16xf32, #tpu.memory_space<vmem>> -> memref<125x16xf32, #tpu.memory_space<vmem>>
    %dma_wait3A_126 = arith.constant 0 : i32
    %dma_wait3A_127 = tpu.memref_slice %arg8[%dma_wait3A_121, %dma_wait3A_126] : memref<80x125xi32, #tpu.memory_space<vmem>> -> memref<1x125xi32, #tpu.memory_space<vmem>>
    %dma_wait3A_128 = tpu.memref_squeeze %dma_wait3A_127 : memref<1x125xi32, #tpu.memory_space<vmem>> -> memref<125xi32, #tpu.memory_space<vmem>>
    %dma_wait3A_129 = arith.constant 0 : i32
    %dma_wait3A_130 = arith.constant 0 : i32
    %dma_wait3A_131 = tpu.memref_slice %arg10[%dma_wait3A_129, %dma_wait3A_130] : memref<10240x16xf32, #tpu.memory_space<vmem_shared>> -> memref<10240x16xf32, #tpu.memory_space<vmem_shared>>
    tpu.wait_indirect_dma semaphore(%arg21 : memref<!tpu.dma_semaphore, #tpu.memory_space<semaphore_mem>>) src(%dma_wait3A_125 : memref<125x16xf32, #tpu.memory_space<vmem>>) dst(%dma_wait3A_131 : memref<10240x16xf32, #tpu.memory_space<vmem_shared>>)
    %dma_wait3A_132 = arith.constant 5 : i32
    %dma_wait3A_133 = arith.constant 0 : i32
    %dma_wait3A_134 = arith.constant 0 : i32
    %dma_wait3A_135 = arith.constant 0 : i32
    %dma_wait3A_136 = tpu.memref_slice %arg9[%dma_wait3A_132, %dma_wait3A_134, %dma_wait3A_135] : memref<6x125x16xf32, #tpu.memory_space<vmem>> -> memref<1x125x16xf32, #tpu.memory_space<vmem>>
    %dma_wait3A_137 = tpu.memref_squeeze %dma_wait3A_136 : memref<1x125x16xf32, #tpu.memory_space<vmem>> -> memref<125x16xf32, #tpu.memory_space<vmem>>
    %dma_wait3A_138 = arith.constant 0 : i32
    %dma_wait3A_139 = tpu.memref_slice %arg8[%dma_wait3A_133, %dma_wait3A_138] : memref<80x125xi32, #tpu.memory_space<vmem>> -> memref<1x125xi32, #tpu.memory_space<vmem>>
    %dma_wait3A_140 = tpu.memref_squeeze %dma_wait3A_139 : memref<1x125xi32, #tpu.memory_space<vmem>> -> memref<125xi32, #tpu.memory_space<vmem>>
    %dma_wait3A_141 = arith.constant 0 : i32
    %dma_wait3A_142 = arith.constant 0 : i32
    %dma_wait3A_143 = tpu.memref_slice %arg10[%dma_wait3A_141, %dma_wait3A_142] : memref<10240x16xf32, #tpu.memory_space<vmem_shared>> -> memref<10240x16xf32, #tpu.memory_space<vmem_shared>>
    tpu.wait_indirect_dma semaphore(%arg22 : memref<!tpu.dma_semaphore, #tpu.memory_space<semaphore_mem>>) src(%dma_wait3A_137 : memref<125x16xf32, #tpu.memory_space<vmem>>) dst(%dma_wait3A_143 : memref<10240x16xf32, #tpu.memory_space<vmem_shared>>)
    %barrier3A_144 = arith.constant 0 : index
    tpu.barrier barrier_id(%barrier3A_144)
    %mul3A_145 = arith.constant 640 : i32
    %mul3A_146 = arith.muli %arg1, %mul3A_145 : i32
    %mul3A_147 = arith.constant 640 : i32
    %mul3A_148 = arith.muli %arg1, %mul3A_147 : i32
    "tpu.region"() ({
      %run_scoped3A = tpu.sem_alloc : memref<!tpu.dma_semaphore, #tpu.memory_space<semaphore_mem>>
      %dma_start3A_149 = arith.constant 0 : i32
      %dma_start3A_150 = tpu.memref_slice %arg6[%arg0, %mul3A_148, %dma_start3A_149] : memref<2x10240x16xf32, #tpu.memory_space<hbm>> -> memref<1x640x16xf32, #tpu.memory_space<hbm>>
      %dma_start3A_151 = tpu.memref_squeeze %dma_start3A_150 : memref<1x640x16xf32, #tpu.memory_space<hbm>> -> memref<640x16xf32, #tpu.memory_space<hbm>>
      %dma_start3A_152 = arith.constant 0 : i32
      %dma_start3A_153 = tpu.memref_slice %arg10[%mul3A_146, %dma_start3A_152] : memref<10240x16xf32, #tpu.memory_space<vmem_shared>> -> memref<640x16xf32, #tpu.memory_space<vmem_shared>>
      tpu.enqueue_dma source(%dma_start3A_153 : memref<640x16xf32, #tpu.memory_space<vmem_shared>>) target(%dma_start3A_151 : memref<640x16xf32, #tpu.memory_space<hbm>>) target_semaphore(%run_scoped3A : memref<!tpu.dma_semaphore, #tpu.memory_space<semaphore_mem>>)
      %dma_wait3A_154 = arith.constant 0 : i32
      %dma_wait3A_155 = tpu.memref_slice %arg6[%arg0, %mul3A_148, %dma_wait3A_154] : memref<2x10240x16xf32, #tpu.memory_space<hbm>> -> memref<1x640x16xf32, #tpu.memory_space<hbm>>
      %dma_wait3A_156 = tpu.memref_squeeze %dma_wait3A_155 : memref<1x640x16xf32, #tpu.memory_space<hbm>> -> memref<640x16xf32, #tpu.memory_space<hbm>>
      %dma_wait3A_157 = arith.constant 0 : i32
      %dma_wait3A_158 = tpu.memref_slice %arg10[%mul3A_146, %dma_wait3A_157] : memref<10240x16xf32, #tpu.memory_space<vmem_shared>> -> memref<640x16xf32, #tpu.memory_space<vmem_shared>>
      tpu.wait_dma2 semaphore(%run_scoped3A : memref<!tpu.dma_semaphore, #tpu.memory_space<semaphore_mem>>) src(%dma_wait3A_158 : memref<640x16xf32, #tpu.memory_space<vmem_shared>>) dst(%dma_wait3A_156 : memref<640x16xf32, #tpu.memory_space<hbm>>)
      tpu.yield
    }) : () -> ()
    return
  }
}

module attributes {stable_mosaic.version = 14 : i64} {
  func.func @_proj_body(%arg0: i32, %arg1: memref<1000x128xf32, #tpu.memory_space<vmem>>, %arg2: memref<128x32xf32, #tpu.memory_space<vmem>>, %arg3: memref<1000x32xf32, #tpu.memory_space<vmem>>) attributes {dimension_semantics = [#tpu.dimension_semantics<arbitrary>], iteration_bounds = array<i64: 10>, scalar_prefetch = 0 : i64, scratch_operands = 0 : i64, tpu.core_type = #tpu.core_type<tc>, window_params = [{transform_indices = @transform_0, window_bounds = array<i64: 1000, 128>}, {pipeline_mode = #tpu.pipeline_mode<synchronous>, transform_indices = @transform_1, window_bounds = array<i64: 128, 32>}, {transform_indices = @transform_2, window_bounds = array<i64: 1000, 32>}]} {
    %get3A = arith.constant 0 : index
    %get3A_0 = arith.constant 0 : index
    %get3A_1 = vector.load %arg1[%get3A, %get3A_0] : memref<1000x128xf32, #tpu.memory_space<vmem>>, vector<1000x128xf32>
    %get3A_2 = arith.constant 0 : index
    %get3A_3 = arith.constant 0 : index
    %get3A_4 = vector.load %arg2[%get3A_2, %get3A_3] : memref<128x32xf32, #tpu.memory_space<vmem>>, vector<128x32xf32>
    %dot_general3A = arith.constant dense<0.000000e+00> : vector<1000x32xf32>
    %dot_general3A_5 = tpu.matmul %get3A_1, %get3A_4, %dot_general3A {dimension_numbers = #tpu.dot_dimension_numbers<[1], [0], [0], [1], [0, 0, 1, 1], [], []>, precision = #tpu.contract_precision<fp32>, transpose_lhs_hint = false} : vector<1000x128xf32>, vector<128x32xf32>, vector<1000x32xf32> -> vector<1000x32xf32>
    %swap3A = arith.constant 0 : index
    %swap3A_6 = arith.constant 0 : index
    %swap3A_7 = vector.load %arg3[%swap3A, %swap3A_6] : memref<1000x32xf32, #tpu.memory_space<vmem>>, vector<1000x32xf32>
    tpu.vector_store %arg3[%swap3A, %swap3A_6], %dot_general3A_5 {strides = array<i32>} : memref<1000x32xf32, #tpu.memory_space<vmem>>, vector<1000x32xf32>,
    return
  }
  func.func @transform_0(%arg0: i32) -> (i32, i32) {
    %c0_i32 = arith.constant 0 : i32
    %c0_i32_0 = arith.constant 0 : i32
    return %arg0, %c0_i32 : i32, i32
  }
  func.func @transform_1(%arg0: i32) -> (i32, i32) {
    %c0_i32 = arith.constant 0 : i32
    %c0_i32_0 = arith.constant 0 : i32
    %c0_i32_1 = arith.constant 0 : i32
    return %c0_i32, %c0_i32_0 : i32, i32
  }
  func.func @transform_2(%arg0: i32) -> (i32, i32) {
    %c0_i32 = arith.constant 0 : i32
    %c0_i32_0 = arith.constant 0 : i32
    return %arg0, %c0_i32 : i32, i32
  }
}

module attributes {stable_mosaic.version = 14 : i64} {
  func.func @_mlp1_body(%arg0: i32, %arg1: memref<1000x32xf32, #tpu.memory_space<vmem>>, %arg2: memref<2x1000x32xf32, #tpu.memory_space<vmem>>, %arg3: memref<1x32xf32, #tpu.memory_space<vmem>>, %arg4: memref<32x16xf32, #tpu.memory_space<vmem>>, %arg5: memref<1x16xf32, #tpu.memory_space<vmem>>, %arg6: memref<1x16xf32, #tpu.memory_space<vmem>>, %arg7: memref<1x16xf32, #tpu.memory_space<vmem>>, %arg8: memref<1x16xf32, #tpu.memory_space<vmem>>, %arg9: memref<1x16xf32, #tpu.memory_space<vmem>>, %arg10: memref<1000x16xf32, #tpu.memory_space<vmem>>) attributes {dimension_semantics = [#tpu.dimension_semantics<arbitrary>], iteration_bounds = array<i64: 10>, scalar_prefetch = 0 : i64, scratch_operands = 0 : i64, tpu.core_type = #tpu.core_type<tc>, window_params = [{transform_indices = @transform_0, window_bounds = array<i64: 1000, 32>}, {transform_indices = @transform_1, window_bounds = array<i64: 2, 1000, 32>}, {pipeline_mode = #tpu.pipeline_mode<synchronous>, transform_indices = @transform_2, window_bounds = array<i64: 1, 32>}, {pipeline_mode = #tpu.pipeline_mode<synchronous>, transform_indices = @transform_3, window_bounds = array<i64: 32, 16>}, {pipeline_mode = #tpu.pipeline_mode<synchronous>, transform_indices = @transform_4, window_bounds = array<i64: 1, 16>}, {pipeline_mode = #tpu.pipeline_mode<synchronous>, transform_indices = @transform_5, window_bounds = array<i64: 1, 16>}, {pipeline_mode = #tpu.pipeline_mode<synchronous>, transform_indices = @transform_6, window_bounds = array<i64: 1, 16>}, {pipeline_mode = #tpu.pipeline_mode<synchronous>, transform_indices = @transform_7, window_bounds = array<i64: 1, 16>}, {pipeline_mode = #tpu.pipeline_mode<synchronous>, transform_indices = @transform_8, window_bounds = array<i64: 1, 16>}, {transform_indices = @transform_9, window_bounds = array<i64: 1000, 16>}]} {
    %get3A = arith.constant 0 : index
    %get3A_0 = arith.constant 0 : index
    %get3A_1 = vector.load %arg1[%get3A, %get3A_0] : memref<1000x32xf32, #tpu.memory_space<vmem>>, vector<1000x32xf32>
    %get3A_2 = arith.constant 0 : index
    %get3A_3 = arith.constant 0 : index
    %get3A_4 = arith.constant 0 : index
    %get3A_5 = vector.load %arg2[%get3A_2, %get3A_3, %get3A_4] : memref<2x1000x32xf32, #tpu.memory_space<vmem>>, vector<1x1000x32xf32>
    %get3A_6 = vector.shape_cast %get3A_5 : vector<1x1000x32xf32> to vector<1000x32xf32>
    %add3A = arith.addf %get3A_1, %get3A_6 : vector<1000x32xf32>
    %get3A_7 = arith.constant 1 : index
    %get3A_8 = arith.constant 0 : index
    %get3A_9 = arith.constant 0 : index
    %get3A_10 = vector.load %arg2[%get3A_7, %get3A_8, %get3A_9] : memref<2x1000x32xf32, #tpu.memory_space<vmem>>, vector<1x1000x32xf32>
    %get3A_11 = vector.shape_cast %get3A_10 : vector<1x1000x32xf32> to vector<1000x32xf32>
    %add3A_12 = arith.addf %add3A, %get3A_11 : vector<1000x32xf32>
    %get3A_13 = arith.constant 0 : index
    %get3A_14 = arith.constant 0 : index
    %get3A_15 = vector.load %arg3[%get3A_13, %get3A_14] : memref<1x32xf32, #tpu.memory_space<vmem>>, vector<1x32xf32>
    %add3A_16 = vector.broadcast %get3A_15 : vector<1x32xf32> to vector<1000x32xf32>
    %add3A_17 = arith.addf %add3A_12, %add3A_16 : vector<1000x32xf32>
    %max3A = arith.constant 0.000000e+00 : f32
    %max3A_18 = vector.broadcast %max3A : f32 to vector<1000x32xf32>
    %max3A_19 = arith.maximumf %add3A_17, %max3A_18 : vector<1000x32xf32>
    %get3A_20 = arith.constant 0 : index
    %get3A_21 = arith.constant 0 : index
    %get3A_22 = vector.load %arg4[%get3A_20, %get3A_21] : memref<32x16xf32, #tpu.memory_space<vmem>>, vector<32x16xf32>
    %dot_general3A = arith.constant dense<0.000000e+00> : vector<1000x16xf32>
    %dot_general3A_23 = tpu.matmul %max3A_19, %get3A_22, %dot_general3A {dimension_numbers = #tpu.dot_dimension_numbers<[1], [0], [0], [1], [0, 0, 1, 1], [], []>, precision = #tpu.contract_precision<fp32>, transpose_lhs_hint = false} : vector<1000x32xf32>, vector<32x16xf32>, vector<1000x16xf32> -> vector<1000x16xf32>
    %get3A_24 = arith.constant 0 : index
    %get3A_25 = arith.constant 0 : index
    %get3A_26 = vector.load %arg5[%get3A_24, %get3A_25] : memref<1x16xf32, #tpu.memory_space<vmem>>, vector<1x16xf32>
    %add3A_27 = vector.broadcast %get3A_26 : vector<1x16xf32> to vector<1000x16xf32>
    %add3A_28 = arith.addf %dot_general3A_23, %add3A_27 : vector<1000x16xf32>
    %max3A_29 = arith.constant 0.000000e+00 : f32
    %max3A_30 = vector.broadcast %max3A_29 : f32 to vector<1000x16xf32>
    %max3A_31 = arith.maximumf %add3A_28, %max3A_30 : vector<1000x16xf32>
    %get3A_32 = arith.constant 0 : index
    %get3A_33 = arith.constant 0 : index
    %get3A_34 = vector.load %arg6[%get3A_32, %get3A_33] : memref<1x16xf32, #tpu.memory_space<vmem>>, vector<1x16xf32>
    %get3A_35 = arith.constant 0 : index
    %get3A_36 = arith.constant 0 : index
    %get3A_37 = vector.load %arg9[%get3A_35, %get3A_36] : memref<1x16xf32, #tpu.memory_space<vmem>>, vector<1x16xf32>
    %add3A_38 = arith.constant 9.99999974E-6 : f32
    %add3A_39 = vector.broadcast %add3A_38 : f32 to vector<1x16xf32>
    %add3A_40 = arith.addf %get3A_37, %add3A_39 : vector<1x16xf32>
    %rsqrt3A = math.rsqrt %add3A_40 : vector<1x16xf32>
    %mul3A = arith.mulf %get3A_34, %rsqrt3A : vector<1x16xf32>
    %get3A_41 = arith.constant 0 : index
    %get3A_42 = arith.constant 0 : index
    %get3A_43 = vector.load %arg8[%get3A_41, %get3A_42] : memref<1x16xf32, #tpu.memory_space<vmem>>, vector<1x16xf32>
    %sub3A = vector.broadcast %get3A_43 : vector<1x16xf32> to vector<1000x16xf32>
    %sub3A_44 = arith.subf %max3A_31, %sub3A : vector<1000x16xf32>
    %mul3A_45 = vector.broadcast %mul3A : vector<1x16xf32> to vector<1000x16xf32>
    %mul3A_46 = arith.mulf %sub3A_44, %mul3A_45 : vector<1000x16xf32>
    %get3A_47 = arith.constant 0 : index
    %get3A_48 = arith.constant 0 : index
    %get3A_49 = vector.load %arg7[%get3A_47, %get3A_48] : memref<1x16xf32, #tpu.memory_space<vmem>>, vector<1x16xf32>
    %add3A_50 = vector.broadcast %get3A_49 : vector<1x16xf32> to vector<1000x16xf32>
    %add3A_51 = arith.addf %mul3A_46, %add3A_50 : vector<1000x16xf32>
    %max3A_52 = arith.constant 0.000000e+00 : f32
    %max3A_53 = vector.broadcast %max3A_52 : f32 to vector<1000x16xf32>
    %max3A_54 = arith.maximumf %add3A_51, %max3A_53 : vector<1000x16xf32>
    %swap3A = arith.constant 0 : index
    %swap3A_55 = arith.constant 0 : index
    %swap3A_56 = vector.load %arg10[%swap3A, %swap3A_55] : memref<1000x16xf32, #tpu.memory_space<vmem>>, vector<1000x16xf32>
    tpu.vector_store %arg10[%swap3A, %swap3A_55], %max3A_54 {strides = array<i32>} : memref<1000x16xf32, #tpu.memory_space<vmem>>, vector<1000x16xf32>,
    return
  }
  func.func @transform_0(%arg0: i32) -> (i32, i32) {
    %c0_i32 = arith.constant 0 : i32
    %c0_i32_0 = arith.constant 0 : i32
    return %arg0, %c0_i32 : i32, i32
  }
  func.func @transform_1(%arg0: i32) -> (i32, i32, i32) {
    %c0_i32 = arith.constant 0 : i32
    %c0_i32_0 = arith.constant 0 : i32
    %c0_i32_1 = arith.constant 0 : i32
    return %c0_i32, %arg0, %c0_i32_0 : i32, i32, i32
  }
  func.func @transform_2(%arg0: i32) -> (i32, i32) {
    %c0_i32 = arith.constant 0 : i32
    %c0_i32_0 = arith.constant 0 : i32
    %c0_i32_1 = arith.constant 0 : i32
    return %c0_i32, %c0_i32_0 : i32, i32
  }
  func.func @transform_3(%arg0: i32) -> (i32, i32) {
    %c0_i32 = arith.constant 0 : i32
    %c0_i32_0 = arith.constant 0 : i32
    %c0_i32_1 = arith.constant 0 : i32
    return %c0_i32, %c0_i32_0 : i32, i32
  }
  func.func @transform_4(%arg0: i32) -> (i32, i32) {
    %c0_i32 = arith.constant 0 : i32
    %c0_i32_0 = arith.constant 0 : i32
    %c0_i32_1 = arith.constant 0 : i32
    return %c0_i32, %c0_i32_0 : i32, i32
  }
  func.func @transform_5(%arg0: i32) -> (i32, i32) {
    %c0_i32 = arith.constant 0 : i32
    %c0_i32_0 = arith.constant 0 : i32
    %c0_i32_1 = arith.constant 0 : i32
    return %c0_i32, %c0_i32_0 : i32, i32
  }
  func.func @transform_6(%arg0: i32) -> (i32, i32) {
    %c0_i32 = arith.constant 0 : i32
    %c0_i32_0 = arith.constant 0 : i32
    %c0_i32_1 = arith.constant 0 : i32
    return %c0_i32, %c0_i32_0 : i32, i32
  }
  func.func @transform_7(%arg0: i32) -> (i32, i32) {
    %c0_i32 = arith.constant 0 : i32
    %c0_i32_0 = arith.constant 0 : i32
    %c0_i32_1 = arith.constant 0 : i32
    return %c0_i32, %c0_i32_0 : i32, i32
  }
  func.func @transform_8(%arg0: i32) -> (i32, i32) {
    %c0_i32 = arith.constant 0 : i32
    %c0_i32_0 = arith.constant 0 : i32
    %c0_i32_1 = arith.constant 0 : i32
    return %c0_i32, %c0_i32_0 : i32, i32
  }
  func.func @transform_9(%arg0: i32) -> (i32, i32) {
    %c0_i32 = arith.constant 0 : i32
    %c0_i32_0 = arith.constant 0 : i32
    return %arg0, %c0_i32 : i32, i32
  }
}

module attributes {stable_mosaic.version = 14 : i64} {
  func.func @_mlp2_body(%arg0: i32, %arg1: memref<1000x16xf32, #tpu.memory_space<vmem>>, %arg2: memref<2x1000x16xf32, #tpu.memory_space<vmem>>, %arg3: memref<16x16xf32, #tpu.memory_space<vmem>>, %arg4: memref<1x16xf32, #tpu.memory_space<vmem>>, %arg5: memref<16x16xf32, #tpu.memory_space<vmem>>, %arg6: memref<1x16xf32, #tpu.memory_space<vmem>>, %arg7: memref<1x16xf32, #tpu.memory_space<vmem>>, %arg8: memref<1x16xf32, #tpu.memory_space<vmem>>, %arg9: memref<1x16xf32, #tpu.memory_space<vmem>>, %arg10: memref<1x16xf32, #tpu.memory_space<vmem>>, %arg11: memref<1000x16xf32, #tpu.memory_space<vmem>>) attributes {dimension_semantics = [#tpu.dimension_semantics<arbitrary>], iteration_bounds = array<i64: 10>, scalar_prefetch = 0 : i64, scratch_operands = 0 : i64, tpu.core_type = #tpu.core_type<tc>, window_params = [{transform_indices = @transform_0, window_bounds = array<i64: 1000, 16>}, {transform_indices = @transform_1, window_bounds = array<i64: 2, 1000, 16>}, {pipeline_mode = #tpu.pipeline_mode<synchronous>, transform_indices = @transform_2, window_bounds = array<i64: 16, 16>}, {pipeline_mode = #tpu.pipeline_mode<synchronous>, transform_indices = @transform_3, window_bounds = array<i64: 1, 16>}, {pipeline_mode = #tpu.pipeline_mode<synchronous>, transform_indices = @transform_4, window_bounds = array<i64: 16, 16>}, {pipeline_mode = #tpu.pipeline_mode<synchronous>, transform_indices = @transform_5, window_bounds = array<i64: 1, 16>}, {pipeline_mode = #tpu.pipeline_mode<synchronous>, transform_indices = @transform_6, window_bounds = array<i64: 1, 16>}, {pipeline_mode = #tpu.pipeline_mode<synchronous>, transform_indices = @transform_7, window_bounds = array<i64: 1, 16>}, {pipeline_mode = #tpu.pipeline_mode<synchronous>, transform_indices = @transform_8, window_bounds = array<i64: 1, 16>}, {pipeline_mode = #tpu.pipeline_mode<synchronous>, transform_indices = @transform_9, window_bounds = array<i64: 1, 16>}, {transform_indices = @transform_10, window_bounds = array<i64: 1000, 16>}]} {
    %get3A = arith.constant 0 : index
    %get3A_0 = arith.constant 0 : index
    %get3A_1 = vector.load %arg1[%get3A, %get3A_0] : memref<1000x16xf32, #tpu.memory_space<vmem>>, vector<1000x16xf32>
    %get3A_2 = arith.constant 0 : index
    %get3A_3 = arith.constant 0 : index
    %get3A_4 = arith.constant 0 : index
    %get3A_5 = vector.load %arg2[%get3A_2, %get3A_3, %get3A_4] : memref<2x1000x16xf32, #tpu.memory_space<vmem>>, vector<1x1000x16xf32>
    %get3A_6 = vector.shape_cast %get3A_5 : vector<1x1000x16xf32> to vector<1000x16xf32>
    %add3A = arith.addf %get3A_1, %get3A_6 : vector<1000x16xf32>
    %get3A_7 = arith.constant 1 : index
    %get3A_8 = arith.constant 0 : index
    %get3A_9 = arith.constant 0 : index
    %get3A_10 = vector.load %arg2[%get3A_7, %get3A_8, %get3A_9] : memref<2x1000x16xf32, #tpu.memory_space<vmem>>, vector<1x1000x16xf32>
    %get3A_11 = vector.shape_cast %get3A_10 : vector<1x1000x16xf32> to vector<1000x16xf32>
    %add3A_12 = arith.addf %add3A, %get3A_11 : vector<1000x16xf32>
    %get3A_13 = arith.constant 0 : index
    %get3A_14 = arith.constant 0 : index
    %get3A_15 = vector.load %arg3[%get3A_13, %get3A_14] : memref<16x16xf32, #tpu.memory_space<vmem>>, vector<16x16xf32>
    %dot_general3A = arith.constant dense<0.000000e+00> : vector<1000x16xf32>
    %dot_general3A_16 = tpu.matmul %add3A_12, %get3A_15, %dot_general3A {dimension_numbers = #tpu.dot_dimension_numbers<[1], [0], [0], [1], [0, 0, 1, 1], [], []>, precision = #tpu.contract_precision<fp32>, transpose_lhs_hint = false} : vector<1000x16xf32>, vector<16x16xf32>, vector<1000x16xf32> -> vector<1000x16xf32>
    %get3A_17 = arith.constant 0 : index
    %get3A_18 = arith.constant 0 : index
    %get3A_19 = vector.load %arg4[%get3A_17, %get3A_18] : memref<1x16xf32, #tpu.memory_space<vmem>>, vector<1x16xf32>
    %add3A_20 = vector.broadcast %get3A_19 : vector<1x16xf32> to vector<1000x16xf32>
    %add3A_21 = arith.addf %dot_general3A_16, %add3A_20 : vector<1000x16xf32>
    %max3A = arith.constant 0.000000e+00 : f32
    %max3A_22 = vector.broadcast %max3A : f32 to vector<1000x16xf32>
    %max3A_23 = arith.maximumf %add3A_21, %max3A_22 : vector<1000x16xf32>
    %get3A_24 = arith.constant 0 : index
    %get3A_25 = arith.constant 0 : index
    %get3A_26 = vector.load %arg5[%get3A_24, %get3A_25] : memref<16x16xf32, #tpu.memory_space<vmem>>, vector<16x16xf32>
    %dot_general3A_27 = arith.constant dense<0.000000e+00> : vector<1000x16xf32>
    %dot_general3A_28 = tpu.matmul %max3A_23, %get3A_26, %dot_general3A_27 {dimension_numbers = #tpu.dot_dimension_numbers<[1], [0], [0], [1], [0, 0, 1, 1], [], []>, precision = #tpu.contract_precision<fp32>, transpose_lhs_hint = false} : vector<1000x16xf32>, vector<16x16xf32>, vector<1000x16xf32> -> vector<1000x16xf32>
    %get3A_29 = arith.constant 0 : index
    %get3A_30 = arith.constant 0 : index
    %get3A_31 = vector.load %arg6[%get3A_29, %get3A_30] : memref<1x16xf32, #tpu.memory_space<vmem>>, vector<1x16xf32>
    %add3A_32 = vector.broadcast %get3A_31 : vector<1x16xf32> to vector<1000x16xf32>
    %add3A_33 = arith.addf %dot_general3A_28, %add3A_32 : vector<1000x16xf32>
    %max3A_34 = arith.constant 0.000000e+00 : f32
    %max3A_35 = vector.broadcast %max3A_34 : f32 to vector<1000x16xf32>
    %max3A_36 = arith.maximumf %add3A_33, %max3A_35 : vector<1000x16xf32>
    %get3A_37 = arith.constant 0 : index
    %get3A_38 = arith.constant 0 : index
    %get3A_39 = vector.load %arg7[%get3A_37, %get3A_38] : memref<1x16xf32, #tpu.memory_space<vmem>>, vector<1x16xf32>
    %get3A_40 = arith.constant 0 : index
    %get3A_41 = arith.constant 0 : index
    %get3A_42 = vector.load %arg10[%get3A_40, %get3A_41] : memref<1x16xf32, #tpu.memory_space<vmem>>, vector<1x16xf32>
    %add3A_43 = arith.constant 9.99999974E-6 : f32
    %add3A_44 = vector.broadcast %add3A_43 : f32 to vector<1x16xf32>
    %add3A_45 = arith.addf %get3A_42, %add3A_44 : vector<1x16xf32>
    %rsqrt3A = math.rsqrt %add3A_45 : vector<1x16xf32>
    %mul3A = arith.mulf %get3A_39, %rsqrt3A : vector<1x16xf32>
    %get3A_46 = arith.constant 0 : index
    %get3A_47 = arith.constant 0 : index
    %get3A_48 = vector.load %arg9[%get3A_46, %get3A_47] : memref<1x16xf32, #tpu.memory_space<vmem>>, vector<1x16xf32>
    %sub3A = vector.broadcast %get3A_48 : vector<1x16xf32> to vector<1000x16xf32>
    %sub3A_49 = arith.subf %max3A_36, %sub3A : vector<1000x16xf32>
    %mul3A_50 = vector.broadcast %mul3A : vector<1x16xf32> to vector<1000x16xf32>
    %mul3A_51 = arith.mulf %sub3A_49, %mul3A_50 : vector<1000x16xf32>
    %get3A_52 = arith.constant 0 : index
    %get3A_53 = arith.constant 0 : index
    %get3A_54 = vector.load %arg8[%get3A_52, %get3A_53] : memref<1x16xf32, #tpu.memory_space<vmem>>, vector<1x16xf32>
    %add3A_55 = vector.broadcast %get3A_54 : vector<1x16xf32> to vector<1000x16xf32>
    %add3A_56 = arith.addf %mul3A_51, %add3A_55 : vector<1000x16xf32>
    %max3A_57 = arith.constant 0.000000e+00 : f32
    %max3A_58 = vector.broadcast %max3A_57 : f32 to vector<1000x16xf32>
    %max3A_59 = arith.maximumf %add3A_56, %max3A_58 : vector<1000x16xf32>
    %swap3A = arith.constant 0 : index
    %swap3A_60 = arith.constant 0 : index
    %swap3A_61 = vector.load %arg11[%swap3A, %swap3A_60] : memref<1000x16xf32, #tpu.memory_space<vmem>>, vector<1000x16xf32>
    tpu.vector_store %arg11[%swap3A, %swap3A_60], %max3A_59 {strides = array<i32>} : memref<1000x16xf32, #tpu.memory_space<vmem>>, vector<1000x16xf32>,
    return
  }
  func.func @transform_0(%arg0: i32) -> (i32, i32) {
    %c0_i32 = arith.constant 0 : i32
    %c0_i32_0 = arith.constant 0 : i32
    return %arg0, %c0_i32 : i32, i32
  }
  func.func @transform_1(%arg0: i32) -> (i32, i32, i32) {
    %c0_i32 = arith.constant 0 : i32
    %c0_i32_0 = arith.constant 0 : i32
    %c0_i32_1 = arith.constant 0 : i32
    return %c0_i32, %arg0, %c0_i32_0 : i32, i32, i32
  }
  func.func @transform_2(%arg0: i32) -> (i32, i32) {
    %c0_i32 = arith.constant 0 : i32
    %c0_i32_0 = arith.constant 0 : i32
    %c0_i32_1 = arith.constant 0 : i32
    return %c0_i32, %c0_i32_0 : i32, i32
  }
  func.func @transform_3(%arg0: i32) -> (i32, i32) {
    %c0_i32 = arith.constant 0 : i32
    %c0_i32_0 = arith.constant 0 : i32
    %c0_i32_1 = arith.constant 0 : i32
    return %c0_i32, %c0_i32_0 : i32, i32
  }
  func.func @transform_4(%arg0: i32) -> (i32, i32) {
    %c0_i32 = arith.constant 0 : i32
    %c0_i32_0 = arith.constant 0 : i32
    %c0_i32_1 = arith.constant 0 : i32
    return %c0_i32, %c0_i32_0 : i32, i32
  }
  func.func @transform_5(%arg0: i32) -> (i32, i32) {
    %c0_i32 = arith.constant 0 : i32
    %c0_i32_0 = arith.constant 0 : i32
    %c0_i32_1 = arith.constant 0 : i32
    return %c0_i32, %c0_i32_0 : i32, i32
  }
  func.func @transform_6(%arg0: i32) -> (i32, i32) {
    %c0_i32 = arith.constant 0 : i32
    %c0_i32_0 = arith.constant 0 : i32
    %c0_i32_1 = arith.constant 0 : i32
    return %c0_i32, %c0_i32_0 : i32, i32
  }
  func.func @transform_7(%arg0: i32) -> (i32, i32) {
    %c0_i32 = arith.constant 0 : i32
    %c0_i32_0 = arith.constant 0 : i32
    %c0_i32_1 = arith.constant 0 : i32
    return %c0_i32, %c0_i32_0 : i32, i32
  }
  func.func @transform_8(%arg0: i32) -> (i32, i32) {
    %c0_i32 = arith.constant 0 : i32
    %c0_i32_0 = arith.constant 0 : i32
    %c0_i32_1 = arith.constant 0 : i32
    return %c0_i32, %c0_i32_0 : i32, i32
  }
  func.func @transform_9(%arg0: i32) -> (i32, i32) {
    %c0_i32 = arith.constant 0 : i32
    %c0_i32_0 = arith.constant 0 : i32
    %c0_i32_1 = arith.constant 0 : i32
    return %c0_i32, %c0_i32_0 : i32, i32
  }
  func.func @transform_10(%arg0: i32) -> (i32, i32) {
    %c0_i32 = arith.constant 0 : i32
    %c0_i32_0 = arith.constant 0 : i32
    return %arg0, %c0_i32 : i32, i32
  }
}

module attributes {stable_mosaic.version = 14 : i64} {
  func.func @_pool_body(%arg0: memref<10000x16xf32, #tpu.memory_space<vmem>>, %arg1: memref<1250x128xf32, #tpu.memory_space<vmem>>, %arg2: memref<1x10000xf32, #tpu.memory_space<vmem>>, %arg3: memref<1250x128xf32, #tpu.memory_space<vmem>>, %arg4: memref<16x2xf32, #tpu.memory_space<vmem>>, %arg5: memref<16x2xf32, #tpu.memory_space<vmem>>, %arg6: memref<1x2xf32, #tpu.memory_space<vmem>>, %arg7: memref<64x2xf32, #tpu.memory_space<vmem>>) attributes {dimension_semantics = [], scalar_prefetch = 0 : i64, scratch_operands = 0 : i64, tpu.core_type = #tpu.core_type<tc>} {
    %get3A = arith.constant 0 : index
    %get3A_0 = arith.constant 0 : index
    %get3A_1 = vector.load %arg0[%get3A, %get3A_0] : memref<10000x16xf32, #tpu.memory_space<vmem>>, vector<10000x16xf32>
    %get3A_2 = arith.constant 0 : index
    %get3A_3 = arith.constant 0 : index
    %get3A_4 = vector.load %arg1[%get3A_2, %get3A_3] : memref<1250x128xf32, #tpu.memory_space<vmem>>, vector<1250x128xf32>
    %get3A_5 = arith.constant 0 : index
    %get3A_6 = arith.constant 0 : index
    %get3A_7 = vector.load %arg2[%get3A_5, %get3A_6] : memref<1x10000xf32, #tpu.memory_space<vmem>>, vector<1x10000xf32>
    %get3A_8 = arith.constant 0 : index
    %get3A_9 = arith.constant 0 : index
    %get3A_10 = vector.load %arg3[%get3A_8, %get3A_9] : memref<1250x128xf32, #tpu.memory_space<vmem>>, vector<1250x128xf32>
    %iota3A = tpu.iota {dimensions = array<i32: 0>} : vector<64x1xi32>
    %iota3A_11 = tpu.iota {dimensions = array<i32: 0>} : vector<64x10000xi32>
    %convert_element_type3A = arith.sitofp %iota3A_11 : vector<64x10000xi32> to vector<64x10000xf32>
    %eq3A = vector.broadcast %get3A_7 : vector<1x10000xf32> to vector<64x10000xf32>
    %eq3A_12 = arith.cmpf oeq, %convert_element_type3A, %eq3A : vector<64x10000xf32>
    %convert_element_type3A_13 = arith.extui %eq3A_12 : vector<64x10000xi1> to vector<64x10000xi32>
    %convert_element_type3A_14 = arith.sitofp %convert_element_type3A_13 : vector<64x10000xi32> to vector<64x10000xf32>
    %dot_general3A = arith.constant dense<0.000000e+00> : vector<64x16xf32>
    %dot_general3A_15 = tpu.matmul %convert_element_type3A_14, %get3A_1, %dot_general3A {dimension_numbers = #tpu.dot_dimension_numbers<[1], [0], [0], [1], [0, 0, 1, 1], [], []>, precision = #tpu.contract_precision<fp32>, transpose_lhs_hint = false} : vector<64x10000xf32>, vector<10000x16xf32>, vector<64x16xf32> -> vector<64x16xf32>
    %broadcast_in_dim3A = arith.constant 1.000000e+00 : f32
    %broadcast_in_dim3A_16 = vector.broadcast %broadcast_in_dim3A : f32 to vector<10000x1xf32>
    %dot_general3A_17 = arith.constant dense<0.000000e+00> : vector<64x1xf32>
    %dot_general3A_18 = tpu.matmul %convert_element_type3A_14, %broadcast_in_dim3A_16, %dot_general3A_17 {dimension_numbers = #tpu.dot_dimension_numbers<[1], [0], [0], [1], [0, 0, 1, 1], [], []>, precision = #tpu.contract_precision<fp32>, transpose_lhs_hint = false} : vector<64x10000xf32>, vector<10000x1xf32>, vector<64x1xf32> -> vector<64x1xf32>
    %max3A = arith.constant 1.000000e+00 : f32
    %max3A_19 = vector.broadcast %max3A : f32 to vector<64x1xf32>
    %max3A_20 = arith.maximumf %dot_general3A_18, %max3A_19 : vector<64x1xf32>
    %div3A = vector.broadcast %max3A_20 : vector<64x1xf32> to vector<64x16xf32>
    %div3A_21 = arith.divf %dot_general3A_15, %div3A : vector<64x16xf32>
    %broadcast_in_dim3A_22 = arith.constant 0xFF800000 : f32
    %broadcast_in_dim3A_23 = vector.broadcast %broadcast_in_dim3A_22 : f32 to vector<64x16xf32>
    %scan3A = arith.constant 0 : i32
    %scan3A_24 = arith.constant 64 : i32
    %scan3A_25 = arith.addi %scan3A, %scan3A_24 : i32
    %scan3A_26 = arith.constant 1 : i32
    %scan3A_27 = scf.for %scan3A_46 = %scan3A to %scan3A_25 step %scan3A_26 iter_args(%scan3A_47 = %broadcast_in_dim3A_23) -> (vector<64x16xf32>)  : i32 {
      %convert_element_type3A_48 = arith.sitofp %scan3A_46 : i32 to f32
      %eq3A_49 = vector.broadcast %convert_element_type3A_48 : f32 to vector<1250x128xf32>
      %eq3A_50 = arith.cmpf oeq, %get3A_10, %eq3A_49 : vector<1250x128xf32>
      %jit3A = arith.constant 0xFF800000 : f32
      %broadcast_in_dim3A_51 = vector.broadcast %jit3A : f32 to vector<1250x128xf32>
      %select_n3A = arith.select %eq3A_50, %get3A_4, %broadcast_in_dim3A_51 : vector<1250x128xi1>, vector<1250x128xf32>
      %reduce_max3A = arith.constant dense<0xFF800000> : vector<128xf32>
      %reduce_max3A_52 = vector.multi_reduction <maximumf>, %select_n3A, %reduce_max3A [0] : vector<1250x128xf32> to vector<128xf32>
      %broadcast_in_dim3A_53 = vector.shape_cast %reduce_max3A_52 : vector<128xf32> to vector<1x128xf32>
      %slice3A = vector.extract_strided_slice %broadcast_in_dim3A_53 {offsets = [0, 0], sizes = [1, 64], strides = [1, 1]} : vector<1x128xf32> to vector<1x64xf32>
      %slice3A_54 = vector.extract_strided_slice %broadcast_in_dim3A_53 {offsets = [0, 64], sizes = [1, 64], strides = [1, 1]} : vector<1x128xf32> to vector<1x64xf32>
      %max3A_55 = arith.maximumf %slice3A, %slice3A_54 : vector<1x64xf32>
      %slice3A_56 = vector.extract_strided_slice %max3A_55 {offsets = [0, 0], sizes = [1, 32], strides = [1, 1]} : vector<1x64xf32> to vector<1x32xf32>
      %slice3A_57 = vector.extract_strided_slice %max3A_55 {offsets = [0, 32], sizes = [1, 32], strides = [1, 1]} : vector<1x64xf32> to vector<1x32xf32>
      %max3A_58 = arith.maximumf %slice3A_56, %slice3A_57 : vector<1x32xf32>
      %slice3A_59 = vector.extract_strided_slice %max3A_58 {offsets = [0, 0], sizes = [1, 16], strides = [1, 1]} : vector<1x32xf32> to vector<1x16xf32>
      %slice3A_60 = vector.extract_strided_slice %max3A_58 {offsets = [0, 16], sizes = [1, 16], strides = [1, 1]} : vector<1x32xf32> to vector<1x16xf32>
      %max3A_61 = arith.maximumf %slice3A_59, %slice3A_60 : vector<1x16xf32>
      %eq3A_62 = vector.broadcast %scan3A_46 : i32 to vector<64x1xi32>
      %eq3A_63 = arith.cmpi eq, %iota3A, %eq3A_62 : vector<64x1xi32>
      %broadcast_in_dim3A_64 = vector.shape_cast %eq3A_63 : vector<64x1xi1> to vector<64x1xi1>
      %broadcast_in_dim3A_65 = vector.broadcast %broadcast_in_dim3A_64 : vector<64x1xi1> to vector<64x16xi1>
      %broadcast_in_dim3A_66 = vector.shape_cast %max3A_61 : vector<1x16xf32> to vector<1x16xf32>
      %broadcast_in_dim3A_67 = vector.broadcast %broadcast_in_dim3A_66 : vector<1x16xf32> to vector<64x16xf32>
      %select_n3A_68 = arith.select %broadcast_in_dim3A_65, %broadcast_in_dim3A_67, %scan3A_47 : vector<64x16xi1>, vector<64x16xf32>
      scf.yield %select_n3A_68 : vector<64x16xf32>
    }
    %scan3A_28 = arith.constant 64 : i32
    %get3A_29 = arith.constant 0 : index
    %get3A_30 = arith.constant 0 : index
    %get3A_31 = vector.load %arg4[%get3A_29, %get3A_30] : memref<16x2xf32, #tpu.memory_space<vmem>>, vector<16x2xf32>
    %dot_general3A_32 = arith.constant dense<0.000000e+00> : vector<64x2xf32>
    %dot_general3A_33 = tpu.matmul %scan3A_27, %get3A_31, %dot_general3A_32 {dimension_numbers = #tpu.dot_dimension_numbers<[1], [0], [0], [1], [0, 0, 1, 1], [], []>, precision = #tpu.contract_precision<fp32>, transpose_lhs_hint = false} : vector<64x16xf32>, vector<16x2xf32>, vector<64x2xf32> -> vector<64x2xf32>
    %get3A_34 = arith.constant 0 : index
    %get3A_35 = arith.constant 0 : index
    %get3A_36 = vector.load %arg5[%get3A_34, %get3A_35] : memref<16x2xf32, #tpu.memory_space<vmem>>, vector<16x2xf32>
    %dot_general3A_37 = arith.constant dense<0.000000e+00> : vector<64x2xf32>
    %dot_general3A_38 = tpu.matmul %div3A_21, %get3A_36, %dot_general3A_37 {dimension_numbers = #tpu.dot_dimension_numbers<[1], [0], [0], [1], [0, 0, 1, 1], [], []>, precision = #tpu.contract_precision<fp32>, transpose_lhs_hint = false} : vector<64x16xf32>, vector<16x2xf32>, vector<64x2xf32> -> vector<64x2xf32>
    %add3A = arith.addf %dot_general3A_33, %dot_general3A_38 : vector<64x2xf32>
    %get3A_39 = arith.constant 0 : index
    %get3A_40 = arith.constant 0 : index
    %get3A_41 = vector.load %arg6[%get3A_39, %get3A_40] : memref<1x2xf32, #tpu.memory_space<vmem>>, vector<1x2xf32>
    %add3A_42 = vector.broadcast %get3A_41 : vector<1x2xf32> to vector<64x2xf32>
    %add3A_43 = arith.addf %add3A, %add3A_42 : vector<64x2xf32>
    %swap3A = arith.constant 0 : index
    %swap3A_44 = arith.constant 0 : index
    %swap3A_45 = vector.load %arg7[%swap3A, %swap3A_44] : memref<64x2xf32, #tpu.memory_space<vmem>>, vector<64x2xf32>
    tpu.vector_store %arg7[%swap3A, %swap3A_44], %add3A_43 {strides = array<i32>} : memref<64x2xf32, #tpu.memory_space<vmem>>, vector<64x2xf32>,
    return
  }
}

</mosaic_0001>

<sc_bundles>
// kernel: kernel.11.cloned.1.call-start
scs
__scs_entry_jumppad:
0x0: {  	(pc) =	sbr.rel $0x88, $3  }
0x1: {  	(tag) =	ssettag $0x0;
	lr =	simm.s32 $0x1  }
0x2: {  	[smem:$0x3F8C] =	sst lr;
	_ =	strace $0xD0000000  }
0x3: {  	_ = 	snop  }
0x4: {  	_ = 	snop  }
0x5: {  	_ = 	snop  }
0x6: {  	_ = 	snop  }
0x7: {  	_ = 	snop  }
__scs_overlays_trampoline_lowered:
0x8: {  	[smem:$0x3F9B] =	sst s0  }
0x9: {  	[smem:$0x3F9C] =	sst s1  }
0xa: {  	[smem:$0x3F9D] =	sst s2  }
0xb: {  	[smem:$0x3F9E] =	sst s3  }
0xc: {  	[smem:$0x3F9F] =	sst s4  }
0xd: {  	[smem:$0x3FA0] =	sst s5  }
0xe: {  	[smem:$0x3FA1] =	sst s6  }
0xf: {  	[smem:$0x3FA2] =	sst s7  }
0x10: {  	[smem:$0x3FA3] =	sst s8  }
0x11: {  	[smem:$0x3FA4] =	sst s9;
	s0 =	simm.s32 @!p0 $0x0  }
0x12: {  	s1 =	sld [smem:$0x3F8A];
	s0 =	simm.s32 @p0 $0x1  }
0x13: {  	[smem:$0x3FA5] =	sst s0;
	s0 =	simm.s32 @!p1 $0x0  }
0x14: {  	s2 =	sld [smem:$0x3F89];
	s0 =	simm.s32 @p1 $0x1  }
0x15: {  	[smem:$0x3FA6] =	sst s0;
	s0 =	simm.s32 @!p2 $0x0  }
0x16: {  	s3 =	sld [smem:$0x3FDB];
	s0 =	simm.s32 @p2 $0x1  }
0x17: {  	s4 =	simm.s32 $0x1BF5;
	[smem:$0x3FA8] =	sst s0  }
0x18: {  	s0 =	sld [smem:$0x3F8B];
	_ =	swait.ge [sflag:s4], $0x0  }
0x19: {  	s7 =	sld [smem:$0x3F8C]  }
0x1a: {  	s8 =	sadd.s32 $0xFFFFE003, lr  }
0x1b: {  	s9 =	sadd.s32 $0xFFFFFEF7, lr;
	s5 =	simm.s32 $0xFFFFFFFF;
	p2 =	slt.u32 s8, $0xFFFFF086  }
0x1c: {  	p1 =	slt.u32 s9, $0xF7A;
	s5 =	simm.s32 @!p2 $0x0  }
0x1d: {  	s5 =	simm.s32 @p1 $0x1;
	p0 =	seq.s32 s7, s2  }
0x1e: {  	s7 =	smul.u32 @!p0 $0xF7A, s2;
	p2 =	seq.s32 @!p0 s5, $0x0  }
0x1f: {  	s9 =	smul.u32 $0xF7A, s1;
	s8 =	simm.s32 @!p0 $0x1BF5;
	p2 =	por !p2, p0  }
0x20: {  	[sflag:s8] =	ssyncset.s32 @!p0 $0xFFFFF086;
	s6 =	sadd.s32 @!p0 s3, s7;
	s7 =	simm.s32 @!p0 $0x108  }
0x21: {  	s3 =	sadd.s32 s3, s9;
	s6 =	sadd.s32 @!p0 $0x88, s6;
	s7 =	simm.s32 @p2 $0x1082  }
0x22: {  	[simem:s7], [sflag:s8] =	dma.local @!p0 [hbm:s6], $0xF7A  }
0x23: {  	s9 =	sor.u32 $0xD0000000, s2;
	s6 =	simm.s32 $0x108;
	_ =	swait.ge @!p0 [sflag:s8], $0x0  }
0x24: {  	s3 =	sadd.s32 $0x88, s3;
	s6 =	simm.s32 @!p1 $0x1082;
	[sflag:s4] =	ssyncset.s32 $0xFFFFF086  }
0x25: {  	[simem:s6], [sflag:s4] =	dma.local [hbm:s3], $0xF7A  }
0x26: {  	[smem:$0x3F8C] =	sst s1;
	(tag) =	ssettag s2;
	_ =	strace s9  }
0x27: {  	s1 =	sld [smem:$0x3F9C]  }
0x28: {  	s2 =	sld [smem:$0x3F9D]  }
0x29: {  	s4 =	sld [smem:$0x3F9F]  }
0x2a: {  	p0 =	seq.s32 s5, $0x0;
	s5 =	sld [smem:$0x3FA0]  }
0x2b: {  	s6 =	sld [smem:$0x3FA1]  }
0x2c: {  	s7 =	sld [smem:$0x3FA2]  }
0x2d: {  	s3 =	simm.s32 $0x108;
	s8 =	sld [smem:$0x3FA3]  }
0x2e: {  	s3 =	simm.s32 @!p0 $0x1082;
	s9 =	sld [smem:$0x3FA4]  }
0x2f: {  	lr =	sadd.s32 s0, s3;
	s0 =	sld [smem:$0x3F9B]  }
0x30: {  	s3 =	sld [smem:$0x3F9E]  }
0x31: {  	[smem:$0x3FA7] =	sst s10  }
0x32: {  	s10 =	sld [smem:$0x3FA5];
	_ =	sdelay $0x3  }
0x33: {  	p0 =	seq.s32 s10, $0x1;
	s10 =	sld [smem:$0x3FA7];
	_ =	sdelay $0x3  }
0x34: {  	[smem:$0x3FA7] =	sst s10  }
0x35: {  	s10 =	sld [smem:$0x3FA6];
	_ =	sdelay $0x3  }
0x36: {  	p1 =	seq.s32 s10, $0x1;
	s10 =	sld [smem:$0x3FA7];
	_ =	sdelay $0x3  }
0x37: {  	[smem:$0x3FA7] =	sst s10  }
0x38: {  	s10 =	sld [smem:$0x3FA8]  }
0x39: {  	_ = 	snop;
	(pc) =	sbr.ind lr, $3  }
0x3a: {  	_ = 	snop  }
0x3b: {  	_ = 	snop  }
0x3c: {  	p2 =	seq.s32 s10, $0x1;
	s10 =	sld [smem:$0x3FA7]  }
0x3d: {  	_ =	shalt  }
0x3e: {  	_ =	shalt  }
0x3f: {  	_ =	shalt  }
0x40: {  	_ =	shalt  }
0x41: {  	_ =	shalt  }
0x42: {  	_ =	shalt  }
0x43: {  	_ =	shalt  }
0x44: {  	_ =	shalt  }
0x45: {  	_ =	shalt  }
0x46: {  	_ =	shalt  }
0x47: {  	_ =	shalt  }
0x48: {  	_ =	shalt  }
0x49: {  	_ =	shalt  }
0x4a: {  	_ =	shalt  }
0x4b: {  	_ =	shalt  }
0x4c: {  	_ =	shalt  }
0x4d: {  	_ =	shalt  }
0x4e: {  	_ =	shalt  }
0x4f: {  	_ =	shalt  }
0x50: {  	_ =	shalt  }
0x51: {  	_ =	shalt  }
0x52: {  	_ =	shalt  }
0x53: {  	_ =	shalt  }
0x54: {  	_ =	shalt  }
0x55: {  	_ =	shalt  }
0x56: {  	_ =	shalt  }
0x57: {  	_ =	shalt  }
0x58: {  	_ =	shalt  }
0x59: {  	_ =	shalt  }
0x5a: {  	_ =	shalt  }
0x5b: {  	_ =	shalt  }
0x5c: {  	_ =	shalt  }
0x5d: {  	_ =	shalt  }
0x5e: {  	_ =	shalt  }
0x5f: {  	_ =	shalt  }
0x60: {  	_ =	shalt  }
0x61: {  	_ =	shalt  }
0x62: {  	_ =	shalt  }
0x63: {  	_ =	shalt  }
0x64: {  	_ =	shalt  }
0x65: {  	_ =	shalt  }
0x66: {  	_ =	shalt  }
0x67: {  	_ =	shalt  }
0x68: {  	_ =	shalt  }
0x69: {  	_ =	shalt  }
0x6a: {  	_ =	shalt  }
0x6b: {  	_ =	shalt  }
0x6c: {  	_ =	shalt  }
0x6d: {  	_ =	shalt  }
0x6e: {  	_ =	shalt  }
0x6f: {  	_ =	shalt  }
0x70: {  	_ =	shalt  }
0x71: {  	_ =	shalt  }
0x72: {  	_ =	shalt  }
0x73: {  	_ =	shalt  }
0x74: {  	_ =	shalt  }
0x75: {  	_ =	shalt  }
0x76: {  	_ =	shalt  }
0x77: {  	_ =	shalt  }
0x78: {  	_ =	shalt  }
0x79: {  	_ =	shalt  }
0x7a: {  	_ =	shalt  }
0x7b: {  	_ =	shalt  }
0x7c: {  	_ =	shalt  }
0x7d: {  	_ =	shalt  }
0x7e: {  	_ =	shalt  }
0x7f: {  	_ =	shalt  }
0x80: {  	_ =	shalt  }
0x81: {  	_ =	shalt  }
0x82: {  	_ =	shalt  }
0x83: {  	_ =	shalt  }
0x84: {  	_ =	shalt  }
0x85: {  	_ =	shalt  }
0x86: {  	_ =	shalt  }
0x87: {  	_ =	shalt  }
.Lfunc_end0:
.L_simem_size_0:
called_computation.1_lowered:
.L_overlay_start_0:
0x88: {  	s2 =	sld [smem:$0x3FD9]  }
0x89: {  	s3 =	sld [smem:$0x3FFE];
	_ =	sdelay $0x1  }
0x8a: {  	s1 =	srdreg.scid  }
0x8b: {  	s0 =	sand.u32 $0x1, s1  }
0x8c: {  	s16 =	sshll.u32 s0, $0xA;
	s2 =	sadd.s32 s3, s2  }
0x8d: {  	s2 =	sadd.s32 s2, s16  }
0x8e: {  	[smem:$0x3FB3] =	sst s2  }
0x8f: {  	_ = 	snop  }
0x90: {  	(tm) =	ssettm $0x1  }
0x91: {  	s17 =	sld [smem:$0x3FFB];
	_ =	sdelay $0x3  }
0x92: {  	_ =	strace s17  }
0x93: {  	s2 =	sld [smem:$0x3FFC];
	_ =	sdelay $0x3  }
0x94: {  	_ =	strace s2  }
0x95: {  	s2 =	sld [smem:$0x3FFD];
	_ =	sdelay $0x3  }
0x96: {  	_ =	strace s2  }
0x97: {  	_ =	strace $0x8FFFFFFF  }
0x98: {  	s18 =	sld [smem:$0x3FDB];
	_ =	sdelay $0x1  }
0x99: {  	s19 =	simm.s32 $_scs_section_size  }
0x9a: {  	s4 =	simm.s32 $_size__tile_overlayer_lowered;
	s5 =	simm.s32 $_tile_overlayer_lowered  }
0x9b: {  	s22 =	simm.s32 $0x1BFF;
	s21 =	sshll.u32 s5, $0x1;
	s2 =	sadd.s32 s19, s18  }
0x9c: {  	s6 =	simm.s32 $0x0;
	s20 =	sshll.u32 s4, $0x1;
	s4 =	sadd.s32 s21, s2  }
0x9d: {  	[timem:s6], [sflag:s22] =	dma.local [hbm:s4], s20  }
0x9e: {  	_ =	swait.ge [sflag:s22], s20  }
0x9f: {  	s3 =	ssub.s32 $0x0, s20;
	[sflag:s22] =	ssyncset.done $0x0  }
0xa0: {  	[sflag:s22] =	ssyncadd.s32 s3;
	_ =	sdelay $0x1  }
0xa1: {  	s23 =	simm.s32 $0x1B8B  }
0xa2: {  	_ =	swait.ge [sflag:s23], $0x1  }
0xa3: {  	[sflag:s23] =	ssyncset.done $0x0  }
0xa4: {  	s25 =	simm.s32 $0x1B8E;
	s24 =	sld [smem:$0x3FFE];
	[sflag:s23] =	ssyncadd.s32 $0xFFFFFFFF  }
0xa5: {  	s26 =	simm.s32 $execute0_lowered;
	[smem:$0x3FD2] =	sst s25  }
0xa6: {  	s4 =	sshll.u32 s26, $0x1;
	_ =	strace $0x80000049;
	[dreg:$0x1] =	wrdreg $0xFFFFFFFF  }
0xa7: {  	s28 =	simm.s32 $_size_execute0_lowered;
	s2 =	sadd.s32 s2, s4;
	[dreg:$0x0] =	wrdreg $0x0  }
0xa8: {  	s4 =	sshll.u32 s28, $0x1;
	[dreg:$0x2] =	wrdreg s2  }
0xa9: {  	[dreg:$0x3] =	wrdreg s4  }
0xaa: {  	[dreg:$0x4] =	wrdreg $0xC0  }
0xab: {  	_ =	task [dreg:s6], $0x5FFFF  }
0xac: {  	[dreg:$0x1] =	wrdreg $0xFFFFFFFF  }
0xad: {  	[dreg:$0x0] =	wrdreg $0x60  }
0xae: {  	[dreg:$0x2] =	wrdreg s24  }
0xaf: {  	[dreg:$0x3] =	wrdreg $0x7EE00  }
0xb0: {  	[dreg:$0x4] =	wrdreg $0x9  }
0xb1: {  	_ =	task.clear_ibuf [dreg:s6], $0x5FFFF;
	_ =	strace $0x90000049  }
0xb2: {  	s29 =	simm.s32 $0x9;
	_ =	strace $0x8000004B  }
0xb3: {  	_ =	swait.ge [sflag:s29], $0x1  }
0xb4: {  	[sflag:s29] =	ssyncadd.s32 $0xFFFFFFFF  }
0xb5: {  	_ =	strace $0x9000004B  }
0xb6: {  	_ =	sfence  }
0xb7: {  	s30 =	sld [smem:$0x0];
	_ =	sdelay $0x2  }
0xb8: {  	s31 =	sshll.u32 s1, $0xD;
	s1 =	sshrl.u32 s1, $0x2  }
0xb9: {  	s3 =	sand.u32 $0x4000, s31;
	s1 =	sadd.s32 s1, s30  }
0xba: {  	s0 =	sor.u32 s3, s0;
	s1 =	sshll.u32 s1, $0x11  }
0xbb: {  	s0 =	sor.u32 s1, s0  }
0xbc: {  	s0 =	sadd.s32 $0x8F2B, s0  }
0xbd: {  	[sflag:s0] =	ssyncadd.remote.s32 $0x1  }
0xbe: {  	_ =	sfence.sel $0xFFFF  }
0xbf: {  	[dreg:$0x0] =	wrdreg $0xFFFFFFFF;
	(pc) =	sbr.abs _section_cstart, $3  }
0xc0: {  	[dreg:$0x1] =	wrdreg $0xFFFFFFFF  }
0xc1: {  	_ =	task.clear_ibuf [dreg:s6], $0x2FFFF;
	_ =	strace $0x9FFFFFFF  }
0xc2: {  	(tm) =	ssettm $0x7FFFFFFF  }
0xc3: {  	_ =	shalt  }
tec
execute0_lowered:
.L_overlay_start_1:
0x0: {  	(tag) =	ssettag $0x1  }
0x1: {  	s0 =	srdreg.scid  }
0x2: {  	s12 =	stileid.u32;
	s5 =	rddreg [dreg:$0x0]  }
0x3: {  	s2 =	rddreg [dreg:$0x1];
	s3 =	simm.s32 $0x0;
	s13 =	simm.s32 $0x7D  }
0x4: {  	s17 =	simm.s32 $0x100;
	s18 =	simm.s32 $0x5FA0;
	s19 =	simm.s32 $0x180  }
0x5: {  	s20 =	simm.s32 $0x6770;
	s21 =	simm.s32 $0x200;
	s22 =	simm.s32 $0x6F40  }
0x6: {  	s23 =	simm.s32 $0x7;
	s24 =	simm.s32 $0x8;
	s25 =	simm.s32 $0x9  }
0x7: {  	s26 =	simm.s32 $0xA;
	s28 =	simm.s32 $0xB;
	s29 =	simm.s32 $0xC  }
0x8: {  	s30 =	simm.s32 $0x0;
	s0 =	sand.u32 $0x1, s0;
	s1 =	sshll.u32 s12, $0x1  }
0x9: {  	s6 =	smul.u32 $0x2800, s12;
	[smem:$0x7FF] =	sst s3;
	s4 =	sadd.s32 $0x17000, s5  }
0xa: {  	s31 =	sshll.u32 s12, $0x6;
	s12 =	simm.s32 $0xD;
	s1 =	sor.u32 s0, s1  }
0xb: {  	s7 =	smul.u32 $0x28000, s0;
	_ =	strace $0x8000004A;
	s0 =	ssub.s32 $0x2, s0  }
0xc: {  	s1 =	smul.u32 $0x500, s1;
	s8 =	sshrl.u32 s6, $0x3;
	s9 =	sshrl.u32 s0, $0x1  }
.Ltmp0:
0xd: {  	s11 =	sadd.s32 s6, s2;
	s7 =	sadd.s32 s6, s7;
	(pc) =	sbr.rel .LBB2_1-.Ltmp0, $4  }
0xe: {  	s8 =	sadd.s32 s8, s5;
	s0 =	ssub.s32 s0, s9;
	s6 =	sor.u32 $0x1C0D, s31  }
0xf: {  	s11 =	sshrl.u32 s11, $0x3;
	s1 =	sadd.s32 s1, s5;
	s7 =	sshrl.u32 s7, $0x3  }
0x10: {  	s10 =	sadd.s32 s7, s5;
	s5 =	sadd.s32 $0x1C000, s8;
	s7 =	sadd.s32 $0xD000, s1  }
0x11: {  	s8 =	sadd.s32 $0x3000, s1;
	s9 =	sadd.s32 $0x21000, s10;
	s10 =	smax.u32 s0, $0x1  }
.LBB2_6:
0x12: {  	_ =	swait.ge [sflag:s23], $0x7D0  }
0x13: {  	[sflag:s23] =	ssyncset.done $0x0  }
0x14: {  	[sflag:s23] =	ssyncadd.s32 $0xFFFFF830  }
0x15: {  	_ =	swait.ge [sflag:s24], $0x7D0  }
0x16: {  	[sflag:s24] =	ssyncset.done $0x0  }
0x17: {  	[sflag:s24] =	ssyncadd.s32 $0xFFFFF830  }
0x18: {  	_ =	swait.ge [sflag:s25], $0x7D0  }
0x19: {  	[sflag:s25] =	ssyncset.done $0x0  }
0x1a: {  	[sflag:s25] =	ssyncadd.s32 $0xFFFFF830  }
0x1b: {  	_ =	swait.ge [sflag:s26], $0x7D0  }
0x1c: {  	[sflag:s26] =	ssyncset.done $0x0  }
0x1d: {  	[sflag:s26] =	ssyncadd.s32 $0xFFFFF830  }
0x1e: {  	_ =	swait.ge [sflag:s28], $0x7D0  }
0x1f: {  	[sflag:s28] =	ssyncset.done $0x0  }
0x20: {  	[sflag:s28] =	ssyncadd.s32 $0xFFFFF830  }
0x21: {  	_ =	swait.ge [sflag:s29], $0x7D0  }
0x22: {  	s30 =	sadd.s32 $0x1, s30;
	[sflag:s29] =	ssyncset.done $0x0  }
0x23: {  	p0 =	sne.s32 s30, s10;
	[sflag:s29] =	ssyncadd.s32 $0xFFFFF830  }
.Ltmp1:
0x24: {  	[bflag:$0x0] =	sbarrier.arrive $0xFFFF;
	(pc) =	sbr.rel @!p0 .LBB2_7-.Ltmp1, $4  }
0x25: {  	[hbm:s9], [sflag:s6] =	dma.local [spmem:s11], $0x500  }
0x26: {  	_ =	swait.ge [sflag:s12], $0x500  }
0x27: {  	[sflag:s12] =	ssyncset.done $0x0  }
0x28: {  	[sflag:s12] =	ssyncadd.s32 $0xFFFFFB00  }
.LBB2_1:
0x29: {  	[spmem:s11], [sflag:s6] =	dma.local [hbm:s5], $0x500  }
0x2a: {  	_ =	swait.ge [sflag:s12], $0x500  }
0x2b: {  	[sflag:s12] =	ssyncset.done $0x0  }
0x2c: {  	[sflag:s12] =	ssyncadd.s32 $0xFFFFFB00  }
0x2d: {  	[tilespmem:s3], [sflag:$0xD] =	stream.linear.gather [hbm4b:s7+s3], $0x2800, $0x38;
	[tilespmem:$0xA6E0] =	vst v63  }
0x2e: {  	_ =	swait.ge [sflag:s12], $0x2800  }
0x2f: {  	[sflag:s12] =	ssyncset.done $0x0  }
0x30: {  	s31 =	simm.s32 $0x2800;
	[sflag:s12] =	ssyncadd.s32 $0xFFFFD800  }
0x31: {  	[tilespmem:s31], [sflag:$0xD] =	stream.linear.gather [hbm4b:s8+s3], $0x2800, $0x38;
	[tilespmem:$0xA6E0] =	vst v63  }
0x32: {  	_ =	swait.ge [sflag:s12], $0x2800  }
0x33: {  	[sflag:s12] =	ssyncset.done $0x0  }
0x34: {  	[sflag:s12] =	ssyncadd.s32 $0xFFFFD800  }
0x35: {  	s0 =	simm.s32 $0x5000;
	[bflag:$0x0] =	sbarrier.arrive $0xFFFF  }
0x36: {  	[tilespmem:s0], [sflag:$0x1] =	stream.indirect.gather [hbm4b:s4+s13], $0x10, s3, s13, $0xb8;
	[tilespmem:$0xA6E0] =	vst v63  }
0x37: {  	s16 =	simm.s32 $0x80;
	s1 =	simm.s32 $0x57D0  }
0x38: {  	[tilespmem:s1], [sflag:$0x2] =	stream.indirect.gather [hbm4b:s4+s13], $0x10, s16, s13, $0xb8;
	[tilespmem:$0xA6E0] =	vst v63  }
0x39: {  	_ = 	snop  }
0x3a: {  	[tilespmem:s18], [sflag:$0x3] =	stream.indirect.gather [hbm4b:s4+s13], $0x10, s17, s13, $0xb8;
	[tilespmem:$0xA6E0] =	vst v63  }
.Ltmp2:
0x3b: {  	_ = 	snop;
	(pc) =	sbr.rel .LBB2_2-.Ltmp2, $4  }
0x3c: {  	_ = 	snop  }
0x3d: {  	[tilespmem:s20], [sflag:$0x4] =	stream.indirect.gather [hbm4b:s4+s13], $0x10, s19, s13, $0xb8;
	[tilespmem:$0xA6E0] =	vst v63  }
0x3e: {  	s0 =	simm.s32 $0x0;
	s1 =	simm.s32 $0x280  }
0x3f: {  	[tilespmem:s22], [sflag:$0x5] =	stream.indirect.gather [hbm4b:s4+s13], $0x10, s21, s13, $0xb8;
	[tilespmem:$0xA6E0] =	vst v63  }
.LBB2_4:
0x40: {  	p0 =	seq.s32 s14, $0x3  }
0x41: {  	s15 =	simm.s32 @p0 $0x4  }
0x42: {  	_ =	swait.ge @p0 [sflag:s15], $0x7D0  }
0x43: {  	p1 =	sgt.u32 @p0 s0, $0x4A;
	s16 =	simm.s32 @p0 $0x6770;
	[sflag:s15] =	ssyncset.done @p0 $0x0  }
0x44: {  	p1 =	por p1, !p0;
	[sflag:s15] =	ssyncadd.s32 @p0 $0xFFFFF830;
	s15 =	simm.s32 @p0 $0x7D  }
0x45: {  	[spmem:s2] =	stream.indirect.scatter.add.f32 @p0 [tilespmem:s16], [sflag:$0xA], $0x10, s31, s15, $0xb8;
	[tilespmem:$0xA6E0] =	vst v63  }
0x46: {  	s15 =	simm.s32 @!p1 $0x9  }
0x47: {  	_ =	swait.ge @!p1 [sflag:s15], $0x7D0  }
0x48: {  	[sflag:s15] =	ssyncset.done @!p1 $0x0  }
0x49: {  	s16 =	simm.s32 @!p1 $0x5FA0;
	[sflag:s15] =	ssyncadd.s32 @!p1 $0xFFFFF830;
	s15 =	simm.s32 @!p1 $0x7D  }
0x4a: {  	[tilespmem:s16], [sflag:$0x3] =	stream.indirect.gather @!p1 [hbm4b:s4+s15], $0x10, s1, s15, $0xb8;
	[tilespmem:$0xA6E0] =	vst v63  }
0x4b: {  	p1 =	seq.s32 @!p0 s14, $0x4  }
0x4c: {  	p2 =	por !p1, p0  }
0x4d: {  	s14 =	simm.s32 @!p2 $0x5  }
0x4e: {  	_ =	swait.ge @!p2 [sflag:s14], $0x7D0  }
0x4f: {  	p3 =	sgt.u32 @!p2 s0, $0x4A;
	[sflag:s14] =	ssyncset.done @!p2 $0x0  }
0x50: {  	s15 =	simm.s32 @!p2 $0x6F40;
	[sflag:s14] =	ssyncadd.s32 @!p2 $0xFFFFF830;
	s14 =	simm.s32 @!p2 $0x7D  }
0x51: {  	[spmem:s2] =	stream.indirect.scatter.add.f32 @!p2 [tilespmem:s15], [sflag:$0xB], $0x10, s31, s14, $0xb8;
	[tilespmem:$0xA6E0] =	vst v63  }
0x52: {  	p2 =	por @!p0 p3, !p1  }
0x53: {  	p2 =	por p2, p0  }
0x54: {  	s14 =	simm.s32 @!p2 $0xA  }
0x55: {  	_ =	swait.ge @!p2 [sflag:s14], $0x7D0  }
0x56: {  	[sflag:s14] =	ssyncset.done @!p2 $0x0  }
0x57: {  	s15 =	simm.s32 @!p2 $0x6770;
	[sflag:s14] =	ssyncadd.s32 @!p2 $0xFFFFF830;
	s14 =	simm.s32 @!p2 $0x7D  }
0x58: {  	[tilespmem:s15], [sflag:$0x4] =	stream.indirect.gather @!p2 [hbm4b:s4+s14], $0x10, s1, s14, $0xb8;
	[tilespmem:$0xA6E0] =	vst v63  }
0x59: {  	p2 =	por p1, p0  }
0x5a: {  	s14 =	simm.s32 @!p2 $0x6  }
0x5b: {  	p3 =	sgt.u32 @!p2 s0, $0x4A;
	_ =	swait.ge @!p2 [sflag:s14], $0x7D0  }
0x5c: {  	s15 =	simm.s32 @!p2 $0x7710;
	p1 =	por @!p0 p3, p1;
	[sflag:s14] =	ssyncset.done @!p2 $0x0  }
0x5d: {  	p0 =	por p1, p0;
	[sflag:s14] =	ssyncadd.s32 @!p2 $0xFFFFF830;
	s14 =	simm.s32 @!p2 $0x7D  }
0x5e: {  	[spmem:s2] =	stream.indirect.scatter.add.f32 @!p2 [tilespmem:s15], [sflag:$0xC], $0x10, s31, s14, $0xb8;
	[tilespmem:$0xA6E0] =	vst v63  }
0x5f: {  	s14 =	simm.s32 @!p0 $0xB  }
0x60: {  	_ =	swait.ge @!p0 [sflag:s14], $0x7D0  }
0x61: {  	[sflag:s14] =	ssyncset.done @!p0 $0x0  }
0x62: {  	s15 =	simm.s32 @!p0 $0x6F40;
	[sflag:s14] =	ssyncadd.s32 @!p0 $0xFFFFF830;
	s14 =	simm.s32 @!p0 $0x7D  }
0x63: {  	[tilespmem:s15], [sflag:$0x5] =	stream.indirect.gather @!p0 [hbm4b:s4+s14], $0x10, s1, s14, $0xb8;
	[tilespmem:$0xA6E0] =	vst v63  }
.LBB2_5:
0x64: {  	s0 =	sadd.s32 $0x1, s0  }
0x65: {  	p0 =	sne.s32 s0, $0x50  }
.Ltmp3:
0x66: {  	_ = 	snop;
	(pc) =	sbr.rel @!p0 .LBB2_6-.Ltmp3, $2  }
0x67: {  	_ =	sdelay $0x2  }
0x68: {  	s1 =	sadd.s32 $0x80, s1;
	s31 =	sadd.s32 $0x80, s31  }
.LBB2_2:
0x69: {  	s14 =	smul.u32 $0xAB, s0;
	_ =	sdelay $0x1  }
0x6a: {  	s14 =	sshrl.u32 s14, $0xA  }
0x6b: {  	s14 =	sand.u32 $0x3F, s14  }
0x6c: {  	s14 =	smul.u32 $0x6, s14;
	_ =	sdelay $0x1  }
0x6d: {  	s14 =	ssub.s32 s0, s14  }
0x6e: {  	s14 =	sand.u32 $0xFF, s14  }
0x6f: {  	p0 =	sgt.s32 s14, $0x2  }
.Ltmp4:
0x70: {  	_ = 	snop;
	(pc) =	sbr.rel @p0 .LBB2_4-.Ltmp4, $1  }
0x71: {  	_ =	sdelay $0x3  }
0x72: {  	p0 =	seq.s32 s14, $0x0  }
0x73: {  	s15 =	simm.s32 @p0 $0x1;
	p1 =	sgt.u32 @p0 s0, $0x4A  }
0x74: {  	_ =	swait.ge @p0 [sflag:s15], $0x7D0;
	p2 =	por p1, !p0  }
0x75: {  	s16 =	simm.s32 @p0 $0x5000;
	[sflag:s15] =	ssyncset.done @p0 $0x0;
	p3 =	seq.s32 @!p2 s0, $0x0  }
0x76: {  	[sflag:s15] =	ssyncadd.s32 @p0 $0xFFFFF830;
	s15 =	simm.s32 @p0 $0x7D;
	p1 =	por @p0 p3, p1  }
0x77: {  	[spmem:s2] =	stream.indirect.scatter.add.f32 @p0 [tilespmem:s16], [sflag:$0x7], $0x10, s31, s15, $0xb8;
	[tilespmem:$0xA6E0] =	vst v63  }
0x78: {  	p1 =	por p1, !p0  }
0x79: {  	s15 =	simm.s32 @!p1 $0xC  }
0x7a: {  	_ =	swait.ge @!p1 [sflag:s15], $0x7D0  }
0x7b: {  	s16 =	simm.s32 @!p2 $0x7710;
	[sflag:s15] =	ssyncset.done @!p1 $0x0  }
0x7c: {  	[sflag:s15] =	ssyncadd.s32 @!p1 $0xFFFFF830;
	s15 =	simm.s32 @!p2 $0x7D;
	p1 =	seq.s32 @!p0 s14, $0x1  }
0x7d: {  	[tilespmem:s16], [sflag:$0x6] =	stream.indirect.gather @!p2 [hbm4b:s4+s15], $0x10, s1, s15, $0xb8;
	[tilespmem:$0xA6E0] =	vst v63  }
0x7e: {  	p2 =	por !p1, p0  }
0x7f: {  	s14 =	simm.s32 @!p2 $0x2  }
0x80: {  	_ =	swait.ge @!p2 [sflag:s14], $0x7D0  }
0x81: {  	p3 =	sgt.u32 @!p2 s0, $0x4A;
	[sflag:s14] =	ssyncset.done @!p2 $0x0  }
0x82: {  	s15 =	simm.s32 @!p2 $0x57D0;
	[sflag:s14] =	ssyncadd.s32 @!p2 $0xFFFFF830;
	s14 =	simm.s32 @!p2 $0x7D  }
0x83: {  	[spmem:s2] =	stream.indirect.scatter.add.f32 @!p2 [tilespmem:s15], [sflag:$0x8], $0x10, s31, s14, $0xb8;
	[tilespmem:$0xA6E0] =	vst v63  }
0x84: {  	p2 =	por @!p0 p3, !p1  }
0x85: {  	p2 =	por p2, p0  }
0x86: {  	s14 =	simm.s32 @!p2 $0x7  }
0x87: {  	_ =	swait.ge @!p2 [sflag:s14], $0x7D0  }
0x88: {  	[sflag:s14] =	ssyncset.done @!p2 $0x0  }
0x89: {  	s15 =	simm.s32 @!p2 $0x5000;
	[sflag:s14] =	ssyncadd.s32 @!p2 $0xFFFFF830;
	s14 =	simm.s32 @!p2 $0x7D  }
0x8a: {  	[tilespmem:s15], [sflag:$0x1] =	stream.indirect.gather @!p2 [hbm4b:s4+s14], $0x10, s1, s14, $0xb8;
	[tilespmem:$0xA6E0] =	vst v63  }
0x8b: {  	p2 =	por p1, p0  }
0x8c: {  	s14 =	simm.s32 @!p2 $0x3  }
0x8d: {  	p3 =	sgt.u32 @!p2 s0, $0x4A;
	_ =	swait.ge @!p2 [sflag:s14], $0x7D0  }
0x8e: {  	s15 =	simm.s32 @!p2 $0x5FA0;
	p1 =	por @!p0 p3, p1;
	[sflag:s14] =	ssyncset.done @!p2 $0x0  }
0x8f: {  	p0 =	por p1, p0;
	[sflag:s14] =	ssyncadd.s32 @!p2 $0xFFFFF830;
	s14 =	simm.s32 @!p2 $0x7D  }
0x90: {  	[spmem:s2] =	stream.indirect.scatter.add.f32 @!p2 [tilespmem:s15], [sflag:$0x9], $0x10, s31, s14, $0xb8;
	[tilespmem:$0xA6E0] =	vst v63  }
.Ltmp5:
0x91: {  	s14 =	simm.s32 @!p0 $0x8;
	(pc) =	sbr.rel .LBB2_5-.Ltmp5, $4  }
0x92: {  	_ =	swait.ge @!p0 [sflag:s14], $0x7D0  }
0x93: {  	[sflag:s14] =	ssyncset.done @!p0 $0x0  }
0x94: {  	s15 =	simm.s32 @!p0 $0x57D0;
	[sflag:s14] =	ssyncadd.s32 @!p0 $0xFFFFF830;
	s14 =	simm.s32 @!p0 $0x7D  }
0x95: {  	[tilespmem:s15], [sflag:$0x2] =	stream.indirect.gather @!p0 [hbm4b:s4+s14], $0x10, s1, s14, $0xb8;
	[tilespmem:$0xA6E0] =	vst v63  }
.LBB2_7:
0x96: {  	_ =	sfence.sel $0x180000  }
0x97: {  	[bflag:$0x0] =	sbarrier.arrive $0xFFFF  }
0x98: {  	_ =	strace $0x9000004A  }
0x99: {  	s0 =	stileid.u32;
	[bflag:$0x2] =	sbarrier.arrive $0xFFFF  }
0x9a: {  	p0 =	sne.s32 s0, $0x0;
	s0 =	rddreg [dreg:$0x2]  }
0x9b: {  	s0 =	sadd.s32 @!p0 $0x100000, s0  }
0x9c: {  	[sflag:s0] =	ssyncadd.tile.s32 @!p0 $0x1;
	_ =	shalt  }
.Lfunc_end2:
_tile_overlayer_lowered:
.L_overlay_start_2:
0x9d: {  	(tag) =	ssettag $0x2  }
0x9e: {  	s0 =	rddreg [dreg:$0x0];
	s2 =	stileid.u32  }
0x9f: {  	s1 =	rddreg [dreg:$0x1];
	p0 =	sne.s32 s2, $0x0  }
0xa0: {  	s3 =	rddreg [dreg:$0x2];
	[bflag:$0x3] =	sbarrier.arrive $0xFFFF;
	s2 =	simm.s32 @!p0 $0x1C0D  }
0xa1: {  	[timem:s3], [sflag:s2] =	dma.local @!p0 [hbm:s0], s1  }
0xa2: {  	s0 =	simm.s32 @!p0 $0xD  }
0xa3: {  	_ =	swait.ge @!p0 [sflag:s0], s1  }
0xa4: {  	s1 =	ssub.s32 @!p0 $0x0, s1;
	[sflag:s0] =	ssyncset.done @!p0 $0x0  }
0xa5: {  	[sflag:s0] =	ssyncadd.s32 @!p0 s1  }
0xa6: {  	[bflag:$0x3] =	sbarrier.arrive $0xFFFF  }
0xa7: {  	_ =	shalt  }

// kernel: kernel.8.cloned.1.call-start
scs
__scs_entry_jumppad:
0x0: {  	(pc) =	sbr.rel $0x88, $3  }
0x1: {  	(tag) =	ssettag $0x0;
	lr =	simm.s32 $0x1  }
0x2: {  	[smem:$0x3F8C] =	sst lr;
	_ =	strace $0xD0000000  }
0x3: {  	_ = 	snop  }
0x4: {  	_ = 	snop  }
0x5: {  	_ = 	snop  }
0x6: {  	_ = 	snop  }
0x7: {  	_ = 	snop  }
__scs_overlays_trampoline_lowered:
0x8: {  	[smem:$0x3F9B] =	sst s0  }
0x9: {  	[smem:$0x3F9C] =	sst s1  }
0xa: {  	[smem:$0x3F9D] =	sst s2  }
0xb: {  	[smem:$0x3F9E] =	sst s3  }
0xc: {  	[smem:$0x3F9F] =	sst s4  }
0xd: {  	[smem:$0x3FA0] =	sst s5  }
0xe: {  	[smem:$0x3FA1] =	sst s6  }
0xf: {  	[smem:$0x3FA2] =	sst s7  }
0x10: {  	[smem:$0x3FA3] =	sst s8  }
0x11: {  	[smem:$0x3FA4] =	sst s9;
	s0 =	simm.s32 @!p0 $0x0  }
0x12: {  	s1 =	sld [smem:$0x3F8A];
	s0 =	simm.s32 @p0 $0x1  }
0x13: {  	[smem:$0x3FA5] =	sst s0;
	s0 =	simm.s32 @!p1 $0x0  }
0x14: {  	s2 =	sld [smem:$0x3F89];
	s0 =	simm.s32 @p1 $0x1  }
0x15: {  	[smem:$0x3FA6] =	sst s0;
	s0 =	simm.s32 @!p2 $0x0  }
0x16: {  	s3 =	sld [smem:$0x3FDB];
	s0 =	simm.s32 @p2 $0x1  }
0x17: {  	s4 =	simm.s32 $0x1BF5;
	[smem:$0x3FA8] =	sst s0  }
0x18: {  	s0 =	sld [smem:$0x3F8B];
	_ =	swait.ge [sflag:s4], $0x0  }
0x19: {  	s7 =	sld [smem:$0x3F8C]  }
0x1a: {  	s8 =	sadd.s32 $0xFFFFE003, lr  }
0x1b: {  	s9 =	sadd.s32 $0xFFFFFEF7, lr;
	s5 =	simm.s32 $0xFFFFFFFF;
	p2 =	slt.u32 s8, $0xFFFFF086  }
0x1c: {  	p1 =	slt.u32 s9, $0xF7A;
	s5 =	simm.s32 @!p2 $0x0  }
0x1d: {  	s5 =	simm.s32 @p1 $0x1;
	p0 =	seq.s32 s7, s2  }
0x1e: {  	s7 =	smul.u32 @!p0 $0xF7A, s2;
	p2 =	seq.s32 @!p0 s5, $0x0  }
0x1f: {  	s9 =	smul.u32 $0xF7A, s1;
	s8 =	simm.s32 @!p0 $0x1BF5;
	p2 =	por !p2, p0  }
0x20: {  	[sflag:s8] =	ssyncset.s32 @!p0 $0xFFFFF086;
	s6 =	sadd.s32 @!p0 s3, s7;
	s7 =	simm.s32 @!p0 $0x108  }
0x21: {  	s3 =	sadd.s32 s3, s9;
	s6 =	sadd.s32 @!p0 $0x88, s6;
	s7 =	simm.s32 @p2 $0x1082  }
0x22: {  	[simem:s7], [sflag:s8] =	dma.local @!p0 [hbm:s6], $0xF7A  }
0x23: {  	s9 =	sor.u32 $0xD0000000, s2;
	s6 =	simm.s32 $0x108;
	_ =	swait.ge @!p0 [sflag:s8], $0x0  }
0x24: {  	s3 =	sadd.s32 $0x88, s3;
	s6 =	simm.s32 @!p1 $0x1082;
	[sflag:s4] =	ssyncset.s32 $0xFFFFF086  }
0x25: {  	[simem:s6], [sflag:s4] =	dma.local [hbm:s3], $0xF7A  }
0x26: {  	[smem:$0x3F8C] =	sst s1;
	(tag) =	ssettag s2;
	_ =	strace s9  }
0x27: {  	s1 =	sld [smem:$0x3F9C]  }
0x28: {  	s2 =	sld [smem:$0x3F9D]  }
0x29: {  	s4 =	sld [smem:$0x3F9F]  }
0x2a: {  	p0 =	seq.s32 s5, $0x0;
	s5 =	sld [smem:$0x3FA0]  }
0x2b: {  	s6 =	sld [smem:$0x3FA1]  }
0x2c: {  	s7 =	sld [smem:$0x3FA2]  }
0x2d: {  	s3 =	simm.s32 $0x108;
	s8 =	sld [smem:$0x3FA3]  }
0x2e: {  	s3 =	simm.s32 @!p0 $0x1082;
	s9 =	sld [smem:$0x3FA4]  }
0x2f: {  	lr =	sadd.s32 s0, s3;
	s0 =	sld [smem:$0x3F9B]  }
0x30: {  	s3 =	sld [smem:$0x3F9E]  }
0x31: {  	[smem:$0x3FA7] =	sst s10  }
0x32: {  	s10 =	sld [smem:$0x3FA5];
	_ =	sdelay $0x3  }
0x33: {  	p0 =	seq.s32 s10, $0x1;
	s10 =	sld [smem:$0x3FA7];
	_ =	sdelay $0x3  }
0x34: {  	[smem:$0x3FA7] =	sst s10  }
0x35: {  	s10 =	sld [smem:$0x3FA6];
	_ =	sdelay $0x3  }
0x36: {  	p1 =	seq.s32 s10, $0x1;
	s10 =	sld [smem:$0x3FA7];
	_ =	sdelay $0x3  }
0x37: {  	[smem:$0x3FA7] =	sst s10  }
0x38: {  	s10 =	sld [smem:$0x3FA8]  }
0x39: {  	_ = 	snop;
	(pc) =	sbr.ind lr, $3  }
0x3a: {  	_ = 	snop  }
0x3b: {  	_ = 	snop  }
0x3c: {  	p2 =	seq.s32 s10, $0x1;
	s10 =	sld [smem:$0x3FA7]  }
0x3d: {  	_ =	shalt  }
0x3e: {  	_ =	shalt  }
0x3f: {  	_ =	shalt  }
0x40: {  	_ =	shalt  }
0x41: {  	_ =	shalt  }
0x42: {  	_ =	shalt  }
0x43: {  	_ =	shalt  }
0x44: {  	_ =	shalt  }
0x45: {  	_ =	shalt  }
0x46: {  	_ =	shalt  }
0x47: {  	_ =	shalt  }
0x48: {  	_ =	shalt  }
0x49: {  	_ =	shalt  }
0x4a: {  	_ =	shalt  }
0x4b: {  	_ =	shalt  }
0x4c: {  	_ =	shalt  }
0x4d: {  	_ =	shalt  }
0x4e: {  	_ =	shalt  }
0x4f: {  	_ =	shalt  }
0x50: {  	_ =	shalt  }
0x51: {  	_ =	shalt  }
0x52: {  	_ =	shalt  }
0x53: {  	_ =	shalt  }
0x54: {  	_ =	shalt  }
0x55: {  	_ =	shalt  }
0x56: {  	_ =	shalt  }
0x57: {  	_ =	shalt  }
0x58: {  	_ =	shalt  }
0x59: {  	_ =	shalt  }
0x5a: {  	_ =	shalt  }
0x5b: {  	_ =	shalt  }
0x5c: {  	_ =	shalt  }
0x5d: {  	_ =	shalt  }
0x5e: {  	_ =	shalt  }
0x5f: {  	_ =	shalt  }
0x60: {  	_ =	shalt  }
0x61: {  	_ =	shalt  }
0x62: {  	_ =	shalt  }
0x63: {  	_ =	shalt  }
0x64: {  	_ =	shalt  }
0x65: {  	_ =	shalt  }
0x66: {  	_ =	shalt  }
0x67: {  	_ =	shalt  }
0x68: {  	_ =	shalt  }
0x69: {  	_ =	shalt  }
0x6a: {  	_ =	shalt  }
0x6b: {  	_ =	shalt  }
0x6c: {  	_ =	shalt  }
0x6d: {  	_ =	shalt  }
0x6e: {  	_ =	shalt  }
0x6f: {  	_ =	shalt  }
0x70: {  	_ =	shalt  }
0x71: {  	_ =	shalt  }
0x72: {  	_ =	shalt  }
0x73: {  	_ =	shalt  }
0x74: {  	_ =	shalt  }
0x75: {  	_ =	shalt  }
0x76: {  	_ =	shalt  }
0x77: {  	_ =	shalt  }
0x78: {  	_ =	shalt  }
0x79: {  	_ =	shalt  }
0x7a: {  	_ =	shalt  }
0x7b: {  	_ =	shalt  }
0x7c: {  	_ =	shalt  }
0x7d: {  	_ =	shalt  }
0x7e: {  	_ =	shalt  }
0x7f: {  	_ =	shalt  }
0x80: {  	_ =	shalt  }
0x81: {  	_ =	shalt  }
0x82: {  	_ =	shalt  }
0x83: {  	_ =	shalt  }
0x84: {  	_ =	shalt  }
0x85: {  	_ =	shalt  }
0x86: {  	_ =	shalt  }
0x87: {  	_ =	shalt  }
.Lfunc_end0:
.L_simem_size_0:
called_computation_lowered:
.L_overlay_start_0:
0x88: {  	s2 =	sld [smem:$0x3FD9]  }
0x89: {  	s3 =	sld [smem:$0x3FFE];
	_ =	sdelay $0x1  }
0x8a: {  	s1 =	srdreg.scid  }
0x8b: {  	s0 =	sand.u32 $0x1, s1  }
0x8c: {  	s16 =	sshll.u32 s0, $0xA;
	s2 =	sadd.s32 s3, s2  }
0x8d: {  	s2 =	sadd.s32 s2, s16  }
0x8e: {  	[smem:$0x3FB3] =	sst s2  }
0x8f: {  	_ = 	snop  }
0x90: {  	(tm) =	ssettm $0x1  }
0x91: {  	s17 =	sld [smem:$0x3FFB];
	_ =	sdelay $0x3  }
0x92: {  	_ =	strace s17  }
0x93: {  	s2 =	sld [smem:$0x3FFC];
	_ =	sdelay $0x3  }
0x94: {  	_ =	strace s2  }
0x95: {  	s2 =	sld [smem:$0x3FFD];
	_ =	sdelay $0x3  }
0x96: {  	_ =	strace s2  }
0x97: {  	_ =	strace $0x8FFFFFFF  }
0x98: {  	s18 =	sld [smem:$0x3FDB];
	_ =	sdelay $0x1  }
0x99: {  	s19 =	simm.s32 $_scs_section_size  }
0x9a: {  	s4 =	simm.s32 $_size__tile_overlayer_lowered;
	s5 =	simm.s32 $_tile_overlayer_lowered  }
0x9b: {  	s22 =	simm.s32 $0x1BFF;
	s21 =	sshll.u32 s5, $0x1;
	s2 =	sadd.s32 s19, s18  }
0x9c: {  	s6 =	simm.s32 $0x0;
	s20 =	sshll.u32 s4, $0x1;
	s4 =	sadd.s32 s21, s2  }
0x9d: {  	[timem:s6], [sflag:s22] =	dma.local [hbm:s4], s20  }
0x9e: {  	_ =	swait.ge [sflag:s22], s20  }
0x9f: {  	s3 =	ssub.s32 $0x0, s20;
	[sflag:s22] =	ssyncset.done $0x0  }
0xa0: {  	[sflag:s22] =	ssyncadd.s32 s3;
	_ =	sdelay $0x1  }
0xa1: {  	s23 =	simm.s32 $0x1B8B  }
0xa2: {  	_ =	swait.ge [sflag:s23], $0x1  }
0xa3: {  	[sflag:s23] =	ssyncset.done $0x0  }
0xa4: {  	s25 =	simm.s32 $0x1B8E;
	s24 =	sld [smem:$0x3FFE];
	[sflag:s23] =	ssyncadd.s32 $0xFFFFFFFF  }
0xa5: {  	s26 =	simm.s32 $execute0_lowered;
	[smem:$0x3FD2] =	sst s25  }
0xa6: {  	s4 =	sshll.u32 s26, $0x1;
	_ =	strace $0x80000046;
	[dreg:$0x1] =	wrdreg $0xFFFFFFFF  }
0xa7: {  	s28 =	simm.s32 $_size_execute0_lowered;
	s2 =	sadd.s32 s2, s4;
	[dreg:$0x0] =	wrdreg $0x0  }
0xa8: {  	s4 =	sshll.u32 s28, $0x1;
	[dreg:$0x2] =	wrdreg s2  }
0xa9: {  	[dreg:$0x3] =	wrdreg s4  }
0xaa: {  	[dreg:$0x4] =	wrdreg $0xC0  }
0xab: {  	_ =	task [dreg:s6], $0x5FFFF  }
0xac: {  	[dreg:$0x1] =	wrdreg $0xFFFFFFFF  }
0xad: {  	[dreg:$0x0] =	wrdreg $0x60  }
0xae: {  	[dreg:$0x2] =	wrdreg s24  }
0xaf: {  	[dreg:$0x3] =	wrdreg $0xADC00  }
0xb0: {  	[dreg:$0x4] =	wrdreg $0x9  }
0xb1: {  	_ =	task.clear_ibuf [dreg:s6], $0x5FFFF;
	_ =	strace $0x90000046  }
0xb2: {  	s29 =	simm.s32 $0x9;
	_ =	strace $0x80000048  }
0xb3: {  	_ =	swait.ge [sflag:s29], $0x1  }
0xb4: {  	[sflag:s29] =	ssyncadd.s32 $0xFFFFFFFF  }
0xb5: {  	_ =	strace $0x90000048  }
0xb6: {  	_ =	sfence  }
0xb7: {  	s30 =	sld [smem:$0x0];
	_ =	sdelay $0x2  }
0xb8: {  	s31 =	sshll.u32 s1, $0xD;
	s1 =	sshrl.u32 s1, $0x2  }
0xb9: {  	s3 =	sand.u32 $0x4000, s31;
	s1 =	sadd.s32 s1, s30  }
0xba: {  	s0 =	sor.u32 s3, s0;
	s1 =	sshll.u32 s1, $0x11  }
0xbb: {  	s0 =	sor.u32 s1, s0  }
0xbc: {  	s0 =	sadd.s32 $0x8F2B, s0  }
0xbd: {  	[sflag:s0] =	ssyncadd.remote.s32 $0x1  }
0xbe: {  	_ =	sfence.sel $0xFFFF  }
0xbf: {  	[dreg:$0x0] =	wrdreg $0xFFFFFFFF;
	(pc) =	sbr.abs _section_cstart, $3  }
0xc0: {  	[dreg:$0x1] =	wrdreg $0xFFFFFFFF  }
0xc1: {  	_ =	task.clear_ibuf [dreg:s6], $0x2FFFF;
	_ =	strace $0x9FFFFFFF  }
0xc2: {  	(tm) =	ssettm $0x7FFFFFFF  }
0xc3: {  	_ =	shalt  }
tec
execute0_lowered:
.L_overlay_start_1:
0x0: {  	(tag) =	ssettag $0x1  }
0x1: {  	s0 =	srdreg.scid  }
0x2: {  	s12 =	stileid.u32;
	s5 =	rddreg [dreg:$0x0]  }
0x3: {  	s2 =	rddreg [dreg:$0x1];
	s3 =	simm.s32 $0x0;
	s13 =	simm.s32 $0x7D  }
0x4: {  	s17 =	simm.s32 $0x100;
	s18 =	simm.s32 $0x6F40;
	s19 =	simm.s32 $0x180  }
0x5: {  	s20 =	simm.s32 $0x7EE0;
	s21 =	simm.s32 $0x200;
	s22 =	simm.s32 $0x8E80  }
0x6: {  	s23 =	simm.s32 $0x7;
	s24 =	simm.s32 $0x8;
	s25 =	simm.s32 $0x9  }
0x7: {  	s26 =	simm.s32 $0xA;
	s28 =	simm.s32 $0xB;
	s29 =	simm.s32 $0xC  }
0x8: {  	s30 =	simm.s32 $0x0;
	s0 =	sand.u32 $0x1, s0;
	s1 =	sshll.u32 s12, $0x1  }
0x9: {  	s6 =	smul.u32 $0x5000, s12;
	[smem:$0x7FF] =	sst s3;
	s4 =	sadd.s32 $0x17000, s5  }
0xa: {  	s31 =	sshll.u32 s12, $0x6;
	s12 =	simm.s32 $0xD;
	s1 =	sor.u32 s0, s1  }
0xb: {  	s7 =	smul.u32 $0x50000, s0;
	_ =	strace $0x80000047;
	s0 =	ssub.s32 $0x2, s0  }
0xc: {  	s1 =	smul.u32 $0x500, s1;
	s8 =	sshrl.u32 s6, $0x3;
	s9 =	sshrl.u32 s0, $0x1  }
.Ltmp0:
0xd: {  	s11 =	sadd.s32 s6, s2;
	s7 =	sadd.s32 s6, s7;
	(pc) =	sbr.rel .LBB2_1-.Ltmp0, $4  }
0xe: {  	s8 =	sadd.s32 s8, s5;
	s0 =	ssub.s32 s0, s9;
	s6 =	sor.u32 $0x1C0D, s31  }
0xf: {  	s11 =	sshrl.u32 s11, $0x3;
	s1 =	sadd.s32 s1, s5;
	s7 =	sshrl.u32 s7, $0x3  }
0x10: {  	s10 =	sadd.s32 s7, s5;
	s5 =	sadd.s32 $0x20E00, s8;
	s7 =	sadd.s32 $0xD000, s1  }
0x11: {  	s8 =	sadd.s32 $0x3000, s1;
	s9 =	sadd.s32 $0x2AE00, s10;
	s10 =	smax.u32 s0, $0x1  }
.LBB2_6:
0x12: {  	_ =	swait.ge [sflag:s23], $0xFA0  }
0x13: {  	[sflag:s23] =	ssyncset.done $0x0  }
0x14: {  	[sflag:s23] =	ssyncadd.s32 $0xFFFFF060  }
0x15: {  	_ =	swait.ge [sflag:s24], $0xFA0  }
0x16: {  	[sflag:s24] =	ssyncset.done $0x0  }
0x17: {  	[sflag:s24] =	ssyncadd.s32 $0xFFFFF060  }
0x18: {  	_ =	swait.ge [sflag:s25], $0xFA0  }
0x19: {  	[sflag:s25] =	ssyncset.done $0x0  }
0x1a: {  	[sflag:s25] =	ssyncadd.s32 $0xFFFFF060  }
0x1b: {  	_ =	swait.ge [sflag:s26], $0xFA0  }
0x1c: {  	[sflag:s26] =	ssyncset.done $0x0  }
0x1d: {  	[sflag:s26] =	ssyncadd.s32 $0xFFFFF060  }
0x1e: {  	_ =	swait.ge [sflag:s28], $0xFA0  }
0x1f: {  	[sflag:s28] =	ssyncset.done $0x0  }
0x20: {  	[sflag:s28] =	ssyncadd.s32 $0xFFFFF060  }
0x21: {  	_ =	swait.ge [sflag:s29], $0xFA0  }
0x22: {  	s30 =	sadd.s32 $0x1, s30;
	[sflag:s29] =	ssyncset.done $0x0  }
0x23: {  	p0 =	sne.s32 s30, s10;
	[sflag:s29] =	ssyncadd.s32 $0xFFFFF060  }
.Ltmp1:
0x24: {  	[bflag:$0x0] =	sbarrier.arrive $0xFFFF;
	(pc) =	sbr.rel @!p0 .LBB2_7-.Ltmp1, $4  }
0x25: {  	[hbm:s9], [sflag:s6] =	dma.local [spmem:s11], $0xA00  }
0x26: {  	_ =	swait.ge [sflag:s12], $0xA00  }
0x27: {  	[sflag:s12] =	ssyncset.done $0x0  }
0x28: {  	[sflag:s12] =	ssyncadd.s32 $0xFFFFF600  }
.LBB2_1:
0x29: {  	[spmem:s11], [sflag:s6] =	dma.local [hbm:s5], $0xA00  }
0x2a: {  	_ =	swait.ge [sflag:s12], $0xA00  }
0x2b: {  	[sflag:s12] =	ssyncset.done $0x0  }
0x2c: {  	[sflag:s12] =	ssyncadd.s32 $0xFFFFF600  }
0x2d: {  	[tilespmem:s3], [sflag:$0xD] =	stream.linear.gather [hbm4b:s7+s3], $0x2800, $0x38;
	[tilespmem:$0xFDC0] =	vst v63  }
0x2e: {  	_ =	swait.ge [sflag:s12], $0x2800  }
0x2f: {  	[sflag:s12] =	ssyncset.done $0x0  }
0x30: {  	s31 =	simm.s32 $0x2800;
	[sflag:s12] =	ssyncadd.s32 $0xFFFFD800  }
0x31: {  	[tilespmem:s31], [sflag:$0xD] =	stream.linear.gather [hbm4b:s8+s3], $0x2800, $0x38;
	[tilespmem:$0xFDC0] =	vst v63  }
0x32: {  	_ =	swait.ge [sflag:s12], $0x2800  }
0x33: {  	[sflag:s12] =	ssyncset.done $0x0  }
0x34: {  	[sflag:s12] =	ssyncadd.s32 $0xFFFFD800  }
0x35: {  	s0 =	simm.s32 $0x5000;
	[bflag:$0x0] =	sbarrier.arrive $0xFFFF  }
0x36: {  	[tilespmem:s0], [sflag:$0x1] =	stream.indirect.gather [hbm4b:s4+s13], $0x20, s3, s13, $0xb8;
	[tilespmem:$0xFDC0] =	vst v63  }
0x37: {  	s16 =	simm.s32 $0x80;
	s1 =	simm.s32 $0x5FA0  }
0x38: {  	[tilespmem:s1], [sflag:$0x2] =	stream.indirect.gather [hbm4b:s4+s13], $0x20, s16, s13, $0xb8;
	[tilespmem:$0xFDC0] =	vst v63  }
0x39: {  	_ = 	snop  }
0x3a: {  	[tilespmem:s18], [sflag:$0x3] =	stream.indirect.gather [hbm4b:s4+s13], $0x20, s17, s13, $0xb8;
	[tilespmem:$0xFDC0] =	vst v63  }
.Ltmp2:
0x3b: {  	_ = 	snop;
	(pc) =	sbr.rel .LBB2_2-.Ltmp2, $4  }
0x3c: {  	_ = 	snop  }
0x3d: {  	[tilespmem:s20], [sflag:$0x4] =	stream.indirect.gather [hbm4b:s4+s13], $0x20, s19, s13, $0xb8;
	[tilespmem:$0xFDC0] =	vst v63  }
0x3e: {  	s0 =	simm.s32 $0x0;
	s1 =	simm.s32 $0x280  }
0x3f: {  	[tilespmem:s22], [sflag:$0x5] =	stream.indirect.gather [hbm4b:s4+s13], $0x20, s21, s13, $0xb8;
	[tilespmem:$0xFDC0] =	vst v63  }
.LBB2_4:
0x40: {  	p0 =	seq.s32 s14, $0x3  }
0x41: {  	s15 =	simm.s32 @p0 $0x4  }
0x42: {  	_ =	swait.ge @p0 [sflag:s15], $0xFA0  }
0x43: {  	p1 =	sgt.u32 @p0 s0, $0x4A;
	s16 =	simm.s32 @p0 $0x7EE0;
	[sflag:s15] =	ssyncset.done @p0 $0x0  }
0x44: {  	p1 =	por p1, !p0;
	[sflag:s15] =	ssyncadd.s32 @p0 $0xFFFFF060;
	s15 =	simm.s32 @p0 $0x7D  }
0x45: {  	[spmem:s2] =	stream.indirect.scatter.add.f32 @p0 [tilespmem:s16], [sflag:$0xA], $0x20, s31, s15, $0xb8;
	[tilespmem:$0xFDC0] =	vst v63  }
0x46: {  	s15 =	simm.s32 @!p1 $0x9  }
0x47: {  	_ =	swait.ge @!p1 [sflag:s15], $0xFA0  }
0x48: {  	[sflag:s15] =	ssyncset.done @!p1 $0x0  }
0x49: {  	s16 =	simm.s32 @!p1 $0x6F40;
	[sflag:s15] =	ssyncadd.s32 @!p1 $0xFFFFF060;
	s15 =	simm.s32 @!p1 $0x7D  }
0x4a: {  	[tilespmem:s16], [sflag:$0x3] =	stream.indirect.gather @!p1 [hbm4b:s4+s15], $0x20, s1, s15, $0xb8;
	[tilespmem:$0xFDC0] =	vst v63  }
0x4b: {  	p1 =	seq.s32 @!p0 s14, $0x4  }
0x4c: {  	p2 =	por !p1, p0  }
0x4d: {  	s14 =	simm.s32 @!p2 $0x5  }
0x4e: {  	_ =	swait.ge @!p2 [sflag:s14], $0xFA0  }
0x4f: {  	p3 =	sgt.u32 @!p2 s0, $0x4A;
	[sflag:s14] =	ssyncset.done @!p2 $0x0  }
0x50: {  	s15 =	simm.s32 @!p2 $0x8E80;
	[sflag:s14] =	ssyncadd.s32 @!p2 $0xFFFFF060;
	s14 =	simm.s32 @!p2 $0x7D  }
0x51: {  	[spmem:s2] =	stream.indirect.scatter.add.f32 @!p2 [tilespmem:s15], [sflag:$0xB], $0x20, s31, s14, $0xb8;
	[tilespmem:$0xFDC0] =	vst v63  }
0x52: {  	p2 =	por @!p0 p3, !p1  }
0x53: {  	p2 =	por p2, p0  }
0x54: {  	s14 =	simm.s32 @!p2 $0xA  }
0x55: {  	_ =	swait.ge @!p2 [sflag:s14], $0xFA0  }
0x56: {  	[sflag:s14] =	ssyncset.done @!p2 $0x0  }
0x57: {  	s15 =	simm.s32 @!p2 $0x7EE0;
	[sflag:s14] =	ssyncadd.s32 @!p2 $0xFFFFF060;
	s14 =	simm.s32 @!p2 $0x7D  }
0x58: {  	[tilespmem:s15], [sflag:$0x4] =	stream.indirect.gather @!p2 [hbm4b:s4+s14], $0x20, s1, s14, $0xb8;
	[tilespmem:$0xFDC0] =	vst v63  }
0x59: {  	p2 =	por p1, p0  }
0x5a: {  	s14 =	simm.s32 @!p2 $0x6  }
0x5b: {  	p3 =	sgt.u32 @!p2 s0, $0x4A;
	_ =	swait.ge @!p2 [sflag:s14], $0xFA0  }
0x5c: {  	s15 =	simm.s32 @!p2 $0x9E20;
	p1 =	por @!p0 p3, p1;
	[sflag:s14] =	ssyncset.done @!p2 $0x0  }
0x5d: {  	p0 =	por p1, p0;
	[sflag:s14] =	ssyncadd.s32 @!p2 $0xFFFFF060;
	s14 =	simm.s32 @!p2 $0x7D  }
0x5e: {  	[spmem:s2] =	stream.indirect.scatter.add.f32 @!p2 [tilespmem:s15], [sflag:$0xC], $0x20, s31, s14, $0xb8;
	[tilespmem:$0xFDC0] =	vst v63  }
0x5f: {  	s14 =	simm.s32 @!p0 $0xB  }
0x60: {  	_ =	swait.ge @!p0 [sflag:s14], $0xFA0  }
0x61: {  	[sflag:s14] =	ssyncset.done @!p0 $0x0  }
0x62: {  	s15 =	simm.s32 @!p0 $0x8E80;
	[sflag:s14] =	ssyncadd.s32 @!p0 $0xFFFFF060;
	s14 =	simm.s32 @!p0 $0x7D  }
0x63: {  	[tilespmem:s15], [sflag:$0x5] =	stream.indirect.gather @!p0 [hbm4b:s4+s14], $0x20, s1, s14, $0xb8;
	[tilespmem:$0xFDC0] =	vst v63  }
.LBB2_5:
0x64: {  	s0 =	sadd.s32 $0x1, s0  }
0x65: {  	p0 =	sne.s32 s0, $0x50  }
.Ltmp3:
0x66: {  	_ = 	snop;
	(pc) =	sbr.rel @!p0 .LBB2_6-.Ltmp3, $2  }
0x67: {  	_ =	sdelay $0x2  }
0x68: {  	s1 =	sadd.s32 $0x80, s1;
	s31 =	sadd.s32 $0x80, s31  }
.LBB2_2:
0x69: {  	s14 =	smul.u32 $0xAB, s0;
	_ =	sdelay $0x1  }
0x6a: {  	s14 =	sshrl.u32 s14, $0xA  }
0x6b: {  	s14 =	sand.u32 $0x3F, s14  }
0x6c: {  	s14 =	smul.u32 $0x6, s14;
	_ =	sdelay $0x1  }
0x6d: {  	s14 =	ssub.s32 s0, s14  }
0x6e: {  	s14 =	sand.u32 $0xFF, s14  }
0x6f: {  	p0 =	sgt.s32 s14, $0x2  }
.Ltmp4:
0x70: {  	_ = 	snop;
	(pc) =	sbr.rel @p0 .LBB2_4-.Ltmp4, $1  }
0x71: {  	_ =	sdelay $0x3  }
0x72: {  	p0 =	seq.s32 s14, $0x0  }
0x73: {  	s15 =	simm.s32 @p0 $0x1;
	p1 =	sgt.u32 @p0 s0, $0x4A  }
0x74: {  	_ =	swait.ge @p0 [sflag:s15], $0xFA0;
	p2 =	por p1, !p0  }
0x75: {  	s16 =	simm.s32 @p0 $0x5000;
	[sflag:s15] =	ssyncset.done @p0 $0x0;
	p3 =	seq.s32 @!p2 s0, $0x0  }
0x76: {  	[sflag:s15] =	ssyncadd.s32 @p0 $0xFFFFF060;
	s15 =	simm.s32 @p0 $0x7D;
	p1 =	por @p0 p3, p1  }
0x77: {  	[spmem:s2] =	stream.indirect.scatter.add.f32 @p0 [tilespmem:s16], [sflag:$0x7], $0x20, s31, s15, $0xb8;
	[tilespmem:$0xFDC0] =	vst v63  }
0x78: {  	p1 =	por p1, !p0  }
0x79: {  	s15 =	simm.s32 @!p1 $0xC  }
0x7a: {  	_ =	swait.ge @!p1 [sflag:s15], $0xFA0  }
0x7b: {  	s16 =	simm.s32 @!p2 $0x9E20;
	[sflag:s15] =	ssyncset.done @!p1 $0x0  }
0x7c: {  	[sflag:s15] =	ssyncadd.s32 @!p1 $0xFFFFF060;
	s15 =	simm.s32 @!p2 $0x7D;
	p1 =	seq.s32 @!p0 s14, $0x1  }
0x7d: {  	[tilespmem:s16], [sflag:$0x6] =	stream.indirect.gather @!p2 [hbm4b:s4+s15], $0x20, s1, s15, $0xb8;
	[tilespmem:$0xFDC0] =	vst v63  }
0x7e: {  	p2 =	por !p1, p0  }
0x7f: {  	s14 =	simm.s32 @!p2 $0x2  }
0x80: {  	_ =	swait.ge @!p2 [sflag:s14], $0xFA0  }
0x81: {  	p3 =	sgt.u32 @!p2 s0, $0x4A;
	[sflag:s14] =	ssyncset.done @!p2 $0x0  }
0x82: {  	s15 =	simm.s32 @!p2 $0x5FA0;
	[sflag:s14] =	ssyncadd.s32 @!p2 $0xFFFFF060;
	s14 =	simm.s32 @!p2 $0x7D  }
0x83: {  	[spmem:s2] =	stream.indirect.scatter.add.f32 @!p2 [tilespmem:s15], [sflag:$0x8], $0x20, s31, s14, $0xb8;
	[tilespmem:$0xFDC0] =	vst v63  }
0x84: {  	p2 =	por @!p0 p3, !p1  }
0x85: {  	p2 =	por p2, p0  }
0x86: {  	s14 =	simm.s32 @!p2 $0x7  }
0x87: {  	_ =	swait.ge @!p2 [sflag:s14], $0xFA0  }
0x88: {  	[sflag:s14] =	ssyncset.done @!p2 $0x0  }
0x89: {  	s15 =	simm.s32 @!p2 $0x5000;
	[sflag:s14] =	ssyncadd.s32 @!p2 $0xFFFFF060;
	s14 =	simm.s32 @!p2 $0x7D  }
0x8a: {  	[tilespmem:s15], [sflag:$0x1] =	stream.indirect.gather @!p2 [hbm4b:s4+s14], $0x20, s1, s14, $0xb8;
	[tilespmem:$0xFDC0] =	vst v63  }
0x8b: {  	p2 =	por p1, p0  }
0x8c: {  	s14 =	simm.s32 @!p2 $0x3  }
0x8d: {  	p3 =	sgt.u32 @!p2 s0, $0x4A;
	_ =	swait.ge @!p2 [sflag:s14], $0xFA0  }
0x8e: {  	s15 =	simm.s32 @!p2 $0x6F40;
	p1 =	por @!p0 p3, p1;
	[sflag:s14] =	ssyncset.done @!p2 $0x0  }
0x8f: {  	p0 =	por p1, p0;
	[sflag:s14] =	ssyncadd.s32 @!p2 $0xFFFFF060;
	s14 =	simm.s32 @!p2 $0x7D  }
0x90: {  	[spmem:s2] =	stream.indirect.scatter.add.f32 @!p2 [tilespmem:s15], [sflag:$0x9], $0x20, s31, s14, $0xb8;
	[tilespmem:$0xFDC0] =	vst v63  }
.Ltmp5:
0x91: {  	s14 =	simm.s32 @!p0 $0x8;
	(pc) =	sbr.rel .LBB2_5-.Ltmp5, $4  }
0x92: {  	_ =	swait.ge @!p0 [sflag:s14], $0xFA0  }
0x93: {  	[sflag:s14] =	ssyncset.done @!p0 $0x0  }
0x94: {  	s15 =	simm.s32 @!p0 $0x5FA0;
	[sflag:s14] =	ssyncadd.s32 @!p0 $0xFFFFF060;
	s14 =	simm.s32 @!p0 $0x7D  }
0x95: {  	[tilespmem:s15], [sflag:$0x2] =	stream.indirect.gather @!p0 [hbm4b:s4+s14], $0x20, s1, s14, $0xb8;
	[tilespmem:$0xFDC0] =	vst v63  }
.LBB2_7:
0x96: {  	_ =	sfence.sel $0x180000  }
0x97: {  	[bflag:$0x0] =	sbarrier.arrive $0xFFFF  }
0x98: {  	_ =	strace $0x90000047  }
0x99: {  	s0 =	stileid.u32;
	[bflag:$0x2] =	sbarrier.arrive $0xFFFF  }
0x9a: {  	p0 =	sne.s32 s0, $0x0;
	s0 =	rddreg [dreg:$0x2]  }
0x9b: {  	s0 =	sadd.s32 @!p0 $0x100000, s0  }
0x9c: {  	[sflag:s0] =	ssyncadd.tile.s32 @!p0 $0x1;
	_ =	shalt  }
.Lfunc_end2:
_tile_overlayer_lowered:
.L_overlay_start_2:
0x9d: {  	(tag) =	ssettag $0x2  }
0x9e: {  	s0 =	rddreg [dreg:$0x0];
	s2 =	stileid.u32  }
0x9f: {  	s1 =	rddreg [dreg:$0x1];
	p0 =	sne.s32 s2, $0x0  }
0xa0: {  	s3 =	rddreg [dreg:$0x2];
	[bflag:$0x3] =	sbarrier.arrive $0xFFFF;
	s2 =	simm.s32 @!p0 $0x1C0D  }
0xa1: {  	[timem:s3], [sflag:s2] =	dma.local @!p0 [hbm:s0], s1  }
0xa2: {  	s0 =	simm.s32 @!p0 $0xD  }
0xa3: {  	_ =	swait.ge @!p0 [sflag:s0], s1  }
0xa4: {  	s1 =	ssub.s32 @!p0 $0x0, s1;
	[sflag:s0] =	ssyncset.done @!p0 $0x0  }
0xa5: {  	[sflag:s0] =	ssyncadd.s32 @!p0 s1  }
0xa6: {  	[bflag:$0x3] =	sbarrier.arrive $0xFFFF  }
0xa7: {  	_ =	shalt  }

</sc_bundles>
